<compile_context>
chip_gen: v7x
topology: tpu7x:2x2x1
jax: 0.10.2.dev20260603
libtpu: 0.0.44.dev20260713+nightly
codegen_flags: <defaults>
</compile_context>

<pallas_src>
import functools

import jax
import jax.numpy as jnp
from jax import lax
from jax.experimental import pallas as pl
from jax.experimental.pallas import tpu as pltpu
from jax.experimental.pallas import tpu_sc as plsc

N_NODES = 10000
N_EDGES = 320000
D_IN = 128
D_HID = 128
D_OUT = 64

NC = 2
NS = 16
NW = NC * NS
CHUNK = 112
BLK = 6
NBLK = 15
N_CHUNKS = NBLK * BLK
NBUF = 3
E_PAD = NW * N_CHUNKS * CHUNK
N_PAD = 10240
RPT = N_PAD // NS
TRASH = N_NODES



def _relu_mm_body(p0_ref, p1_ref, w_ref, b_ref, o_ref):
    agg = p0_ref[0] + p1_ref[0]
    o_ref[...] = jnp.maximum(
        jnp.dot(agg, w_ref[...], preferred_element_type=jnp.float32)
        + b_ref[...], 0.0)


def _relu_matmul1(partials, w1, b1):
    blk = 1024
    return pl.pallas_call(
        _relu_mm_body,
        grid=(N_PAD // blk,),
        in_specs=[
            pl.BlockSpec((1, blk, D_IN), lambda i: (0, i, 0)),
            pl.BlockSpec((1, blk, D_IN), lambda i: (1, i, 0)),
            pl.BlockSpec((D_IN, D_HID), lambda i: (0, 0)),
            pl.BlockSpec((1, D_HID), lambda i: (0, 0)),
        ],
        out_specs=pl.BlockSpec((blk, D_HID), lambda i: (i, 0)),
        out_shape=jax.ShapeDtypeStruct((N_PAD, D_HID), jnp.float32),
    )(partials, partials, w1, b1.reshape(1, D_HID))


def _mm2_body(p0_ref, p1_ref, w_ref, b_ref, o_ref):
    agg = p0_ref[0] + p1_ref[0]
    o_ref[...] = jnp.dot(agg, w_ref[...],
                         preferred_element_type=jnp.float32) + b_ref[...]


def _final_matmul2(partials, w2, b2):
    blk = 1000
    return pl.pallas_call(
        _mm2_body,
        grid=(N_NODES // blk,),
        in_specs=[
            pl.BlockSpec((1, blk, D_HID), lambda i: (0, i, 0)),
            pl.BlockSpec((1, blk, D_HID), lambda i: (1, i, 0)),
            pl.BlockSpec((D_HID, D_OUT), lambda i: (0, 0)),
            pl.BlockSpec((1, D_OUT), lambda i: (0, 0)),
        ],
        out_specs=pl.BlockSpec((blk, D_OUT), lambda i: (i, 0)),
        out_shape=jax.ShapeDtypeStruct((N_NODES, D_OUT), jnp.float32),
    )(partials, partials, w2, b2.reshape(1, D_OUT))



def _make_spmm(d):
    mesh = plsc.VectorSubcoreMesh(core_axis_name="c", subcore_axis_name="s",
                                  num_cores=NC, num_subcores=NS)

    def body(table, srcs, dsts, out, sidx, didx, rows_v, acc,
             gsem0, gsem1, gsem2, ssem0, ssem1, ssem2, semsi, semdi):
        c = lax.axis_index("c")
        s = lax.axis_index("s")
        wid = c * NS + s
        zvec = jnp.zeros((16,), jnp.float32)

        def zstore(t, carry):
            rows_v[0, t // (d // 16), pl.ds((t % (d // 16)) * 16, 16)] = zvec
            return carry

        lax.fori_loop(0, CHUNK * d // 16, zstore, 0)

        def zfire(t, carry):
            pltpu.async_copy(rows_v.at[0, pl.ds(0, 64)],
                             acc.at[pl.ds(s * RPT + t * 64, 64)], gsem0)
            return carry

        lax.fori_loop(0, RPT // 64, zfire, 0)

        def zdrain(t, carry):
            pltpu.make_async_copy(rows_v.at[0, pl.ds(0, 64)],
                                  acc.at[pl.ds(s * RPT + t * 64, 64)],
                                  gsem0).wait()
            return carry

        lax.fori_loop(0, RPT // 64, zdrain, 0)
        plsc.subcore_barrier()

        gsems = (gsem0, gsem1, gsem2)
        ssems = (ssem0, ssem1, ssem2)

        pltpu.sync_copy(srcs.at[wid, 0], sidx.at[0])
        pltpu.sync_copy(dsts.at[wid, 0], didx.at[0])
        pltpu.async_copy(table.at[sidx.at[0, 0]], rows_v.at[0], gsem0)

        def blk_body(b, carry):
            sb = b % 2
            nb = 1 - sb

            for k in range(BLK):
                if k == 2:
                    @pl.when(b + 1 < NBLK)
                    def _():
                        pltpu.async_copy(srcs.at[wid, b + 1],
                                         sidx.at[nb], semsi)
                        pltpu.async_copy(dsts.at[wid, b + 1],
                                         didx.at[nb], semdi)
                cur = k % NBUF
                nxt = (k + 1) % NBUF
                if k >= 2:
                    pltpu.make_async_copy(
                        rows_v.at[nxt], acc.at[didx.at[sb, k - 2]],
                        ssems[nxt]).wait()
                else:
                    @pl.when(b > 0)
                    def _():
                        pltpu.make_async_copy(
                            rows_v.at[nxt], acc.at[didx.at[nb, BLK + k - 2]],
                            ssems[nxt]).wait()
                if k + 1 < BLK:
                    pltpu.async_copy(table.at[sidx.at[sb, k + 1]],
                                     rows_v.at[nxt], gsems[nxt])
                else:
                    @pl.when(b + 1 < NBLK)
                    def _():
                        pltpu.make_async_copy(srcs.at[wid, b + 1],
                                              sidx.at[nb], semsi).wait()
                        pltpu.make_async_copy(dsts.at[wid, b + 1],
                                              didx.at[nb], semdi).wait()
                        pltpu.async_copy(table.at[sidx.at[nb, 0]],
                                         rows_v.at[nxt], gsems[nxt])
                pltpu.make_async_copy(table.at[sidx.at[sb, k]],
                                      rows_v.at[cur], gsems[cur]).wait()
                pltpu.async_copy(rows_v.at[cur], acc.at[didx.at[sb, k]],
                                 ssems[cur], add=True)
            return carry

        lax.fori_loop(0, NBLK, blk_body, 0)
        lsb = (NBLK - 1) % 2
        pltpu.make_async_copy(rows_v.at[(BLK - 2) % NBUF],
                              acc.at[didx.at[lsb, BLK - 2]],
                              ssems[(BLK - 2) % NBUF]).wait()
        pltpu.make_async_copy(rows_v.at[(BLK - 1) % NBUF],
                              acc.at[didx.at[lsb, BLK - 1]],
                              ssems[(BLK - 1) % NBUF]).wait()
        plsc.subcore_barrier()
        pltpu.sync_copy(acc.at[pl.ds(s * RPT, RPT)],
                        out.at[c, pl.ds(s * RPT, RPT)])

    return pl.kernel(
        body,
        out_type=jax.ShapeDtypeStruct((NC, N_PAD, d), jnp.float32),
        mesh=mesh,
        scratch_types=[
            pltpu.VMEM((2, BLK, CHUNK), jnp.int32),
            pltpu.VMEM((2, BLK, CHUNK), jnp.int32),
            pltpu.VMEM((NBUF, CHUNK, d), jnp.float32),
            pltpu.VMEM_SHARED((N_PAD, d), jnp.float32),
            pltpu.SemaphoreType.DMA,
            pltpu.SemaphoreType.DMA,
            pltpu.SemaphoreType.DMA,
            pltpu.SemaphoreType.DMA,
            pltpu.SemaphoreType.DMA,
            pltpu.SemaphoreType.DMA,
            pltpu.SemaphoreType.DMA,
            pltpu.SemaphoreType.DMA,
        ],
    )


_spmm_hid = _make_spmm(D_HID)



def kernel(x, edge_index, W1, b1, W2, b2):
    src = edge_index[0].astype(jnp.int32)
    dst = edge_index[1].astype(jnp.int32)
    pad = E_PAD - N_EDGES
    pad_ids = jnp.arange(pad, dtype=jnp.int32)
    srcs = jnp.concatenate([src, pad_ids % N_NODES])
    dsts = jnp.concatenate([dst, pad_ids % (N_PAD - N_NODES) + TRASH])
    srcs = srcs.reshape(NW, NBLK, BLK, CHUNK)
    dsts = dsts.reshape(NW, NBLK, BLK, CHUNK)
    partials1 = _spmm_hid(x, srcs, dsts)
    h = _relu_matmul1(partials1, W1, b1)
    partials2 = _spmm_hid(h, srcs, dsts)
    return _final_matmul2(partials2, W2, b2)

# --- scband reference (transcript-rebuilt; emitter-appended) ---
"""Pipeline reference for scband-method-gcn-58471684768394 (READ-ONLY COPY).

The authoritative reference and input builder live on the scoring server;
editing this copy changes nothing except your own understanding.
"""

import jax, jax.numpy as jnp
import numpy as np

N_NODES = 10000
N_EDGES = 320000
D_IN = 128
D_HID = 128
D_OUT = 64


def setup_inputs(seed: int = 0) -> dict:
    key = jax.random.key(seed)
    k1, k2, k3, k4, k5, k6 = jax.random.split(key, 6)
    x = jax.random.normal(k1, (N_NODES, D_IN), dtype=jnp.float32)
    src = jax.random.randint(k2, (N_EDGES,), 0, N_NODES, dtype=jnp.int64)
    dst = jax.random.randint(k3, (N_EDGES,), 0, N_NODES, dtype=jnp.int64)
    edge_index = jnp.stack([src, dst], axis=0)
    W1 = jax.random.normal(k4, (D_IN, D_HID), dtype=jnp.float32) * 0.05
    b1 = jnp.ones((D_HID,), dtype=jnp.float32)
    W2 = jax.random.normal(k5, (D_HID, D_OUT), dtype=jnp.float32) * 0.05
    b2 = jnp.ones((D_OUT,), dtype=jnp.float32)
    return {"x": x, "edge_index": edge_index, "W1": W1, "b1": b1, "W2": W2, "b2": b2}


def _spmm(edge_index, support):
    # torch.spmm(adj, support) with adjacency given as COO edge list (values = 1):
    # out[dst] += support[src]  -> gather + scatter-add (segment_sum)
    src = edge_index[0]
    dst = edge_index[1]
    gathered = jnp.take(support, src, axis=0)
    return jax.ops.segment_sum(gathered, dst, num_segments=N_NODES)


def reference(x, edge_index, W1, b1, W2, b2):
    # Layer_GCN 1: support = x @ W1; out = spmm(adj, support) + b1
    support = jnp.dot(x, W1)
    h = _spmm(edge_index, support) + b1
    # ReLU
    h = jnp.maximum(h, 0.0)
    # Dropout(0.5) treated as identity (eval-mode deterministic reference)
    # Layer_GCN 2
    support2 = jnp.dot(h, W2)
    out = _spmm(edge_index, support2) + b2
    return out

if __name__ == "__main__":
    import jax
    _d = setup_inputs()
    print(jax.jit(kernel)(*tuple(_d.values())))

</pallas_src>

<mosaic_0001>
#map = affine_map<(d0, d1) -> (0, 0)>
#map1 = affine_map<(d0, d1) -> (0, 0, 0, 0)>
#map2 = affine_map<(d0, d1) -> (0, 0, 0)>
module attributes {stable_mosaic.version = 14 : i64} {
  func.func @body(%arg0: i32, %arg1: i32, %arg2: memref<10000x128xf32, #tpu.memory_space<hbm>>, %arg3: memref<32x15x6x112xi32, #tpu.memory_space<hbm>>, %arg4: memref<32x15x6x112xi32, #tpu.memory_space<hbm>>, %arg5: memref<2x10240x128xf32, #tpu.memory_space<hbm>>, %arg6: memref<2x6x112xi32, #tpu.memory_space<vmem>>, %arg7: memref<2x6x112xi32, #tpu.memory_space<vmem>>, %arg8: memref<3x112x128xf32, #tpu.memory_space<vmem>>, %arg9: memref<10240x128xf32, #tpu.memory_space<vmem_shared>>, %arg10: memref<!tpu.dma_semaphore, #tpu.memory_space<semaphore_mem>>, %arg11: memref<!tpu.dma_semaphore, #tpu.memory_space<semaphore_mem>>, %arg12: memref<!tpu.dma_semaphore, #tpu.memory_space<semaphore_mem>>, %arg13: memref<!tpu.dma_semaphore, #tpu.memory_space<semaphore_mem>>, %arg14: memref<!tpu.dma_semaphore, #tpu.memory_space<semaphore_mem>>, %arg15: memref<!tpu.dma_semaphore, #tpu.memory_space<semaphore_mem>>, %arg16: memref<!tpu.dma_semaphore, #tpu.memory_space<semaphore_mem>>, %arg17: memref<!tpu.dma_semaphore, #tpu.memory_space<semaphore_mem>>) attributes {dimension_semantics = [#tpu.dimension_semantics<core_parallel>, #tpu.dimension_semantics<subcore_parallel>], iteration_bounds = array<i64: 2, 16>, scalar_prefetch = 0 : i64, scratch_operands = 12 : i64, tpu.core_type = #tpu.core_type<sc_vector_subcore>, window_params = [{transform_indices = #map}, {transform_indices = #map1}, {transform_indices = #map1}, {transform_indices = #map2}]} {
    %mul3A = arith.constant 16 : i32
    %mul3A_0 = arith.muli %arg0, %mul3A : i32
    %add3A = arith.addi %mul3A_0, %arg1 : i32
    %broadcast_in_dim3A = arith.constant 0.000000e+00 : f32
    %broadcast_in_dim3A_1 = vector.broadcast %broadcast_in_dim3A : f32 to vector<16xf32>
    %scan3A = arith.constant 0 : i32
    %scan3A_2 = arith.constant 0 : i32
    %scan3A_3 = arith.constant 896 : i32
    %scan3A_4 = arith.addi %scan3A_2, %scan3A_3 : i32
    %scan3A_5 = arith.constant 1 : i32
    scf.for %scan3A_70 = %scan3A_2 to %scan3A_4 step %scan3A_5  : i32 {
      %jit3A = arith.constant 8 : i32
      %div3A = arith.divsi %scan3A_70, %jit3A : i32
      %sign3A = arith.constant 0 : i32
      %sign3A_71 = arith.cmpi sgt, %scan3A_70, %sign3A : i32
      %sign3A_72 = arith.extui %sign3A_71 : i1 to i32
      %sign3A_73 = arith.constant 0 : i32
      %sign3A_74 = arith.cmpi slt, %scan3A_70, %sign3A_73 : i32
      %sign3A_75 = arith.extui %sign3A_74 : i1 to i32
      %sign3A_76 = arith.subi %sign3A_72, %sign3A_75 : i32
      %sign3A_77 = arith.constant 0 : i32
      %sign3A_78 = arith.cmpi sgt, %jit3A, %sign3A_77 : i32
      %sign3A_79 = arith.extui %sign3A_78 : i1 to i32
      %sign3A_80 = arith.constant 0 : i32
      %sign3A_81 = arith.cmpi slt, %jit3A, %sign3A_80 : i32
      %sign3A_82 = arith.extui %sign3A_81 : i1 to i32
      %sign3A_83 = arith.subi %sign3A_79, %sign3A_82 : i32
      %ne3A = arith.cmpi ne, %sign3A_76, %sign3A_83 : i32
      %rem3A = arith.remsi %scan3A_70, %jit3A : i32
      %ne3A_84 = arith.constant 0 : i32
      %ne3A_85 = arith.cmpi ne, %rem3A, %ne3A_84 : i32
      %and3A = arith.andi %ne3A, %ne3A_85 : i1
      %sub3A = arith.constant 1 : i32
      %sub3A_86 = arith.subi %div3A, %sub3A : i32
      %select_n3A = arith.select %and3A, %sub3A_86, %div3A : i32
      %jit3A_87 = arith.constant 8 : i32
      %eq3A = arith.constant 0 : i32
      %eq3A_88 = arith.cmpi eq, %jit3A_87, %eq3A : i32
      %jit3A_89 = arith.constant 1 : i32
      %select_n3A_90 = arith.select %eq3A_88, %jit3A_89, %jit3A_87 : i32
      %rem3A_91 = arith.remsi %scan3A_70, %select_n3A_90 : i32
      %ne3A_92 = arith.constant 0 : i32
      %ne3A_93 = arith.cmpi ne, %rem3A_91, %ne3A_92 : i32
      %lt3A = arith.constant 0 : i32
      %lt3A_94 = arith.cmpi slt, %rem3A_91, %lt3A : i32
      %lt3A_95 = arith.constant 0 : i32
      %lt3A_96 = arith.cmpi slt, %select_n3A_90, %lt3A_95 : i32
      %ne3A_97 = arith.xori %lt3A_94, %lt3A_96 : i1
      %and3A_98 = arith.andi %ne3A_97, %ne3A_93 : i1
      %add3A_99 = arith.addi %rem3A_91, %select_n3A_90 : i32
      %select_n3A_100 = arith.select %and3A_98, %add3A_99, %rem3A_91 : i32
      %mul3A_101 = arith.constant 16 : i32
      %mul3A_102 = arith.muli %select_n3A_100, %mul3A_101 : i32
      %swap3A = arith.constant 0 : i32
      %swap3A_103 = arith.index_cast %swap3A : i32 to index
      %swap3A_104 = arith.index_cast %select_n3A : i32 to index
      %swap3A_105 = arith.index_cast %mul3A_102 : i32 to index
      %swap3A_106 = tpu.vector_load %arg8[%swap3A_103, %swap3A_104, %swap3A_105] {strides = array<i32>} : memref<3x112x128xf32, #tpu.memory_space<vmem>>, vector<1x1x16xf32>,
      %swap3A_107 = vector.shape_cast %swap3A_106 : vector<1x1x16xf32> to vector<16xf32>
      %swap3A_108 = vector.shape_cast %broadcast_in_dim3A_1 : vector<16xf32> to vector<1x1x16xf32>
      tpu.vector_store %arg8[%swap3A_103, %swap3A_104, %swap3A_105], %swap3A_108 {strides = array<i32>} : memref<3x112x128xf32, #tpu.memory_space<vmem>>, vector<1x1x16xf32>,
    }
    %scan3A_6 = arith.constant 896 : i32
    %scan3A_7 = arith.constant 0 : i32
    %scan3A_8 = arith.constant 0 : i32
    %scan3A_9 = arith.constant 10 : i32
    %scan3A_10 = arith.addi %scan3A_8, %scan3A_9 : i32
    %scan3A_11 = arith.constant 1 : i32
    scf.for %scan3A_70 = %scan3A_8 to %scan3A_10 step %scan3A_11  : i32 {
      %mul3A_71 = arith.constant 640 : i32
      %mul3A_72 = arith.muli %arg1, %mul3A_71 : i32
      %mul3A_73 = arith.constant 64 : i32
      %mul3A_74 = arith.muli %scan3A_70, %mul3A_73 : i32
      %add3A_75 = arith.addi %mul3A_72, %mul3A_74 : i32
      %dma_start3A_76 = arith.constant 0 : i32
      %dma_start3A_77 = arith.constant 0 : i32
      %dma_start3A_78 = arith.constant 0 : i32
      %dma_start3A_79 = tpu.memref_slice %arg8[%dma_start3A_76, %dma_start3A_77, %dma_start3A_78] : memref<3x112x128xf32, #tpu.memory_space<vmem>> -> memref<1x64x128xf32, #tpu.memory_space<vmem>>
      %dma_start3A_80 = tpu.memref_squeeze %dma_start3A_79 : memref<1x64x128xf32, #tpu.memory_space<vmem>> -> memref<64x128xf32, #tpu.memory_space<vmem>>
      %dma_start3A_81 = arith.constant 0 : i32
      %dma_start3A_82 = tpu.memref_slice %arg9[%add3A_75, %dma_start3A_81] : memref<10240x128xf32, #tpu.memory_space<vmem_shared>> -> memref<64x128xf32, #tpu.memory_space<vmem_shared>>
      %dma_start3A_83 = arith.constant 0 : i32
      %dma_start3A_84 = tpu.memref_slice %arg9[%add3A_75, %dma_start3A_83] : memref<10240x128xf32, #tpu.memory_space<vmem_shared>> -> memref<64x128xf32, #tpu.memory_space<vmem_shared>>
      %dma_start3A_85 = arith.constant 0 : i32
      %dma_start3A_86 = arith.constant 0 : i32
      %dma_start3A_87 = tpu.memref_slice %arg8[%dma_start3A_76, %dma_start3A_85, %dma_start3A_86] : memref<3x112x128xf32, #tpu.memory_space<vmem>> -> memref<1x64x128xf32, #tpu.memory_space<vmem>>
      %dma_start3A_88 = tpu.memref_squeeze %dma_start3A_87 : memref<1x64x128xf32, #tpu.memory_space<vmem>> -> memref<64x128xf32, #tpu.memory_space<vmem>>
      tpu.enqueue_dma source(%dma_start3A_88 : memref<64x128xf32, #tpu.memory_space<vmem>>) target(%dma_start3A_84 : memref<64x128xf32, #tpu.memory_space<vmem_shared>>) target_semaphore(%arg10 : memref<!tpu.dma_semaphore, #tpu.memory_space<semaphore_mem>>)
    }
    %scan3A_12 = arith.constant 10 : i32
    %scan3A_13 = arith.constant 0 : i32
    %scan3A_14 = arith.constant 0 : i32
    %scan3A_15 = arith.constant 10 : i32
    %scan3A_16 = arith.addi %scan3A_14, %scan3A_15 : i32
    %scan3A_17 = arith.constant 1 : i32
    scf.for %scan3A_70 = %scan3A_14 to %scan3A_16 step %scan3A_17  : i32 {
      %mul3A_71 = arith.constant 640 : i32
      %mul3A_72 = arith.muli %arg1, %mul3A_71 : i32
      %mul3A_73 = arith.constant 64 : i32
      %mul3A_74 = arith.muli %scan3A_70, %mul3A_73 : i32
      %add3A_75 = arith.addi %mul3A_72, %mul3A_74 : i32
      %dma_wait3A_76 = arith.constant 0 : i32
      %dma_wait3A_77 = arith.constant 0 : i32
      %dma_wait3A_78 = arith.constant 0 : i32
      %dma_wait3A_79 = tpu.memref_slice %arg8[%dma_wait3A_76, %dma_wait3A_77, %dma_wait3A_78] : memref<3x112x128xf32, #tpu.memory_space<vmem>> -> memref<1x64x128xf32, #tpu.memory_space<vmem>>
      %dma_wait3A_80 = tpu.memref_squeeze %dma_wait3A_79 : memref<1x64x128xf32, #tpu.memory_space<vmem>> -> memref<64x128xf32, #tpu.memory_space<vmem>>
      %dma_wait3A_81 = arith.constant 0 : i32
      %dma_wait3A_82 = tpu.memref_slice %arg9[%add3A_75, %dma_wait3A_81] : memref<10240x128xf32, #tpu.memory_space<vmem_shared>> -> memref<64x128xf32, #tpu.memory_space<vmem_shared>>
      %dma_wait3A_83 = arith.constant 0 : i32
      %dma_wait3A_84 = tpu.memref_slice %arg9[%add3A_75, %dma_wait3A_83] : memref<10240x128xf32, #tpu.memory_space<vmem_shared>> -> memref<64x128xf32, #tpu.memory_space<vmem_shared>>
      %dma_wait3A_85 = arith.constant 0 : i32
      %dma_wait3A_86 = arith.constant 0 : i32
      %dma_wait3A_87 = tpu.memref_slice %arg8[%dma_wait3A_76, %dma_wait3A_85, %dma_wait3A_86] : memref<3x112x128xf32, #tpu.memory_space<vmem>> -> memref<1x64x128xf32, #tpu.memory_space<vmem>>
      %dma_wait3A_88 = tpu.memref_squeeze %dma_wait3A_87 : memref<1x64x128xf32, #tpu.memory_space<vmem>> -> memref<64x128xf32, #tpu.memory_space<vmem>>
      tpu.wait_dma2 semaphore(%arg10 : memref<!tpu.dma_semaphore, #tpu.memory_space<semaphore_mem>>) src(%dma_wait3A_88 : memref<64x128xf32, #tpu.memory_space<vmem>>) dst(%dma_wait3A_84 : memref<64x128xf32, #tpu.memory_space<vmem_shared>>)
    }
    %scan3A_18 = arith.constant 10 : i32
    %barrier3A = arith.constant 0 : index
    tpu.barrier barrier_id(%barrier3A)
    %run_scoped3A = arith.constant 0 : i32
    %run_scoped3A_19 = arith.constant 0 : i32
    "tpu.region"() ({
      %run_scoped3A_70 = tpu.sem_alloc : memref<!tpu.dma_semaphore, #tpu.memory_space<semaphore_mem>>
      %dma_start3A_71 = arith.constant 0 : i32
      %dma_start3A_72 = arith.constant 0 : i32
      %dma_start3A_73 = tpu.memref_slice %arg6[%run_scoped3A_19, %dma_start3A_71, %dma_start3A_72] : memref<2x6x112xi32, #tpu.memory_space<vmem>> -> memref<1x6x112xi32, #tpu.memory_space<vmem>>
      %dma_start3A_74 = tpu.memref_squeeze %dma_start3A_73 : memref<1x6x112xi32, #tpu.memory_space<vmem>> -> memref<6x112xi32, #tpu.memory_space<vmem>>
      %dma_start3A_75 = arith.constant 0 : i32
      %dma_start3A_76 = arith.constant 0 : i32
      %dma_start3A_77 = tpu.memref_slice %arg3[%add3A, %run_scoped3A, %dma_start3A_75, %dma_start3A_76] : memref<32x15x6x112xi32, #tpu.memory_space<hbm>> -> memref<1x1x6x112xi32, #tpu.memory_space<hbm>>
      %dma_start3A_78 = tpu.memref_squeeze %dma_start3A_77 : memref<1x1x6x112xi32, #tpu.memory_space<hbm>> -> memref<6x112xi32, #tpu.memory_space<hbm>>
      %dma_start3A_79 = arith.constant 0 : i32
      %dma_start3A_80 = arith.constant 0 : i32
      %dma_start3A_81 = tpu.memref_slice %arg6[%run_scoped3A_19, %dma_start3A_79, %dma_start3A_80] : memref<2x6x112xi32, #tpu.memory_space<vmem>> -> memref<1x6x112xi32, #tpu.memory_space<vmem>>
      %dma_start3A_82 = tpu.memref_squeeze %dma_start3A_81 : memref<1x6x112xi32, #tpu.memory_space<vmem>> -> memref<6x112xi32, #tpu.memory_space<vmem>>
      %dma_start3A_83 = arith.constant 0 : i32
      %dma_start3A_84 = arith.constant 0 : i32
      %dma_start3A_85 = tpu.memref_slice %arg3[%add3A, %run_scoped3A, %dma_start3A_83, %dma_start3A_84] : memref<32x15x6x112xi32, #tpu.memory_space<hbm>> -> memref<1x1x6x112xi32, #tpu.memory_space<hbm>>
      %dma_start3A_86 = tpu.memref_squeeze %dma_start3A_85 : memref<1x1x6x112xi32, #tpu.memory_space<hbm>> -> memref<6x112xi32, #tpu.memory_space<hbm>>
      tpu.enqueue_dma source(%dma_start3A_86 : memref<6x112xi32, #tpu.memory_space<hbm>>) target(%dma_start3A_82 : memref<6x112xi32, #tpu.memory_space<vmem>>) target_semaphore(%run_scoped3A_70 : memref<!tpu.dma_semaphore, #tpu.memory_space<semaphore_mem>>)
      %dma_wait3A_87 = arith.constant 0 : i32
      %dma_wait3A_88 = arith.constant 0 : i32
      %dma_wait3A_89 = tpu.memref_slice %arg6[%run_scoped3A_19, %dma_wait3A_87, %dma_wait3A_88] : memref<2x6x112xi32, #tpu.memory_space<vmem>> -> memref<1x6x112xi32, #tpu.memory_space<vmem>>
      %dma_wait3A_90 = tpu.memref_squeeze %dma_wait3A_89 : memref<1x6x112xi32, #tpu.memory_space<vmem>> -> memref<6x112xi32, #tpu.memory_space<vmem>>
      %dma_wait3A_91 = arith.constant 0 : i32
      %dma_wait3A_92 = arith.constant 0 : i32
      %dma_wait3A_93 = tpu.memref_slice %arg3[%add3A, %run_scoped3A, %dma_wait3A_91, %dma_wait3A_92] : memref<32x15x6x112xi32, #tpu.memory_space<hbm>> -> memref<1x1x6x112xi32, #tpu.memory_space<hbm>>
      %dma_wait3A_94 = tpu.memref_squeeze %dma_wait3A_93 : memref<1x1x6x112xi32, #tpu.memory_space<hbm>> -> memref<6x112xi32, #tpu.memory_space<hbm>>
      %dma_wait3A_95 = arith.constant 0 : i32
      %dma_wait3A_96 = arith.constant 0 : i32
      %dma_wait3A_97 = tpu.memref_slice %arg6[%run_scoped3A_19, %dma_wait3A_95, %dma_wait3A_96] : memref<2x6x112xi32, #tpu.memory_space<vmem>> -> memref<1x6x112xi32, #tpu.memory_space<vmem>>
      %dma_wait3A_98 = tpu.memref_squeeze %dma_wait3A_97 : memref<1x6x112xi32, #tpu.memory_space<vmem>> -> memref<6x112xi32, #tpu.memory_space<vmem>>
      %dma_wait3A_99 = arith.constant 0 : i32
      %dma_wait3A_100 = arith.constant 0 : i32
      %dma_wait3A_101 = tpu.memref_slice %arg3[%add3A, %run_scoped3A, %dma_wait3A_99, %dma_wait3A_100] : memref<32x15x6x112xi32, #tpu.memory_space<hbm>> -> memref<1x1x6x112xi32, #tpu.memory_space<hbm>>
      %dma_wait3A_102 = tpu.memref_squeeze %dma_wait3A_101 : memref<1x1x6x112xi32, #tpu.memory_space<hbm>> -> memref<6x112xi32, #tpu.memory_space<hbm>>
      tpu.wait_dma2 semaphore(%run_scoped3A_70 : memref<!tpu.dma_semaphore, #tpu.memory_space<semaphore_mem>>) src(%dma_wait3A_102 : memref<6x112xi32, #tpu.memory_space<hbm>>) dst(%dma_wait3A_98 : memref<6x112xi32, #tpu.memory_space<vmem>>)
      tpu.yield
    }) : () -> ()
    %run_scoped3A_20 = arith.constant 0 : i32
    %run_scoped3A_21 = arith.constant 0 : i32
    "tpu.region"() ({
      %run_scoped3A_70 = tpu.sem_alloc : memref<!tpu.dma_semaphore, #tpu.memory_space<semaphore_mem>>
      %dma_start3A_71 = arith.constant 0 : i32
      %dma_start3A_72 = arith.constant 0 : i32
      %dma_start3A_73 = tpu.memref_slice %arg7[%run_scoped3A_21, %dma_start3A_71, %dma_start3A_72] : memref<2x6x112xi32, #tpu.memory_space<vmem>> -> memref<1x6x112xi32, #tpu.memory_space<vmem>>
      %dma_start3A_74 = tpu.memref_squeeze %dma_start3A_73 : memref<1x6x112xi32, #tpu.memory_space<vmem>> -> memref<6x112xi32, #tpu.memory_space<vmem>>
      %dma_start3A_75 = arith.constant 0 : i32
      %dma_start3A_76 = arith.constant 0 : i32
      %dma_start3A_77 = tpu.memref_slice %arg4[%add3A, %run_scoped3A_20, %dma_start3A_75, %dma_start3A_76] : memref<32x15x6x112xi32, #tpu.memory_space<hbm>> -> memref<1x1x6x112xi32, #tpu.memory_space<hbm>>
      %dma_start3A_78 = tpu.memref_squeeze %dma_start3A_77 : memref<1x1x6x112xi32, #tpu.memory_space<hbm>> -> memref<6x112xi32, #tpu.memory_space<hbm>>
      %dma_start3A_79 = arith.constant 0 : i32
      %dma_start3A_80 = arith.constant 0 : i32
      %dma_start3A_81 = tpu.memref_slice %arg7[%run_scoped3A_21, %dma_start3A_79, %dma_start3A_80] : memref<2x6x112xi32, #tpu.memory_space<vmem>> -> memref<1x6x112xi32, #tpu.memory_space<vmem>>
      %dma_start3A_82 = tpu.memref_squeeze %dma_start3A_81 : memref<1x6x112xi32, #tpu.memory_space<vmem>> -> memref<6x112xi32, #tpu.memory_space<vmem>>
      %dma_start3A_83 = arith.constant 0 : i32
      %dma_start3A_84 = arith.constant 0 : i32
      %dma_start3A_85 = tpu.memref_slice %arg4[%add3A, %run_scoped3A_20, %dma_start3A_83, %dma_start3A_84] : memref<32x15x6x112xi32, #tpu.memory_space<hbm>> -> memref<1x1x6x112xi32, #tpu.memory_space<hbm>>
      %dma_start3A_86 = tpu.memref_squeeze %dma_start3A_85 : memref<1x1x6x112xi32, #tpu.memory_space<hbm>> -> memref<6x112xi32, #tpu.memory_space<hbm>>
      tpu.enqueue_dma source(%dma_start3A_86 : memref<6x112xi32, #tpu.memory_space<hbm>>) target(%dma_start3A_82 : memref<6x112xi32, #tpu.memory_space<vmem>>) target_semaphore(%run_scoped3A_70 : memref<!tpu.dma_semaphore, #tpu.memory_space<semaphore_mem>>)
      %dma_wait3A_87 = arith.constant 0 : i32
      %dma_wait3A_88 = arith.constant 0 : i32
      %dma_wait3A_89 = tpu.memref_slice %arg7[%run_scoped3A_21, %dma_wait3A_87, %dma_wait3A_88] : memref<2x6x112xi32, #tpu.memory_space<vmem>> -> memref<1x6x112xi32, #tpu.memory_space<vmem>>
      %dma_wait3A_90 = tpu.memref_squeeze %dma_wait3A_89 : memref<1x6x112xi32, #tpu.memory_space<vmem>> -> memref<6x112xi32, #tpu.memory_space<vmem>>
      %dma_wait3A_91 = arith.constant 0 : i32
      %dma_wait3A_92 = arith.constant 0 : i32
      %dma_wait3A_93 = tpu.memref_slice %arg4[%add3A, %run_scoped3A_20, %dma_wait3A_91, %dma_wait3A_92] : memref<32x15x6x112xi32, #tpu.memory_space<hbm>> -> memref<1x1x6x112xi32, #tpu.memory_space<hbm>>
      %dma_wait3A_94 = tpu.memref_squeeze %dma_wait3A_93 : memref<1x1x6x112xi32, #tpu.memory_space<hbm>> -> memref<6x112xi32, #tpu.memory_space<hbm>>
      %dma_wait3A_95 = arith.constant 0 : i32
      %dma_wait3A_96 = arith.constant 0 : i32
      %dma_wait3A_97 = tpu.memref_slice %arg7[%run_scoped3A_21, %dma_wait3A_95, %dma_wait3A_96] : memref<2x6x112xi32, #tpu.memory_space<vmem>> -> memref<1x6x112xi32, #tpu.memory_space<vmem>>
      %dma_wait3A_98 = tpu.memref_squeeze %dma_wait3A_97 : memref<1x6x112xi32, #tpu.memory_space<vmem>> -> memref<6x112xi32, #tpu.memory_space<vmem>>
      %dma_wait3A_99 = arith.constant 0 : i32
      %dma_wait3A_100 = arith.constant 0 : i32
      %dma_wait3A_101 = tpu.memref_slice %arg4[%add3A, %run_scoped3A_20, %dma_wait3A_99, %dma_wait3A_100] : memref<32x15x6x112xi32, #tpu.memory_space<hbm>> -> memref<1x1x6x112xi32, #tpu.memory_space<hbm>>
      %dma_wait3A_102 = tpu.memref_squeeze %dma_wait3A_101 : memref<1x1x6x112xi32, #tpu.memory_space<hbm>> -> memref<6x112xi32, #tpu.memory_space<hbm>>
      tpu.wait_dma2 semaphore(%run_scoped3A_70 : memref<!tpu.dma_semaphore, #tpu.memory_space<semaphore_mem>>) src(%dma_wait3A_102 : memref<6x112xi32, #tpu.memory_space<hbm>>) dst(%dma_wait3A_98 : memref<6x112xi32, #tpu.memory_space<vmem>>)
      tpu.yield
    }) : () -> ()
    %dma_start3A = arith.constant 0 : i32
    %dma_start3A_22 = arith.constant 0 : i32
    %dma_start3A_23 = arith.constant 0 : i32
    %dma_start3A_24 = arith.constant 0 : i32
    %dma_start3A_25 = arith.constant 0 : i32
    %dma_start3A_26 = tpu.memref_slice %arg8[%dma_start3A_23, %dma_start3A_24, %dma_start3A_25] : memref<3x112x128xf32, #tpu.memory_space<vmem>> -> memref<1x112x128xf32, #tpu.memory_space<vmem>>
    %dma_start3A_27 = tpu.memref_squeeze %dma_start3A_26 : memref<1x112x128xf32, #tpu.memory_space<vmem>> -> memref<112x128xf32, #tpu.memory_space<vmem>>
    %dma_start3A_28 = arith.constant 0 : i32
    %dma_start3A_29 = tpu.memref_slice %arg6[%dma_start3A, %dma_start3A_22, %dma_start3A_28] : memref<2x6x112xi32, #tpu.memory_space<vmem>> -> memref<1x1x112xi32, #tpu.memory_space<vmem>>
    %dma_start3A_30 = tpu.memref_squeeze %dma_start3A_29 : memref<1x1x112xi32, #tpu.memory_space<vmem>> -> memref<112xi32, #tpu.memory_space<vmem>>
    %dma_start3A_31 = arith.constant 0 : i32
    %dma_start3A_32 = arith.constant 0 : i32
    %dma_start3A_33 = tpu.memref_slice %arg2[%dma_start3A_31, %dma_start3A_32] : memref<10000x128xf32, #tpu.memory_space<hbm>> -> memref<10000x128xf32, #tpu.memory_space<hbm>>
    tpu.enqueue_indirect_dma source(%dma_start3A_33 : memref<10000x128xf32, #tpu.memory_space<hbm>>) target(%dma_start3A_27 : memref<112x128xf32, #tpu.memory_space<vmem>>) offsets(%dma_start3A_30 : memref<112xi32, #tpu.memory_space<vmem>>) semaphore(%arg10 : memref<!tpu.dma_semaphore, #tpu.memory_space<semaphore_mem>>)
    %scan3A_34 = arith.constant 0 : i32
    %scan3A_35 = arith.constant 0 : i32
    %scan3A_36 = arith.constant 15 : i32
    %scan3A_37 = arith.addi %scan3A_35, %scan3A_36 : i32
    %scan3A_38 = arith.constant 1 : i32
    scf.for %scan3A_70 = %scan3A_35 to %scan3A_37 step %scan3A_38  : i32 {
      %jit3A = arith.constant 2 : i32
      %eq3A = arith.constant 0 : i32
      %eq3A_71 = arith.cmpi eq, %jit3A, %eq3A : i32
      %jit3A_72 = arith.constant 1 : i32
      %select_n3A = arith.select %eq3A_71, %jit3A_72, %jit3A : i32
      %rem3A = arith.remsi %scan3A_70, %select_n3A : i32
      %ne3A = arith.constant 0 : i32
      %ne3A_73 = arith.cmpi ne, %rem3A, %ne3A : i32
      %lt3A = arith.constant 0 : i32
      %lt3A_74 = arith.cmpi slt, %rem3A, %lt3A : i32
      %lt3A_75 = arith.constant 0 : i32
      %lt3A_76 = arith.cmpi slt, %select_n3A, %lt3A_75 : i32
      %ne3A_77 = arith.xori %lt3A_74, %lt3A_76 : i1
      %and3A = arith.andi %ne3A_77, %ne3A_73 : i1
      %add3A_78 = arith.addi %rem3A, %select_n3A : i32
      %select_n3A_79 = arith.select %and3A, %add3A_78, %rem3A : i32
      %sub3A = arith.constant 1 : i32
      %sub3A_80 = arith.subi %sub3A, %select_n3A_79 : i32
      %gt3A = arith.constant 0 : i32
      %gt3A_81 = arith.cmpi sgt, %scan3A_70, %gt3A : i32
      %convert_element_type3A = arith.extui %gt3A_81 : i1 to i32
      %cond3A = arith.constant 0 : i32
      %cond3A_82 = arith.cmpi ne, %convert_element_type3A, %cond3A : i32
      scf.if %cond3A_82 {
        %dma_wait3A_354 = arith.constant 1 : i32
        %dma_wait3A_355 = arith.constant 4 : i32
        %dma_wait3A_356 = arith.constant 0 : i32
        %dma_wait3A_357 = arith.constant 0 : i32
        %dma_wait3A_358 = tpu.memref_slice %arg8[%dma_wait3A_354, %dma_wait3A_356, %dma_wait3A_357] : memref<3x112x128xf32, #tpu.memory_space<vmem>> -> memref<1x112x128xf32, #tpu.memory_space<vmem>>
        %dma_wait3A_359 = tpu.memref_squeeze %dma_wait3A_358 : memref<1x112x128xf32, #tpu.memory_space<vmem>> -> memref<112x128xf32, #tpu.memory_space<vmem>>
        %dma_wait3A_360 = arith.constant 0 : i32
        %dma_wait3A_361 = tpu.memref_slice %arg7[%sub3A_80, %dma_wait3A_355, %dma_wait3A_360] : memref<2x6x112xi32, #tpu.memory_space<vmem>> -> memref<1x1x112xi32, #tpu.memory_space<vmem>>
        %dma_wait3A_362 = tpu.memref_squeeze %dma_wait3A_361 : memref<1x1x112xi32, #tpu.memory_space<vmem>> -> memref<112xi32, #tpu.memory_space<vmem>>
        %dma_wait3A_363 = arith.constant 0 : i32
        %dma_wait3A_364 = arith.constant 0 : i32
        %dma_wait3A_365 = tpu.memref_slice %arg9[%dma_wait3A_363, %dma_wait3A_364] : memref<10240x128xf32, #tpu.memory_space<vmem_shared>> -> memref<10240x128xf32, #tpu.memory_space<vmem_shared>>
        tpu.wait_indirect_dma semaphore(%arg14 : memref<!tpu.dma_semaphore, #tpu.memory_space<semaphore_mem>>) src(%dma_wait3A_359 : memref<112x128xf32, #tpu.memory_space<vmem>>) dst(%dma_wait3A_365 : memref<10240x128xf32, #tpu.memory_space<vmem_shared>>)
      } else {
      }
      %dma_start3A_83 = arith.constant 1 : i32
      %dma_start3A_84 = arith.constant 1 : i32
      %dma_start3A_85 = arith.constant 0 : i32
      %dma_start3A_86 = arith.constant 0 : i32
      %dma_start3A_87 = tpu.memref_slice %arg8[%dma_start3A_84, %dma_start3A_85, %dma_start3A_86] : memref<3x112x128xf32, #tpu.memory_space<vmem>> -> memref<1x112x128xf32, #tpu.memory_space<vmem>>
      %dma_start3A_88 = tpu.memref_squeeze %dma_start3A_87 : memref<1x112x128xf32, #tpu.memory_space<vmem>> -> memref<112x128xf32, #tpu.memory_space<vmem>>
      %dma_start3A_89 = arith.constant 0 : i32
      %dma_start3A_90 = tpu.memref_slice %arg6[%select_n3A_79, %dma_start3A_83, %dma_start3A_89] : memref<2x6x112xi32, #tpu.memory_space<vmem>> -> memref<1x1x112xi32, #tpu.memory_space<vmem>>
      %dma_start3A_91 = tpu.memref_squeeze %dma_start3A_90 : memref<1x1x112xi32, #tpu.memory_space<vmem>> -> memref<112xi32, #tpu.memory_space<vmem>>
      %dma_start3A_92 = arith.constant 0 : i32
      %dma_start3A_93 = arith.constant 0 : i32
      %dma_start3A_94 = tpu.memref_slice %arg2[%dma_start3A_92, %dma_start3A_93] : memref<10000x128xf32, #tpu.memory_space<hbm>> -> memref<10000x128xf32, #tpu.memory_space<hbm>>
      tpu.enqueue_indirect_dma source(%dma_start3A_94 : memref<10000x128xf32, #tpu.memory_space<hbm>>) target(%dma_start3A_88 : memref<112x128xf32, #tpu.memory_space<vmem>>) offsets(%dma_start3A_91 : memref<112xi32, #tpu.memory_space<vmem>>) semaphore(%arg11 : memref<!tpu.dma_semaphore, #tpu.memory_space<semaphore_mem>>)
      %dma_wait3A_95 = arith.constant 0 : i32
      %dma_wait3A_96 = arith.constant 0 : i32
      %dma_wait3A_97 = arith.constant 0 : i32
      %dma_wait3A_98 = arith.constant 0 : i32
      %dma_wait3A_99 = tpu.memref_slice %arg8[%dma_wait3A_96, %dma_wait3A_97, %dma_wait3A_98] : memref<3x112x128xf32, #tpu.memory_space<vmem>> -> memref<1x112x128xf32, #tpu.memory_space<vmem>>
      %dma_wait3A_100 = tpu.memref_squeeze %dma_wait3A_99 : memref<1x112x128xf32, #tpu.memory_space<vmem>> -> memref<112x128xf32, #tpu.memory_space<vmem>>
      %dma_wait3A_101 = arith.constant 0 : i32
      %dma_wait3A_102 = tpu.memref_slice %arg6[%select_n3A_79, %dma_wait3A_95, %dma_wait3A_101] : memref<2x6x112xi32, #tpu.memory_space<vmem>> -> memref<1x1x112xi32, #tpu.memory_space<vmem>>
      %dma_wait3A_103 = tpu.memref_squeeze %dma_wait3A_102 : memref<1x1x112xi32, #tpu.memory_space<vmem>> -> memref<112xi32, #tpu.memory_space<vmem>>
      %dma_wait3A_104 = arith.constant 0 : i32
      %dma_wait3A_105 = arith.constant 0 : i32
      %dma_wait3A_106 = tpu.memref_slice %arg2[%dma_wait3A_104, %dma_wait3A_105] : memref<10000x128xf32, #tpu.memory_space<hbm>> -> memref<10000x128xf32, #tpu.memory_space<hbm>>
      tpu.wait_indirect_dma semaphore(%arg10 : memref<!tpu.dma_semaphore, #tpu.memory_space<semaphore_mem>>) src(%dma_wait3A_106 : memref<10000x128xf32, #tpu.memory_space<hbm>>) dst(%dma_wait3A_100 : memref<112x128xf32, #tpu.memory_space<vmem>>)
      %dma_start3A_107 = arith.constant 0 : i32
      %dma_start3A_108 = arith.constant 0 : i32
      %dma_start3A_109 = arith.constant 0 : i32
      %dma_start3A_110 = arith.constant 0 : i32
      %dma_start3A_111 = tpu.memref_slice %arg8[%dma_start3A_107, %dma_start3A_109, %dma_start3A_110] : memref<3x112x128xf32, #tpu.memory_space<vmem>> -> memref<1x112x128xf32, #tpu.memory_space<vmem>>
      %dma_start3A_112 = tpu.memref_squeeze %dma_start3A_111 : memref<1x112x128xf32, #tpu.memory_space<vmem>> -> memref<112x128xf32, #tpu.memory_space<vmem>>
      %dma_start3A_113 = arith.constant 0 : i32
      %dma_start3A_114 = tpu.memref_slice %arg7[%select_n3A_79, %dma_start3A_108, %dma_start3A_113] : memref<2x6x112xi32, #tpu.memory_space<vmem>> -> memref<1x1x112xi32, #tpu.memory_space<vmem>>
      %dma_start3A_115 = tpu.memref_squeeze %dma_start3A_114 : memref<1x1x112xi32, #tpu.memory_space<vmem>> -> memref<112xi32, #tpu.memory_space<vmem>>
      %dma_start3A_116 = arith.constant 0 : i32
      %dma_start3A_117 = arith.constant 0 : i32
      %dma_start3A_118 = tpu.memref_slice %arg9[%dma_start3A_116, %dma_start3A_117] : memref<10240x128xf32, #tpu.memory_space<vmem_shared>> -> memref<10240x128xf32, #tpu.memory_space<vmem_shared>>
      tpu.enqueue_indirect_dma source(%dma_start3A_112 : memref<112x128xf32, #tpu.memory_space<vmem>>) target(%dma_start3A_118 : memref<10240x128xf32, #tpu.memory_space<vmem_shared>>) offsets(%dma_start3A_115 : memref<112xi32, #tpu.memory_space<vmem>>) semaphore(%arg13 : memref<!tpu.dma_semaphore, #tpu.memory_space<semaphore_mem>>) {add = true}
      %gt3A_119 = arith.constant 0 : i32
      %gt3A_120 = arith.cmpi sgt, %scan3A_70, %gt3A_119 : i32
      %convert_element_type3A_121 = arith.extui %gt3A_120 : i1 to i32
      %cond3A_122 = arith.constant 0 : i32
      %cond3A_123 = arith.cmpi ne, %convert_element_type3A_121, %cond3A_122 : i32
      scf.if %cond3A_123 {
        %dma_wait3A_354 = arith.constant 2 : i32
        %dma_wait3A_355 = arith.constant 5 : i32
        %dma_wait3A_356 = arith.constant 0 : i32
        %dma_wait3A_357 = arith.constant 0 : i32
        %dma_wait3A_358 = tpu.memref_slice %arg8[%dma_wait3A_354, %dma_wait3A_356, %dma_wait3A_357] : memref<3x112x128xf32, #tpu.memory_space<vmem>> -> memref<1x112x128xf32, #tpu.memory_space<vmem>>
        %dma_wait3A_359 = tpu.memref_squeeze %dma_wait3A_358 : memref<1x112x128xf32, #tpu.memory_space<vmem>> -> memref<112x128xf32, #tpu.memory_space<vmem>>
        %dma_wait3A_360 = arith.constant 0 : i32
        %dma_wait3A_361 = tpu.memref_slice %arg7[%sub3A_80, %dma_wait3A_355, %dma_wait3A_360] : memref<2x6x112xi32, #tpu.memory_space<vmem>> -> memref<1x1x112xi32, #tpu.memory_space<vmem>>
        %dma_wait3A_362 = tpu.memref_squeeze %dma_wait3A_361 : memref<1x1x112xi32, #tpu.memory_space<vmem>> -> memref<112xi32, #tpu.memory_space<vmem>>
        %dma_wait3A_363 = arith.constant 0 : i32
        %dma_wait3A_364 = arith.constant 0 : i32
        %dma_wait3A_365 = tpu.memref_slice %arg9[%dma_wait3A_363, %dma_wait3A_364] : memref<10240x128xf32, #tpu.memory_space<vmem_shared>> -> memref<10240x128xf32, #tpu.memory_space<vmem_shared>>
        tpu.wait_indirect_dma semaphore(%arg15 : memref<!tpu.dma_semaphore, #tpu.memory_space<semaphore_mem>>) src(%dma_wait3A_359 : memref<112x128xf32, #tpu.memory_space<vmem>>) dst(%dma_wait3A_365 : memref<10240x128xf32, #tpu.memory_space<vmem_shared>>)
      } else {
      }
      %dma_start3A_124 = arith.constant 2 : i32
      %dma_start3A_125 = arith.constant 2 : i32
      %dma_start3A_126 = arith.constant 0 : i32
      %dma_start3A_127 = arith.constant 0 : i32
      %dma_start3A_128 = tpu.memref_slice %arg8[%dma_start3A_125, %dma_start3A_126, %dma_start3A_127] : memref<3x112x128xf32, #tpu.memory_space<vmem>> -> memref<1x112x128xf32, #tpu.memory_space<vmem>>
      %dma_start3A_129 = tpu.memref_squeeze %dma_start3A_128 : memref<1x112x128xf32, #tpu.memory_space<vmem>> -> memref<112x128xf32, #tpu.memory_space<vmem>>
      %dma_start3A_130 = arith.constant 0 : i32
      %dma_start3A_131 = tpu.memref_slice %arg6[%select_n3A_79, %dma_start3A_124, %dma_start3A_130] : memref<2x6x112xi32, #tpu.memory_space<vmem>> -> memref<1x1x112xi32, #tpu.memory_space<vmem>>
      %dma_start3A_132 = tpu.memref_squeeze %dma_start3A_131 : memref<1x1x112xi32, #tpu.memory_space<vmem>> -> memref<112xi32, #tpu.memory_space<vmem>>
      %dma_start3A_133 = arith.constant 0 : i32
      %dma_start3A_134 = arith.constant 0 : i32
      %dma_start3A_135 = tpu.memref_slice %arg2[%dma_start3A_133, %dma_start3A_134] : memref<10000x128xf32, #tpu.memory_space<hbm>> -> memref<10000x128xf32, #tpu.memory_space<hbm>>
      tpu.enqueue_indirect_dma source(%dma_start3A_135 : memref<10000x128xf32, #tpu.memory_space<hbm>>) target(%dma_start3A_129 : memref<112x128xf32, #tpu.memory_space<vmem>>) offsets(%dma_start3A_132 : memref<112xi32, #tpu.memory_space<vmem>>) semaphore(%arg12 : memref<!tpu.dma_semaphore, #tpu.memory_space<semaphore_mem>>)
      %dma_wait3A_136 = arith.constant 1 : i32
      %dma_wait3A_137 = arith.constant 1 : i32
      %dma_wait3A_138 = arith.constant 0 : i32
      %dma_wait3A_139 = arith.constant 0 : i32
      %dma_wait3A_140 = tpu.memref_slice %arg8[%dma_wait3A_137, %dma_wait3A_138, %dma_wait3A_139] : memref<3x112x128xf32, #tpu.memory_space<vmem>> -> memref<1x112x128xf32, #tpu.memory_space<vmem>>
      %dma_wait3A_141 = tpu.memref_squeeze %dma_wait3A_140 : memref<1x112x128xf32, #tpu.memory_space<vmem>> -> memref<112x128xf32, #tpu.memory_space<vmem>>
      %dma_wait3A_142 = arith.constant 0 : i32
      %dma_wait3A_143 = tpu.memref_slice %arg6[%select_n3A_79, %dma_wait3A_136, %dma_wait3A_142] : memref<2x6x112xi32, #tpu.memory_space<vmem>> -> memref<1x1x112xi32, #tpu.memory_space<vmem>>
      %dma_wait3A_144 = tpu.memref_squeeze %dma_wait3A_143 : memref<1x1x112xi32, #tpu.memory_space<vmem>> -> memref<112xi32, #tpu.memory_space<vmem>>
      %dma_wait3A_145 = arith.constant 0 : i32
      %dma_wait3A_146 = arith.constant 0 : i32
      %dma_wait3A_147 = tpu.memref_slice %arg2[%dma_wait3A_145, %dma_wait3A_146] : memref<10000x128xf32, #tpu.memory_space<hbm>> -> memref<10000x128xf32, #tpu.memory_space<hbm>>
      tpu.wait_indirect_dma semaphore(%arg11 : memref<!tpu.dma_semaphore, #tpu.memory_space<semaphore_mem>>) src(%dma_wait3A_147 : memref<10000x128xf32, #tpu.memory_space<hbm>>) dst(%dma_wait3A_141 : memref<112x128xf32, #tpu.memory_space<vmem>>)
      %dma_start3A_148 = arith.constant 1 : i32
      %dma_start3A_149 = arith.constant 1 : i32
      %dma_start3A_150 = arith.constant 0 : i32
      %dma_start3A_151 = arith.constant 0 : i32
      %dma_start3A_152 = tpu.memref_slice %arg8[%dma_start3A_148, %dma_start3A_150, %dma_start3A_151] : memref<3x112x128xf32, #tpu.memory_space<vmem>> -> memref<1x112x128xf32, #tpu.memory_space<vmem>>
      %dma_start3A_153 = tpu.memref_squeeze %dma_start3A_152 : memref<1x112x128xf32, #tpu.memory_space<vmem>> -> memref<112x128xf32, #tpu.memory_space<vmem>>
      %dma_start3A_154 = arith.constant 0 : i32
      %dma_start3A_155 = tpu.memref_slice %arg7[%select_n3A_79, %dma_start3A_149, %dma_start3A_154] : memref<2x6x112xi32, #tpu.memory_space<vmem>> -> memref<1x1x112xi32, #tpu.memory_space<vmem>>
      %dma_start3A_156 = tpu.memref_squeeze %dma_start3A_155 : memref<1x1x112xi32, #tpu.memory_space<vmem>> -> memref<112xi32, #tpu.memory_space<vmem>>
      %dma_start3A_157 = arith.constant 0 : i32
      %dma_start3A_158 = arith.constant 0 : i32
      %dma_start3A_159 = tpu.memref_slice %arg9[%dma_start3A_157, %dma_start3A_158] : memref<10240x128xf32, #tpu.memory_space<vmem_shared>> -> memref<10240x128xf32, #tpu.memory_space<vmem_shared>>
      tpu.enqueue_indirect_dma source(%dma_start3A_153 : memref<112x128xf32, #tpu.memory_space<vmem>>) target(%dma_start3A_159 : memref<10240x128xf32, #tpu.memory_space<vmem_shared>>) offsets(%dma_start3A_156 : memref<112xi32, #tpu.memory_space<vmem>>) semaphore(%arg14 : memref<!tpu.dma_semaphore, #tpu.memory_space<semaphore_mem>>) {add = true}
      %add3A_160 = arith.constant 1 : i32
      %add3A_161 = arith.addi %scan3A_70, %add3A_160 : i32
      %lt3A_162 = arith.constant 15 : i32
      %lt3A_163 = arith.cmpi slt, %add3A_161, %lt3A_162 : i32
      %convert_element_type3A_164 = arith.extui %lt3A_163 : i1 to i32
      %cond3A_165 = arith.constant 0 : i32
      %cond3A_166 = arith.cmpi ne, %convert_element_type3A_164, %cond3A_165 : i32
      scf.if %cond3A_166 {
        %add3A_354 = arith.constant 1 : i32
        %add3A_355 = arith.addi %scan3A_70, %add3A_354 : i32
        %dma_start3A_356 = arith.constant 0 : i32
        %dma_start3A_357 = arith.constant 0 : i32
        %dma_start3A_358 = tpu.memref_slice %arg6[%sub3A_80, %dma_start3A_356, %dma_start3A_357] : memref<2x6x112xi32, #tpu.memory_space<vmem>> -> memref<1x6x112xi32, #tpu.memory_space<vmem>>
        %dma_start3A_359 = tpu.memref_squeeze %dma_start3A_358 : memref<1x6x112xi32, #tpu.memory_space<vmem>> -> memref<6x112xi32, #tpu.memory_space<vmem>>
        %dma_start3A_360 = arith.constant 0 : i32
        %dma_start3A_361 = arith.constant 0 : i32
        %dma_start3A_362 = tpu.memref_slice %arg3[%add3A, %add3A_355, %dma_start3A_360, %dma_start3A_361] : memref<32x15x6x112xi32, #tpu.memory_space<hbm>> -> memref<1x1x6x112xi32, #tpu.memory_space<hbm>>
        %dma_start3A_363 = tpu.memref_squeeze %dma_start3A_362 : memref<1x1x6x112xi32, #tpu.memory_space<hbm>> -> memref<6x112xi32, #tpu.memory_space<hbm>>
        %dma_start3A_364 = arith.constant 0 : i32
        %dma_start3A_365 = arith.constant 0 : i32
        %dma_start3A_366 = tpu.memref_slice %arg6[%sub3A_80, %dma_start3A_364, %dma_start3A_365] : memref<2x6x112xi32, #tpu.memory_space<vmem>> -> memref<1x6x112xi32, #tpu.memory_space<vmem>>
        %dma_start3A_367 = tpu.memref_squeeze %dma_start3A_366 : memref<1x6x112xi32, #tpu.memory_space<vmem>> -> memref<6x112xi32, #tpu.memory_space<vmem>>
        %dma_start3A_368 = arith.constant 0 : i32
        %dma_start3A_369 = arith.constant 0 : i32
        %dma_start3A_370 = tpu.memref_slice %arg3[%add3A, %add3A_355, %dma_start3A_368, %dma_start3A_369] : memref<32x15x6x112xi32, #tpu.memory_space<hbm>> -> memref<1x1x6x112xi32, #tpu.memory_space<hbm>>
        %dma_start3A_371 = tpu.memref_squeeze %dma_start3A_370 : memref<1x1x6x112xi32, #tpu.memory_space<hbm>> -> memref<6x112xi32, #tpu.memory_space<hbm>>
        tpu.enqueue_dma source(%dma_start3A_371 : memref<6x112xi32, #tpu.memory_space<hbm>>) target(%dma_start3A_367 : memref<6x112xi32, #tpu.memory_space<vmem>>) target_semaphore(%arg16 : memref<!tpu.dma_semaphore, #tpu.memory_space<semaphore_mem>>)
        %add3A_372 = arith.constant 1 : i32
        %add3A_373 = arith.addi %scan3A_70, %add3A_372 : i32
        %dma_start3A_374 = arith.constant 0 : i32
        %dma_start3A_375 = arith.constant 0 : i32
        %dma_start3A_376 = tpu.memref_slice %arg7[%sub3A_80, %dma_start3A_374, %dma_start3A_375] : memref<2x6x112xi32, #tpu.memory_space<vmem>> -> memref<1x6x112xi32, #tpu.memory_space<vmem>>
        %dma_start3A_377 = tpu.memref_squeeze %dma_start3A_376 : memref<1x6x112xi32, #tpu.memory_space<vmem>> -> memref<6x112xi32, #tpu.memory_space<vmem>>
        %dma_start3A_378 = arith.constant 0 : i32
        %dma_start3A_379 = arith.constant 0 : i32
        %dma_start3A_380 = tpu.memref_slice %arg4[%add3A, %add3A_373, %dma_start3A_378, %dma_start3A_379] : memref<32x15x6x112xi32, #tpu.memory_space<hbm>> -> memref<1x1x6x112xi32, #tpu.memory_space<hbm>>
        %dma_start3A_381 = tpu.memref_squeeze %dma_start3A_380 : memref<1x1x6x112xi32, #tpu.memory_space<hbm>> -> memref<6x112xi32, #tpu.memory_space<hbm>>
        %dma_start3A_382 = arith.constant 0 : i32
        %dma_start3A_383 = arith.constant 0 : i32
        %dma_start3A_384 = tpu.memref_slice %arg7[%sub3A_80, %dma_start3A_382, %dma_start3A_383] : memref<2x6x112xi32, #tpu.memory_space<vmem>> -> memref<1x6x112xi32, #tpu.memory_space<vmem>>
        %dma_start3A_385 = tpu.memref_squeeze %dma_start3A_384 : memref<1x6x112xi32, #tpu.memory_space<vmem>> -> memref<6x112xi32, #tpu.memory_space<vmem>>
        %dma_start3A_386 = arith.constant 0 : i32
        %dma_start3A_387 = arith.constant 0 : i32
        %dma_start3A_388 = tpu.memref_slice %arg4[%add3A, %add3A_373, %dma_start3A_386, %dma_start3A_387] : memref<32x15x6x112xi32, #tpu.memory_space<hbm>> -> memref<1x1x6x112xi32, #tpu.memory_space<hbm>>
        %dma_start3A_389 = tpu.memref_squeeze %dma_start3A_388 : memref<1x1x6x112xi32, #tpu.memory_space<hbm>> -> memref<6x112xi32, #tpu.memory_space<hbm>>
        tpu.enqueue_dma source(%dma_start3A_389 : memref<6x112xi32, #tpu.memory_space<hbm>>) target(%dma_start3A_385 : memref<6x112xi32, #tpu.memory_space<vmem>>) target_semaphore(%arg17 : memref<!tpu.dma_semaphore, #tpu.memory_space<semaphore_mem>>)
      } else {
      }
      %dma_wait3A_167 = arith.constant 0 : i32
      %dma_wait3A_168 = arith.constant 0 : i32
      %dma_wait3A_169 = arith.constant 0 : i32
      %dma_wait3A_170 = arith.constant 0 : i32
      %dma_wait3A_171 = tpu.memref_slice %arg8[%dma_wait3A_167, %dma_wait3A_169, %dma_wait3A_170] : memref<3x112x128xf32, #tpu.memory_space<vmem>> -> memref<1x112x128xf32, #tpu.memory_space<vmem>>
      %dma_wait3A_172 = tpu.memref_squeeze %dma_wait3A_171 : memref<1x112x128xf32, #tpu.memory_space<vmem>> -> memref<112x128xf32, #tpu.memory_space<vmem>>
      %dma_wait3A_173 = arith.constant 0 : i32
      %dma_wait3A_174 = tpu.memref_slice %arg7[%select_n3A_79, %dma_wait3A_168, %dma_wait3A_173] : memref<2x6x112xi32, #tpu.memory_space<vmem>> -> memref<1x1x112xi32, #tpu.memory_space<vmem>>
      %dma_wait3A_175 = tpu.memref_squeeze %dma_wait3A_174 : memref<1x1x112xi32, #tpu.memory_space<vmem>> -> memref<112xi32, #tpu.memory_space<vmem>>
      %dma_wait3A_176 = arith.constant 0 : i32
      %dma_wait3A_177 = arith.constant 0 : i32
      %dma_wait3A_178 = tpu.memref_slice %arg9[%dma_wait3A_176, %dma_wait3A_177] : memref<10240x128xf32, #tpu.memory_space<vmem_shared>> -> memref<10240x128xf32, #tpu.memory_space<vmem_shared>>
      tpu.wait_indirect_dma semaphore(%arg13 : memref<!tpu.dma_semaphore, #tpu.memory_space<semaphore_mem>>) src(%dma_wait3A_172 : memref<112x128xf32, #tpu.memory_space<vmem>>) dst(%dma_wait3A_178 : memref<10240x128xf32, #tpu.memory_space<vmem_shared>>)
      %dma_start3A_179 = arith.constant 3 : i32
      %dma_start3A_180 = arith.constant 0 : i32
      %dma_start3A_181 = arith.constant 0 : i32
      %dma_start3A_182 = arith.constant 0 : i32
      %dma_start3A_183 = tpu.memref_slice %arg8[%dma_start3A_180, %dma_start3A_181, %dma_start3A_182] : memref<3x112x128xf32, #tpu.memory_space<vmem>> -> memref<1x112x128xf32, #tpu.memory_space<vmem>>
      %dma_start3A_184 = tpu.memref_squeeze %dma_start3A_183 : memref<1x112x128xf32, #tpu.memory_space<vmem>> -> memref<112x128xf32, #tpu.memory_space<vmem>>
      %dma_start3A_185 = arith.constant 0 : i32
      %dma_start3A_186 = tpu.memref_slice %arg6[%select_n3A_79, %dma_start3A_179, %dma_start3A_185] : memref<2x6x112xi32, #tpu.memory_space<vmem>> -> memref<1x1x112xi32, #tpu.memory_space<vmem>>
      %dma_start3A_187 = tpu.memref_squeeze %dma_start3A_186 : memref<1x1x112xi32, #tpu.memory_space<vmem>> -> memref<112xi32, #tpu.memory_space<vmem>>
      %dma_start3A_188 = arith.constant 0 : i32
      %dma_start3A_189 = arith.constant 0 : i32
      %dma_start3A_190 = tpu.memref_slice %arg2[%dma_start3A_188, %dma_start3A_189] : memref<10000x128xf32, #tpu.memory_space<hbm>> -> memref<10000x128xf32, #tpu.memory_space<hbm>>
      tpu.enqueue_indirect_dma source(%dma_start3A_190 : memref<10000x128xf32, #tpu.memory_space<hbm>>) target(%dma_start3A_184 : memref<112x128xf32, #tpu.memory_space<vmem>>) offsets(%dma_start3A_187 : memref<112xi32, #tpu.memory_space<vmem>>) semaphore(%arg10 : memref<!tpu.dma_semaphore, #tpu.memory_space<semaphore_mem>>)
      %dma_wait3A_191 = arith.constant 2 : i32
      %dma_wait3A_192 = arith.constant 2 : i32
      %dma_wait3A_193 = arith.constant 0 : i32
      %dma_wait3A_194 = arith.constant 0 : i32
      %dma_wait3A_195 = tpu.memref_slice %arg8[%dma_wait3A_192, %dma_wait3A_193, %dma_wait3A_194] : memref<3x112x128xf32, #tpu.memory_space<vmem>> -> memref<1x112x128xf32, #tpu.memory_space<vmem>>
      %dma_wait3A_196 = tpu.memref_squeeze %dma_wait3A_195 : memref<1x112x128xf32, #tpu.memory_space<vmem>> -> memref<112x128xf32, #tpu.memory_space<vmem>>
      %dma_wait3A_197 = arith.constant 0 : i32
      %dma_wait3A_198 = tpu.memref_slice %arg6[%select_n3A_79, %dma_wait3A_191, %dma_wait3A_197] : memref<2x6x112xi32, #tpu.memory_space<vmem>> -> memref<1x1x112xi32, #tpu.memory_space<vmem>>
      %dma_wait3A_199 = tpu.memref_squeeze %dma_wait3A_198 : memref<1x1x112xi32, #tpu.memory_space<vmem>> -> memref<112xi32, #tpu.memory_space<vmem>>
      %dma_wait3A_200 = arith.constant 0 : i32
      %dma_wait3A_201 = arith.constant 0 : i32
      %dma_wait3A_202 = tpu.memref_slice %arg2[%dma_wait3A_200, %dma_wait3A_201] : memref<10000x128xf32, #tpu.memory_space<hbm>> -> memref<10000x128xf32, #tpu.memory_space<hbm>>
      tpu.wait_indirect_dma semaphore(%arg12 : memref<!tpu.dma_semaphore, #tpu.memory_space<semaphore_mem>>) src(%dma_wait3A_202 : memref<10000x128xf32, #tpu.memory_space<hbm>>) dst(%dma_wait3A_196 : memref<112x128xf32, #tpu.memory_space<vmem>>)
      %dma_start3A_203 = arith.constant 2 : i32
      %dma_start3A_204 = arith.constant 2 : i32
      %dma_start3A_205 = arith.constant 0 : i32
      %dma_start3A_206 = arith.constant 0 : i32
      %dma_start3A_207 = tpu.memref_slice %arg8[%dma_start3A_203, %dma_start3A_205, %dma_start3A_206] : memref<3x112x128xf32, #tpu.memory_space<vmem>> -> memref<1x112x128xf32, #tpu.memory_space<vmem>>
      %dma_start3A_208 = tpu.memref_squeeze %dma_start3A_207 : memref<1x112x128xf32, #tpu.memory_space<vmem>> -> memref<112x128xf32, #tpu.memory_space<vmem>>
      %dma_start3A_209 = arith.constant 0 : i32
      %dma_start3A_210 = tpu.memref_slice %arg7[%select_n3A_79, %dma_start3A_204, %dma_start3A_209] : memref<2x6x112xi32, #tpu.memory_space<vmem>> -> memref<1x1x112xi32, #tpu.memory_space<vmem>>
      %dma_start3A_211 = tpu.memref_squeeze %dma_start3A_210 : memref<1x1x112xi32, #tpu.memory_space<vmem>> -> memref<112xi32, #tpu.memory_space<vmem>>
      %dma_start3A_212 = arith.constant 0 : i32
      %dma_start3A_213 = arith.constant 0 : i32
      %dma_start3A_214 = tpu.memref_slice %arg9[%dma_start3A_212, %dma_start3A_213] : memref<10240x128xf32, #tpu.memory_space<vmem_shared>> -> memref<10240x128xf32, #tpu.memory_space<vmem_shared>>
      tpu.enqueue_indirect_dma source(%dma_start3A_208 : memref<112x128xf32, #tpu.memory_space<vmem>>) target(%dma_start3A_214 : memref<10240x128xf32, #tpu.memory_space<vmem_shared>>) offsets(%dma_start3A_211 : memref<112xi32, #tpu.memory_space<vmem>>) semaphore(%arg15 : memref<!tpu.dma_semaphore, #tpu.memory_space<semaphore_mem>>) {add = true}
      %dma_wait3A_215 = arith.constant 1 : i32
      %dma_wait3A_216 = arith.constant 1 : i32
      %dma_wait3A_217 = arith.constant 0 : i32
      %dma_wait3A_218 = arith.constant 0 : i32
      %dma_wait3A_219 = tpu.memref_slice %arg8[%dma_wait3A_215, %dma_wait3A_217, %dma_wait3A_218] : memref<3x112x128xf32, #tpu.memory_space<vmem>> -> memref<1x112x128xf32, #tpu.memory_space<vmem>>
      %dma_wait3A_220 = tpu.memref_squeeze %dma_wait3A_219 : memref<1x112x128xf32, #tpu.memory_space<vmem>> -> memref<112x128xf32, #tpu.memory_space<vmem>>
      %dma_wait3A_221 = arith.constant 0 : i32
      %dma_wait3A_222 = tpu.memref_slice %arg7[%select_n3A_79, %dma_wait3A_216, %dma_wait3A_221] : memref<2x6x112xi32, #tpu.memory_space<vmem>> -> memref<1x1x112xi32, #tpu.memory_space<vmem>>
      %dma_wait3A_223 = tpu.memref_squeeze %dma_wait3A_222 : memref<1x1x112xi32, #tpu.memory_space<vmem>> -> memref<112xi32, #tpu.memory_space<vmem>>
      %dma_wait3A_224 = arith.constant 0 : i32
      %dma_wait3A_225 = arith.constant 0 : i32
      %dma_wait3A_226 = tpu.memref_slice %arg9[%dma_wait3A_224, %dma_wait3A_225] : memref<10240x128xf32, #tpu.memory_space<vmem_shared>> -> memref<10240x128xf32, #tpu.memory_space<vmem_shared>>
      tpu.wait_indirect_dma semaphore(%arg14 : memref<!tpu.dma_semaphore, #tpu.memory_space<semaphore_mem>>) src(%dma_wait3A_220 : memref<112x128xf32, #tpu.memory_space<vmem>>) dst(%dma_wait3A_226 : memref<10240x128xf32, #tpu.memory_space<vmem_shared>>)
      %dma_start3A_227 = arith.constant 4 : i32
      %dma_start3A_228 = arith.constant 1 : i32
      %dma_start3A_229 = arith.constant 0 : i32
      %dma_start3A_230 = arith.constant 0 : i32
      %dma_start3A_231 = tpu.memref_slice %arg8[%dma_start3A_228, %dma_start3A_229, %dma_start3A_230] : memref<3x112x128xf32, #tpu.memory_space<vmem>> -> memref<1x112x128xf32, #tpu.memory_space<vmem>>
      %dma_start3A_232 = tpu.memref_squeeze %dma_start3A_231 : memref<1x112x128xf32, #tpu.memory_space<vmem>> -> memref<112x128xf32, #tpu.memory_space<vmem>>
      %dma_start3A_233 = arith.constant 0 : i32
      %dma_start3A_234 = tpu.memref_slice %arg6[%select_n3A_79, %dma_start3A_227, %dma_start3A_233] : memref<2x6x112xi32, #tpu.memory_space<vmem>> -> memref<1x1x112xi32, #tpu.memory_space<vmem>>
      %dma_start3A_235 = tpu.memref_squeeze %dma_start3A_234 : memref<1x1x112xi32, #tpu.memory_space<vmem>> -> memref<112xi32, #tpu.memory_space<vmem>>
      %dma_start3A_236 = arith.constant 0 : i32
      %dma_start3A_237 = arith.constant 0 : i32
      %dma_start3A_238 = tpu.memref_slice %arg2[%dma_start3A_236, %dma_start3A_237] : memref<10000x128xf32, #tpu.memory_space<hbm>> -> memref<10000x128xf32, #tpu.memory_space<hbm>>
      tpu.enqueue_indirect_dma source(%dma_start3A_238 : memref<10000x128xf32, #tpu.memory_space<hbm>>) target(%dma_start3A_232 : memref<112x128xf32, #tpu.memory_space<vmem>>) offsets(%dma_start3A_235 : memref<112xi32, #tpu.memory_space<vmem>>) semaphore(%arg11 : memref<!tpu.dma_semaphore, #tpu.memory_space<semaphore_mem>>)
      %dma_wait3A_239 = arith.constant 3 : i32
      %dma_wait3A_240 = arith.constant 0 : i32
      %dma_wait3A_241 = arith.constant 0 : i32
      %dma_wait3A_242 = arith.constant 0 : i32
      %dma_wait3A_243 = tpu.memref_slice %arg8[%dma_wait3A_240, %dma_wait3A_241, %dma_wait3A_242] : memref<3x112x128xf32, #tpu.memory_space<vmem>> -> memref<1x112x128xf32, #tpu.memory_space<vmem>>
      %dma_wait3A_244 = tpu.memref_squeeze %dma_wait3A_243 : memref<1x112x128xf32, #tpu.memory_space<vmem>> -> memref<112x128xf32, #tpu.memory_space<vmem>>
      %dma_wait3A_245 = arith.constant 0 : i32
      %dma_wait3A_246 = tpu.memref_slice %arg6[%select_n3A_79, %dma_wait3A_239, %dma_wait3A_245] : memref<2x6x112xi32, #tpu.memory_space<vmem>> -> memref<1x1x112xi32, #tpu.memory_space<vmem>>
      %dma_wait3A_247 = tpu.memref_squeeze %dma_wait3A_246 : memref<1x1x112xi32, #tpu.memory_space<vmem>> -> memref<112xi32, #tpu.memory_space<vmem>>
      %dma_wait3A_248 = arith.constant 0 : i32
      %dma_wait3A_249 = arith.constant 0 : i32
      %dma_wait3A_250 = tpu.memref_slice %arg2[%dma_wait3A_248, %dma_wait3A_249] : memref<10000x128xf32, #tpu.memory_space<hbm>> -> memref<10000x128xf32, #tpu.memory_space<hbm>>
      tpu.wait_indirect_dma semaphore(%arg10 : memref<!tpu.dma_semaphore, #tpu.memory_space<semaphore_mem>>) src(%dma_wait3A_250 : memref<10000x128xf32, #tpu.memory_space<hbm>>) dst(%dma_wait3A_244 : memref<112x128xf32, #tpu.memory_space<vmem>>)
      %dma_start3A_251 = arith.constant 0 : i32
      %dma_start3A_252 = arith.constant 3 : i32
      %dma_start3A_253 = arith.constant 0 : i32
      %dma_start3A_254 = arith.constant 0 : i32
      %dma_start3A_255 = tpu.memref_slice %arg8[%dma_start3A_251, %dma_start3A_253, %dma_start3A_254] : memref<3x112x128xf32, #tpu.memory_space<vmem>> -> memref<1x112x128xf32, #tpu.memory_space<vmem>>
      %dma_start3A_256 = tpu.memref_squeeze %dma_start3A_255 : memref<1x112x128xf32, #tpu.memory_space<vmem>> -> memref<112x128xf32, #tpu.memory_space<vmem>>
      %dma_start3A_257 = arith.constant 0 : i32
      %dma_start3A_258 = tpu.memref_slice %arg7[%select_n3A_79, %dma_start3A_252, %dma_start3A_257] : memref<2x6x112xi32, #tpu.memory_space<vmem>> -> memref<1x1x112xi32, #tpu.memory_space<vmem>>
      %dma_start3A_259 = tpu.memref_squeeze %dma_start3A_258 : memref<1x1x112xi32, #tpu.memory_space<vmem>> -> memref<112xi32, #tpu.memory_space<vmem>>
      %dma_start3A_260 = arith.constant 0 : i32
      %dma_start3A_261 = arith.constant 0 : i32
      %dma_start3A_262 = tpu.memref_slice %arg9[%dma_start3A_260, %dma_start3A_261] : memref<10240x128xf32, #tpu.memory_space<vmem_shared>> -> memref<10240x128xf32, #tpu.memory_space<vmem_shared>>
      tpu.enqueue_indirect_dma source(%dma_start3A_256 : memref<112x128xf32, #tpu.memory_space<vmem>>) target(%dma_start3A_262 : memref<10240x128xf32, #tpu.memory_space<vmem_shared>>) offsets(%dma_start3A_259 : memref<112xi32, #tpu.memory_space<vmem>>) semaphore(%arg13 : memref<!tpu.dma_semaphore, #tpu.memory_space<semaphore_mem>>) {add = true}
      %dma_wait3A_263 = arith.constant 2 : i32
      %dma_wait3A_264 = arith.constant 2 : i32
      %dma_wait3A_265 = arith.constant 0 : i32
      %dma_wait3A_266 = arith.constant 0 : i32
      %dma_wait3A_267 = tpu.memref_slice %arg8[%dma_wait3A_263, %dma_wait3A_265, %dma_wait3A_266] : memref<3x112x128xf32, #tpu.memory_space<vmem>> -> memref<1x112x128xf32, #tpu.memory_space<vmem>>
      %dma_wait3A_268 = tpu.memref_squeeze %dma_wait3A_267 : memref<1x112x128xf32, #tpu.memory_space<vmem>> -> memref<112x128xf32, #tpu.memory_space<vmem>>
      %dma_wait3A_269 = arith.constant 0 : i32
      %dma_wait3A_270 = tpu.memref_slice %arg7[%select_n3A_79, %dma_wait3A_264, %dma_wait3A_269] : memref<2x6x112xi32, #tpu.memory_space<vmem>> -> memref<1x1x112xi32, #tpu.memory_space<vmem>>
      %dma_wait3A_271 = tpu.memref_squeeze %dma_wait3A_270 : memref<1x1x112xi32, #tpu.memory_space<vmem>> -> memref<112xi32, #tpu.memory_space<vmem>>
      %dma_wait3A_272 = arith.constant 0 : i32
      %dma_wait3A_273 = arith.constant 0 : i32
      %dma_wait3A_274 = tpu.memref_slice %arg9[%dma_wait3A_272, %dma_wait3A_273] : memref<10240x128xf32, #tpu.memory_space<vmem_shared>> -> memref<10240x128xf32, #tpu.memory_space<vmem_shared>>
      tpu.wait_indirect_dma semaphore(%arg15 : memref<!tpu.dma_semaphore, #tpu.memory_space<semaphore_mem>>) src(%dma_wait3A_268 : memref<112x128xf32, #tpu.memory_space<vmem>>) dst(%dma_wait3A_274 : memref<10240x128xf32, #tpu.memory_space<vmem_shared>>)
      %dma_start3A_275 = arith.constant 5 : i32
      %dma_start3A_276 = arith.constant 2 : i32
      %dma_start3A_277 = arith.constant 0 : i32
      %dma_start3A_278 = arith.constant 0 : i32
      %dma_start3A_279 = tpu.memref_slice %arg8[%dma_start3A_276, %dma_start3A_277, %dma_start3A_278] : memref<3x112x128xf32, #tpu.memory_space<vmem>> -> memref<1x112x128xf32, #tpu.memory_space<vmem>>
      %dma_start3A_280 = tpu.memref_squeeze %dma_start3A_279 : memref<1x112x128xf32, #tpu.memory_space<vmem>> -> memref<112x128xf32, #tpu.memory_space<vmem>>
      %dma_start3A_281 = arith.constant 0 : i32
      %dma_start3A_282 = tpu.memref_slice %arg6[%select_n3A_79, %dma_start3A_275, %dma_start3A_281] : memref<2x6x112xi32, #tpu.memory_space<vmem>> -> memref<1x1x112xi32, #tpu.memory_space<vmem>>
      %dma_start3A_283 = tpu.memref_squeeze %dma_start3A_282 : memref<1x1x112xi32, #tpu.memory_space<vmem>> -> memref<112xi32, #tpu.memory_space<vmem>>
      %dma_start3A_284 = arith.constant 0 : i32
      %dma_start3A_285 = arith.constant 0 : i32
      %dma_start3A_286 = tpu.memref_slice %arg2[%dma_start3A_284, %dma_start3A_285] : memref<10000x128xf32, #tpu.memory_space<hbm>> -> memref<10000x128xf32, #tpu.memory_space<hbm>>
      tpu.enqueue_indirect_dma source(%dma_start3A_286 : memref<10000x128xf32, #tpu.memory_space<hbm>>) target(%dma_start3A_280 : memref<112x128xf32, #tpu.memory_space<vmem>>) offsets(%dma_start3A_283 : memref<112xi32, #tpu.memory_space<vmem>>) semaphore(%arg12 : memref<!tpu.dma_semaphore, #tpu.memory_space<semaphore_mem>>)
      %dma_wait3A_287 = arith.constant 4 : i32
      %dma_wait3A_288 = arith.constant 1 : i32
      %dma_wait3A_289 = arith.constant 0 : i32
      %dma_wait3A_290 = arith.constant 0 : i32
      %dma_wait3A_291 = tpu.memref_slice %arg8[%dma_wait3A_288, %dma_wait3A_289, %dma_wait3A_290] : memref<3x112x128xf32, #tpu.memory_space<vmem>> -> memref<1x112x128xf32, #tpu.memory_space<vmem>>
      %dma_wait3A_292 = tpu.memref_squeeze %dma_wait3A_291 : memref<1x112x128xf32, #tpu.memory_space<vmem>> -> memref<112x128xf32, #tpu.memory_space<vmem>>
      %dma_wait3A_293 = arith.constant 0 : i32
      %dma_wait3A_294 = tpu.memref_slice %arg6[%select_n3A_79, %dma_wait3A_287, %dma_wait3A_293] : memref<2x6x112xi32, #tpu.memory_space<vmem>> -> memref<1x1x112xi32, #tpu.memory_space<vmem>>
      %dma_wait3A_295 = tpu.memref_squeeze %dma_wait3A_294 : memref<1x1x112xi32, #tpu.memory_space<vmem>> -> memref<112xi32, #tpu.memory_space<vmem>>
      %dma_wait3A_296 = arith.constant 0 : i32
      %dma_wait3A_297 = arith.constant 0 : i32
      %dma_wait3A_298 = tpu.memref_slice %arg2[%dma_wait3A_296, %dma_wait3A_297] : memref<10000x128xf32, #tpu.memory_space<hbm>> -> memref<10000x128xf32, #tpu.memory_space<hbm>>
      tpu.wait_indirect_dma semaphore(%arg11 : memref<!tpu.dma_semaphore, #tpu.memory_space<semaphore_mem>>) src(%dma_wait3A_298 : memref<10000x128xf32, #tpu.memory_space<hbm>>) dst(%dma_wait3A_292 : memref<112x128xf32, #tpu.memory_space<vmem>>)
      %dma_start3A_299 = arith.constant 1 : i32
      %dma_start3A_300 = arith.constant 4 : i32
      %dma_start3A_301 = arith.constant 0 : i32
      %dma_start3A_302 = arith.constant 0 : i32
      %dma_start3A_303 = tpu.memref_slice %arg8[%dma_start3A_299, %dma_start3A_301, %dma_start3A_302] : memref<3x112x128xf32, #tpu.memory_space<vmem>> -> memref<1x112x128xf32, #tpu.memory_space<vmem>>
      %dma_start3A_304 = tpu.memref_squeeze %dma_start3A_303 : memref<1x112x128xf32, #tpu.memory_space<vmem>> -> memref<112x128xf32, #tpu.memory_space<vmem>>
      %dma_start3A_305 = arith.constant 0 : i32
      %dma_start3A_306 = tpu.memref_slice %arg7[%select_n3A_79, %dma_start3A_300, %dma_start3A_305] : memref<2x6x112xi32, #tpu.memory_space<vmem>> -> memref<1x1x112xi32, #tpu.memory_space<vmem>>
      %dma_start3A_307 = tpu.memref_squeeze %dma_start3A_306 : memref<1x1x112xi32, #tpu.memory_space<vmem>> -> memref<112xi32, #tpu.memory_space<vmem>>
      %dma_start3A_308 = arith.constant 0 : i32
      %dma_start3A_309 = arith.constant 0 : i32
      %dma_start3A_310 = tpu.memref_slice %arg9[%dma_start3A_308, %dma_start3A_309] : memref<10240x128xf32, #tpu.memory_space<vmem_shared>> -> memref<10240x128xf32, #tpu.memory_space<vmem_shared>>
      tpu.enqueue_indirect_dma source(%dma_start3A_304 : memref<112x128xf32, #tpu.memory_space<vmem>>) target(%dma_start3A_310 : memref<10240x128xf32, #tpu.memory_space<vmem_shared>>) offsets(%dma_start3A_307 : memref<112xi32, #tpu.memory_space<vmem>>) semaphore(%arg14 : memref<!tpu.dma_semaphore, #tpu.memory_space<semaphore_mem>>) {add = true}
      %dma_wait3A_311 = arith.constant 0 : i32
      %dma_wait3A_312 = arith.constant 3 : i32
      %dma_wait3A_313 = arith.constant 0 : i32
      %dma_wait3A_314 = arith.constant 0 : i32
      %dma_wait3A_315 = tpu.memref_slice %arg8[%dma_wait3A_311, %dma_wait3A_313, %dma_wait3A_314] : memref<3x112x128xf32, #tpu.memory_space<vmem>> -> memref<1x112x128xf32, #tpu.memory_space<vmem>>
      %dma_wait3A_316 = tpu.memref_squeeze %dma_wait3A_315 : memref<1x112x128xf32, #tpu.memory_space<vmem>> -> memref<112x128xf32, #tpu.memory_space<vmem>>
      %dma_wait3A_317 = arith.constant 0 : i32
      %dma_wait3A_318 = tpu.memref_slice %arg7[%select_n3A_79, %dma_wait3A_312, %dma_wait3A_317] : memref<2x6x112xi32, #tpu.memory_space<vmem>> -> memref<1x1x112xi32, #tpu.memory_space<vmem>>
      %dma_wait3A_319 = tpu.memref_squeeze %dma_wait3A_318 : memref<1x1x112xi32, #tpu.memory_space<vmem>> -> memref<112xi32, #tpu.memory_space<vmem>>
      %dma_wait3A_320 = arith.constant 0 : i32
      %dma_wait3A_321 = arith.constant 0 : i32
      %dma_wait3A_322 = tpu.memref_slice %arg9[%dma_wait3A_320, %dma_wait3A_321] : memref<10240x128xf32, #tpu.memory_space<vmem_shared>> -> memref<10240x128xf32, #tpu.memory_space<vmem_shared>>
      tpu.wait_indirect_dma semaphore(%arg13 : memref<!tpu.dma_semaphore, #tpu.memory_space<semaphore_mem>>) src(%dma_wait3A_316 : memref<112x128xf32, #tpu.memory_space<vmem>>) dst(%dma_wait3A_322 : memref<10240x128xf32, #tpu.memory_space<vmem_shared>>)
      %add3A_323 = arith.constant 1 : i32
      %add3A_324 = arith.addi %scan3A_70, %add3A_323 : i32
      %lt3A_325 = arith.constant 15 : i32
      %lt3A_326 = arith.cmpi slt, %add3A_324, %lt3A_325 : i32
      %convert_element_type3A_327 = arith.extui %lt3A_326 : i1 to i32
      %cond3A_328 = arith.constant 0 : i32
      %cond3A_329 = arith.cmpi ne, %convert_element_type3A_327, %cond3A_328 : i32
      scf.if %cond3A_329 {
        %add3A_354 = arith.constant 1 : i32
        %add3A_355 = arith.addi %scan3A_70, %add3A_354 : i32
        %dma_wait3A_356 = arith.constant 0 : i32
        %dma_wait3A_357 = arith.constant 0 : i32
        %dma_wait3A_358 = tpu.memref_slice %arg6[%sub3A_80, %dma_wait3A_356, %dma_wait3A_357] : memref<2x6x112xi32, #tpu.memory_space<vmem>> -> memref<1x6x112xi32, #tpu.memory_space<vmem>>
        %dma_wait3A_359 = tpu.memref_squeeze %dma_wait3A_358 : memref<1x6x112xi32, #tpu.memory_space<vmem>> -> memref<6x112xi32, #tpu.memory_space<vmem>>
        %dma_wait3A_360 = arith.constant 0 : i32
        %dma_wait3A_361 = arith.constant 0 : i32
        %dma_wait3A_362 = tpu.memref_slice %arg3[%add3A, %add3A_355, %dma_wait3A_360, %dma_wait3A_361] : memref<32x15x6x112xi32, #tpu.memory_space<hbm>> -> memref<1x1x6x112xi32, #tpu.memory_space<hbm>>
        %dma_wait3A_363 = tpu.memref_squeeze %dma_wait3A_362 : memref<1x1x6x112xi32, #tpu.memory_space<hbm>> -> memref<6x112xi32, #tpu.memory_space<hbm>>
        %dma_wait3A_364 = arith.constant 0 : i32
        %dma_wait3A_365 = arith.constant 0 : i32
        %dma_wait3A_366 = tpu.memref_slice %arg6[%sub3A_80, %dma_wait3A_364, %dma_wait3A_365] : memref<2x6x112xi32, #tpu.memory_space<vmem>> -> memref<1x6x112xi32, #tpu.memory_space<vmem>>
        %dma_wait3A_367 = tpu.memref_squeeze %dma_wait3A_366 : memref<1x6x112xi32, #tpu.memory_space<vmem>> -> memref<6x112xi32, #tpu.memory_space<vmem>>
        %dma_wait3A_368 = arith.constant 0 : i32
        %dma_wait3A_369 = arith.constant 0 : i32
        %dma_wait3A_370 = tpu.memref_slice %arg3[%add3A, %add3A_355, %dma_wait3A_368, %dma_wait3A_369] : memref<32x15x6x112xi32, #tpu.memory_space<hbm>> -> memref<1x1x6x112xi32, #tpu.memory_space<hbm>>
        %dma_wait3A_371 = tpu.memref_squeeze %dma_wait3A_370 : memref<1x1x6x112xi32, #tpu.memory_space<hbm>> -> memref<6x112xi32, #tpu.memory_space<hbm>>
        tpu.wait_dma2 semaphore(%arg16 : memref<!tpu.dma_semaphore, #tpu.memory_space<semaphore_mem>>) src(%dma_wait3A_371 : memref<6x112xi32, #tpu.memory_space<hbm>>) dst(%dma_wait3A_367 : memref<6x112xi32, #tpu.memory_space<vmem>>)
        %add3A_372 = arith.constant 1 : i32
        %add3A_373 = arith.addi %scan3A_70, %add3A_372 : i32
        %dma_wait3A_374 = arith.constant 0 : i32
        %dma_wait3A_375 = arith.constant 0 : i32
        %dma_wait3A_376 = tpu.memref_slice %arg7[%sub3A_80, %dma_wait3A_374, %dma_wait3A_375] : memref<2x6x112xi32, #tpu.memory_space<vmem>> -> memref<1x6x112xi32, #tpu.memory_space<vmem>>
        %dma_wait3A_377 = tpu.memref_squeeze %dma_wait3A_376 : memref<1x6x112xi32, #tpu.memory_space<vmem>> -> memref<6x112xi32, #tpu.memory_space<vmem>>
        %dma_wait3A_378 = arith.constant 0 : i32
        %dma_wait3A_379 = arith.constant 0 : i32
        %dma_wait3A_380 = tpu.memref_slice %arg4[%add3A, %add3A_373, %dma_wait3A_378, %dma_wait3A_379] : memref<32x15x6x112xi32, #tpu.memory_space<hbm>> -> memref<1x1x6x112xi32, #tpu.memory_space<hbm>>
        %dma_wait3A_381 = tpu.memref_squeeze %dma_wait3A_380 : memref<1x1x6x112xi32, #tpu.memory_space<hbm>> -> memref<6x112xi32, #tpu.memory_space<hbm>>
        %dma_wait3A_382 = arith.constant 0 : i32
        %dma_wait3A_383 = arith.constant 0 : i32
        %dma_wait3A_384 = tpu.memref_slice %arg7[%sub3A_80, %dma_wait3A_382, %dma_wait3A_383] : memref<2x6x112xi32, #tpu.memory_space<vmem>> -> memref<1x6x112xi32, #tpu.memory_space<vmem>>
        %dma_wait3A_385 = tpu.memref_squeeze %dma_wait3A_384 : memref<1x6x112xi32, #tpu.memory_space<vmem>> -> memref<6x112xi32, #tpu.memory_space<vmem>>
        %dma_wait3A_386 = arith.constant 0 : i32
        %dma_wait3A_387 = arith.constant 0 : i32
        %dma_wait3A_388 = tpu.memref_slice %arg4[%add3A, %add3A_373, %dma_wait3A_386, %dma_wait3A_387] : memref<32x15x6x112xi32, #tpu.memory_space<hbm>> -> memref<1x1x6x112xi32, #tpu.memory_space<hbm>>
        %dma_wait3A_389 = tpu.memref_squeeze %dma_wait3A_388 : memref<1x1x6x112xi32, #tpu.memory_space<hbm>> -> memref<6x112xi32, #tpu.memory_space<hbm>>
        tpu.wait_dma2 semaphore(%arg17 : memref<!tpu.dma_semaphore, #tpu.memory_space<semaphore_mem>>) src(%dma_wait3A_389 : memref<6x112xi32, #tpu.memory_space<hbm>>) dst(%dma_wait3A_385 : memref<6x112xi32, #tpu.memory_space<vmem>>)
        %dma_start3A_390 = arith.constant 0 : i32
        %dma_start3A_391 = arith.constant 0 : i32
        %dma_start3A_392 = arith.constant 0 : i32
        %dma_start3A_393 = arith.constant 0 : i32
        %dma_start3A_394 = tpu.memref_slice %arg8[%dma_start3A_391, %dma_start3A_392, %dma_start3A_393] : memref<3x112x128xf32, #tpu.memory_space<vmem>> -> memref<1x112x128xf32, #tpu.memory_space<vmem>>
        %dma_start3A_395 = tpu.memref_squeeze %dma_start3A_394 : memref<1x112x128xf32, #tpu.memory_space<vmem>> -> memref<112x128xf32, #tpu.memory_space<vmem>>
        %dma_start3A_396 = arith.constant 0 : i32
        %dma_start3A_397 = tpu.memref_slice %arg6[%sub3A_80, %dma_start3A_390, %dma_start3A_396] : memref<2x6x112xi32, #tpu.memory_space<vmem>> -> memref<1x1x112xi32, #tpu.memory_space<vmem>>
        %dma_start3A_398 = tpu.memref_squeeze %dma_start3A_397 : memref<1x1x112xi32, #tpu.memory_space<vmem>> -> memref<112xi32, #tpu.memory_space<vmem>>
        %dma_start3A_399 = arith.constant 0 : i32
        %dma_start3A_400 = arith.constant 0 : i32
        %dma_start3A_401 = tpu.memref_slice %arg2[%dma_start3A_399, %dma_start3A_400] : memref<10000x128xf32, #tpu.memory_space<hbm>> -> memref<10000x128xf32, #tpu.memory_space<hbm>>
        tpu.enqueue_indirect_dma source(%dma_start3A_401 : memref<10000x128xf32, #tpu.memory_space<hbm>>) target(%dma_start3A_395 : memref<112x128xf32, #tpu.memory_space<vmem>>) offsets(%dma_start3A_398 : memref<112xi32, #tpu.memory_space<vmem>>) semaphore(%arg10 : memref<!tpu.dma_semaphore, #tpu.memory_space<semaphore_mem>>)
      } else {
      }
      %dma_wait3A_330 = arith.constant 5 : i32
      %dma_wait3A_331 = arith.constant 2 : i32
      %dma_wait3A_332 = arith.constant 0 : i32
      %dma_wait3A_333 = arith.constant 0 : i32
      %dma_wait3A_334 = tpu.memref_slice %arg8[%dma_wait3A_331, %dma_wait3A_332, %dma_wait3A_333] : memref<3x112x128xf32, #tpu.memory_space<vmem>> -> memref<1x112x128xf32, #tpu.memory_space<vmem>>
      %dma_wait3A_335 = tpu.memref_squeeze %dma_wait3A_334 : memref<1x112x128xf32, #tpu.memory_space<vmem>> -> memref<112x128xf32, #tpu.memory_space<vmem>>
      %dma_wait3A_336 = arith.constant 0 : i32
      %dma_wait3A_337 = tpu.memref_slice %arg6[%select_n3A_79, %dma_wait3A_330, %dma_wait3A_336] : memref<2x6x112xi32, #tpu.memory_space<vmem>> -> memref<1x1x112xi32, #tpu.memory_space<vmem>>
      %dma_wait3A_338 = tpu.memref_squeeze %dma_wait3A_337 : memref<1x1x112xi32, #tpu.memory_space<vmem>> -> memref<112xi32, #tpu.memory_space<vmem>>
      %dma_wait3A_339 = arith.constant 0 : i32
      %dma_wait3A_340 = arith.constant 0 : i32
      %dma_wait3A_341 = tpu.memref_slice %arg2[%dma_wait3A_339, %dma_wait3A_340] : memref<10000x128xf32, #tpu.memory_space<hbm>> -> memref<10000x128xf32, #tpu.memory_space<hbm>>
      tpu.wait_indirect_dma semaphore(%arg12 : memref<!tpu.dma_semaphore, #tpu.memory_space<semaphore_mem>>) src(%dma_wait3A_341 : memref<10000x128xf32, #tpu.memory_space<hbm>>) dst(%dma_wait3A_335 : memref<112x128xf32, #tpu.memory_space<vmem>>)
      %dma_start3A_342 = arith.constant 2 : i32
      %dma_start3A_343 = arith.constant 5 : i32
      %dma_start3A_344 = arith.constant 0 : i32
      %dma_start3A_345 = arith.constant 0 : i32
      %dma_start3A_346 = tpu.memref_slice %arg8[%dma_start3A_342, %dma_start3A_344, %dma_start3A_345] : memref<3x112x128xf32, #tpu.memory_space<vmem>> -> memref<1x112x128xf32, #tpu.memory_space<vmem>>
      %dma_start3A_347 = tpu.memref_squeeze %dma_start3A_346 : memref<1x112x128xf32, #tpu.memory_space<vmem>> -> memref<112x128xf32, #tpu.memory_space<vmem>>
      %dma_start3A_348 = arith.constant 0 : i32
      %dma_start3A_349 = tpu.memref_slice %arg7[%select_n3A_79, %dma_start3A_343, %dma_start3A_348] : memref<2x6x112xi32, #tpu.memory_space<vmem>> -> memref<1x1x112xi32, #tpu.memory_space<vmem>>
      %dma_start3A_350 = tpu.memref_squeeze %dma_start3A_349 : memref<1x1x112xi32, #tpu.memory_space<vmem>> -> memref<112xi32, #tpu.memory_space<vmem>>
      %dma_start3A_351 = arith.constant 0 : i32
      %dma_start3A_352 = arith.constant 0 : i32
      %dma_start3A_353 = tpu.memref_slice %arg9[%dma_start3A_351, %dma_start3A_352] : memref<10240x128xf32, #tpu.memory_space<vmem_shared>> -> memref<10240x128xf32, #tpu.memory_space<vmem_shared>>
      tpu.enqueue_indirect_dma source(%dma_start3A_347 : memref<112x128xf32, #tpu.memory_space<vmem>>) target(%dma_start3A_353 : memref<10240x128xf32, #tpu.memory_space<vmem_shared>>) offsets(%dma_start3A_350 : memref<112xi32, #tpu.memory_space<vmem>>) semaphore(%arg15 : memref<!tpu.dma_semaphore, #tpu.memory_space<semaphore_mem>>) {add = true}
    }
    %scan3A_39 = arith.constant 15 : i32
    %dma_wait3A = arith.constant 1 : i32
    %dma_wait3A_40 = arith.constant 0 : i32
    %dma_wait3A_41 = arith.constant 4 : i32
    %dma_wait3A_42 = arith.constant 0 : i32
    %dma_wait3A_43 = arith.constant 0 : i32
    %dma_wait3A_44 = tpu.memref_slice %arg8[%dma_wait3A, %dma_wait3A_42, %dma_wait3A_43] : memref<3x112x128xf32, #tpu.memory_space<vmem>> -> memref<1x112x128xf32, #tpu.memory_space<vmem>>
    %dma_wait3A_45 = tpu.memref_squeeze %dma_wait3A_44 : memref<1x112x128xf32, #tpu.memory_space<vmem>> -> memref<112x128xf32, #tpu.memory_space<vmem>>
    %dma_wait3A_46 = arith.constant 0 : i32
    %dma_wait3A_47 = tpu.memref_slice %arg7[%dma_wait3A_40, %dma_wait3A_41, %dma_wait3A_46] : memref<2x6x112xi32, #tpu.memory_space<vmem>> -> memref<1x1x112xi32, #tpu.memory_space<vmem>>
    %dma_wait3A_48 = tpu.memref_squeeze %dma_wait3A_47 : memref<1x1x112xi32, #tpu.memory_space<vmem>> -> memref<112xi32, #tpu.memory_space<vmem>>
    %dma_wait3A_49 = arith.constant 0 : i32
    %dma_wait3A_50 = arith.constant 0 : i32
    %dma_wait3A_51 = tpu.memref_slice %arg9[%dma_wait3A_49, %dma_wait3A_50] : memref<10240x128xf32, #tpu.memory_space<vmem_shared>> -> memref<10240x128xf32, #tpu.memory_space<vmem_shared>>
    tpu.wait_indirect_dma semaphore(%arg14 : memref<!tpu.dma_semaphore, #tpu.memory_space<semaphore_mem>>) src(%dma_wait3A_45 : memref<112x128xf32, #tpu.memory_space<vmem>>) dst(%dma_wait3A_51 : memref<10240x128xf32, #tpu.memory_space<vmem_shared>>)
    %dma_wait3A_52 = arith.constant 2 : i32
    %dma_wait3A_53 = arith.constant 0 : i32
    %dma_wait3A_54 = arith.constant 5 : i32
    %dma_wait3A_55 = arith.constant 0 : i32
    %dma_wait3A_56 = arith.constant 0 : i32
    %dma_wait3A_57 = tpu.memref_slice %arg8[%dma_wait3A_52, %dma_wait3A_55, %dma_wait3A_56] : memref<3x112x128xf32, #tpu.memory_space<vmem>> -> memref<1x112x128xf32, #tpu.memory_space<vmem>>
    %dma_wait3A_58 = tpu.memref_squeeze %dma_wait3A_57 : memref<1x112x128xf32, #tpu.memory_space<vmem>> -> memref<112x128xf32, #tpu.memory_space<vmem>>
    %dma_wait3A_59 = arith.constant 0 : i32
    %dma_wait3A_60 = tpu.memref_slice %arg7[%dma_wait3A_53, %dma_wait3A_54, %dma_wait3A_59] : memref<2x6x112xi32, #tpu.memory_space<vmem>> -> memref<1x1x112xi32, #tpu.memory_space<vmem>>
    %dma_wait3A_61 = tpu.memref_squeeze %dma_wait3A_60 : memref<1x1x112xi32, #tpu.memory_space<vmem>> -> memref<112xi32, #tpu.memory_space<vmem>>
    %dma_wait3A_62 = arith.constant 0 : i32
    %dma_wait3A_63 = arith.constant 0 : i32
    %dma_wait3A_64 = tpu.memref_slice %arg9[%dma_wait3A_62, %dma_wait3A_63] : memref<10240x128xf32, #tpu.memory_space<vmem_shared>> -> memref<10240x128xf32, #tpu.memory_space<vmem_shared>>
    tpu.wait_indirect_dma semaphore(%arg15 : memref<!tpu.dma_semaphore, #tpu.memory_space<semaphore_mem>>) src(%dma_wait3A_58 : memref<112x128xf32, #tpu.memory_space<vmem>>) dst(%dma_wait3A_64 : memref<10240x128xf32, #tpu.memory_space<vmem_shared>>)
    %barrier3A_65 = arith.constant 0 : index
    tpu.barrier barrier_id(%barrier3A_65)
    %mul3A_66 = arith.constant 640 : i32
    %mul3A_67 = arith.muli %arg1, %mul3A_66 : i32
    %mul3A_68 = arith.constant 640 : i32
    %mul3A_69 = arith.muli %arg1, %mul3A_68 : i32
    "tpu.region"() ({
      %run_scoped3A_70 = tpu.sem_alloc : memref<!tpu.dma_semaphore, #tpu.memory_space<semaphore_mem>>
      %dma_start3A_71 = arith.constant 0 : i32
      %dma_start3A_72 = tpu.memref_slice %arg5[%arg0, %mul3A_69, %dma_start3A_71] : memref<2x10240x128xf32, #tpu.memory_space<hbm>> -> memref<1x640x128xf32, #tpu.memory_space<hbm>>
      %dma_start3A_73 = tpu.memref_squeeze %dma_start3A_72 : memref<1x640x128xf32, #tpu.memory_space<hbm>> -> memref<640x128xf32, #tpu.memory_space<hbm>>
      %dma_start3A_74 = arith.constant 0 : i32
      %dma_start3A_75 = tpu.memref_slice %arg9[%mul3A_67, %dma_start3A_74] : memref<10240x128xf32, #tpu.memory_space<vmem_shared>> -> memref<640x128xf32, #tpu.memory_space<vmem_shared>>
      tpu.enqueue_dma source(%dma_start3A_75 : memref<640x128xf32, #tpu.memory_space<vmem_shared>>) target(%dma_start3A_73 : memref<640x128xf32, #tpu.memory_space<hbm>>) target_semaphore(%run_scoped3A_70 : memref<!tpu.dma_semaphore, #tpu.memory_space<semaphore_mem>>)
      %dma_wait3A_76 = arith.constant 0 : i32
      %dma_wait3A_77 = tpu.memref_slice %arg5[%arg0, %mul3A_69, %dma_wait3A_76] : memref<2x10240x128xf32, #tpu.memory_space<hbm>> -> memref<1x640x128xf32, #tpu.memory_space<hbm>>
      %dma_wait3A_78 = tpu.memref_squeeze %dma_wait3A_77 : memref<1x640x128xf32, #tpu.memory_space<hbm>> -> memref<640x128xf32, #tpu.memory_space<hbm>>
      %dma_wait3A_79 = arith.constant 0 : i32
      %dma_wait3A_80 = tpu.memref_slice %arg9[%mul3A_67, %dma_wait3A_79] : memref<10240x128xf32, #tpu.memory_space<vmem_shared>> -> memref<640x128xf32, #tpu.memory_space<vmem_shared>>
      tpu.wait_dma2 semaphore(%run_scoped3A_70 : memref<!tpu.dma_semaphore, #tpu.memory_space<semaphore_mem>>) src(%dma_wait3A_80 : memref<640x128xf32, #tpu.memory_space<vmem_shared>>) dst(%dma_wait3A_78 : memref<640x128xf32, #tpu.memory_space<hbm>>)
      tpu.yield
    }) : () -> ()
    return
  }
}

#map = affine_map<(d0, d1) -> (0, 0)>
#map1 = affine_map<(d0, d1) -> (0, 0, 0, 0)>
#map2 = affine_map<(d0, d1) -> (0, 0, 0)>
module attributes {stable_mosaic.version = 14 : i64} {
  func.func @body(%arg0: i32, %arg1: i32, %arg2: memref<10240x128xf32, #tpu.memory_space<hbm>>, %arg3: memref<32x15x6x112xi32, #tpu.memory_space<hbm>>, %arg4: memref<32x15x6x112xi32, #tpu.memory_space<hbm>>, %arg5: memref<2x10240x128xf32, #tpu.memory_space<hbm>>, %arg6: memref<2x6x112xi32, #tpu.memory_space<vmem>>, %arg7: memref<2x6x112xi32, #tpu.memory_space<vmem>>, %arg8: memref<3x112x128xf32, #tpu.memory_space<vmem>>, %arg9: memref<10240x128xf32, #tpu.memory_space<vmem_shared>>, %arg10: memref<!tpu.dma_semaphore, #tpu.memory_space<semaphore_mem>>, %arg11: memref<!tpu.dma_semaphore, #tpu.memory_space<semaphore_mem>>, %arg12: memref<!tpu.dma_semaphore, #tpu.memory_space<semaphore_mem>>, %arg13: memref<!tpu.dma_semaphore, #tpu.memory_space<semaphore_mem>>, %arg14: memref<!tpu.dma_semaphore, #tpu.memory_space<semaphore_mem>>, %arg15: memref<!tpu.dma_semaphore, #tpu.memory_space<semaphore_mem>>, %arg16: memref<!tpu.dma_semaphore, #tpu.memory_space<semaphore_mem>>, %arg17: memref<!tpu.dma_semaphore, #tpu.memory_space<semaphore_mem>>) attributes {dimension_semantics = [#tpu.dimension_semantics<core_parallel>, #tpu.dimension_semantics<subcore_parallel>], iteration_bounds = array<i64: 2, 16>, scalar_prefetch = 0 : i64, scratch_operands = 12 : i64, tpu.core_type = #tpu.core_type<sc_vector_subcore>, window_params = [{transform_indices = #map}, {transform_indices = #map1}, {transform_indices = #map1}, {transform_indices = #map2}]} {
    %mul3A = arith.constant 16 : i32
    %mul3A_0 = arith.muli %arg0, %mul3A : i32
    %add3A = arith.addi %mul3A_0, %arg1 : i32
    %broadcast_in_dim3A = arith.constant 0.000000e+00 : f32
    %broadcast_in_dim3A_1 = vector.broadcast %broadcast_in_dim3A : f32 to vector<16xf32>
    %scan3A = arith.constant 0 : i32
    %scan3A_2 = arith.constant 0 : i32
    %scan3A_3 = arith.constant 896 : i32
    %scan3A_4 = arith.addi %scan3A_2, %scan3A_3 : i32
    %scan3A_5 = arith.constant 1 : i32
    scf.for %scan3A_70 = %scan3A_2 to %scan3A_4 step %scan3A_5  : i32 {
      %jit3A = arith.constant 8 : i32
      %div3A = arith.divsi %scan3A_70, %jit3A : i32
      %sign3A = arith.constant 0 : i32
      %sign3A_71 = arith.cmpi sgt, %scan3A_70, %sign3A : i32
      %sign3A_72 = arith.extui %sign3A_71 : i1 to i32
      %sign3A_73 = arith.constant 0 : i32
      %sign3A_74 = arith.cmpi slt, %scan3A_70, %sign3A_73 : i32
      %sign3A_75 = arith.extui %sign3A_74 : i1 to i32
      %sign3A_76 = arith.subi %sign3A_72, %sign3A_75 : i32
      %sign3A_77 = arith.constant 0 : i32
      %sign3A_78 = arith.cmpi sgt, %jit3A, %sign3A_77 : i32
      %sign3A_79 = arith.extui %sign3A_78 : i1 to i32
      %sign3A_80 = arith.constant 0 : i32
      %sign3A_81 = arith.cmpi slt, %jit3A, %sign3A_80 : i32
      %sign3A_82 = arith.extui %sign3A_81 : i1 to i32
      %sign3A_83 = arith.subi %sign3A_79, %sign3A_82 : i32
      %ne3A = arith.cmpi ne, %sign3A_76, %sign3A_83 : i32
      %rem3A = arith.remsi %scan3A_70, %jit3A : i32
      %ne3A_84 = arith.constant 0 : i32
      %ne3A_85 = arith.cmpi ne, %rem3A, %ne3A_84 : i32
      %and3A = arith.andi %ne3A, %ne3A_85 : i1
      %sub3A = arith.constant 1 : i32
      %sub3A_86 = arith.subi %div3A, %sub3A : i32
      %select_n3A = arith.select %and3A, %sub3A_86, %div3A : i32
      %jit3A_87 = arith.constant 8 : i32
      %eq3A = arith.constant 0 : i32
      %eq3A_88 = arith.cmpi eq, %jit3A_87, %eq3A : i32
      %jit3A_89 = arith.constant 1 : i32
      %select_n3A_90 = arith.select %eq3A_88, %jit3A_89, %jit3A_87 : i32
      %rem3A_91 = arith.remsi %scan3A_70, %select_n3A_90 : i32
      %ne3A_92 = arith.constant 0 : i32
      %ne3A_93 = arith.cmpi ne, %rem3A_91, %ne3A_92 : i32
      %lt3A = arith.constant 0 : i32
      %lt3A_94 = arith.cmpi slt, %rem3A_91, %lt3A : i32
      %lt3A_95 = arith.constant 0 : i32
      %lt3A_96 = arith.cmpi slt, %select_n3A_90, %lt3A_95 : i32
      %ne3A_97 = arith.xori %lt3A_94, %lt3A_96 : i1
      %and3A_98 = arith.andi %ne3A_97, %ne3A_93 : i1
      %add3A_99 = arith.addi %rem3A_91, %select_n3A_90 : i32
      %select_n3A_100 = arith.select %and3A_98, %add3A_99, %rem3A_91 : i32
      %mul3A_101 = arith.constant 16 : i32
      %mul3A_102 = arith.muli %select_n3A_100, %mul3A_101 : i32
      %swap3A = arith.constant 0 : i32
      %swap3A_103 = arith.index_cast %swap3A : i32 to index
      %swap3A_104 = arith.index_cast %select_n3A : i32 to index
      %swap3A_105 = arith.index_cast %mul3A_102 : i32 to index
      %swap3A_106 = tpu.vector_load %arg8[%swap3A_103, %swap3A_104, %swap3A_105] {strides = array<i32>} : memref<3x112x128xf32, #tpu.memory_space<vmem>>, vector<1x1x16xf32>,
      %swap3A_107 = vector.shape_cast %swap3A_106 : vector<1x1x16xf32> to vector<16xf32>
      %swap3A_108 = vector.shape_cast %broadcast_in_dim3A_1 : vector<16xf32> to vector<1x1x16xf32>
      tpu.vector_store %arg8[%swap3A_103, %swap3A_104, %swap3A_105], %swap3A_108 {strides = array<i32>} : memref<3x112x128xf32, #tpu.memory_space<vmem>>, vector<1x1x16xf32>,
    }
    %scan3A_6 = arith.constant 896 : i32
    %scan3A_7 = arith.constant 0 : i32
    %scan3A_8 = arith.constant 0 : i32
    %scan3A_9 = arith.constant 10 : i32
    %scan3A_10 = arith.addi %scan3A_8, %scan3A_9 : i32
    %scan3A_11 = arith.constant 1 : i32
    scf.for %scan3A_70 = %scan3A_8 to %scan3A_10 step %scan3A_11  : i32 {
      %mul3A_71 = arith.constant 640 : i32
      %mul3A_72 = arith.muli %arg1, %mul3A_71 : i32
      %mul3A_73 = arith.constant 64 : i32
      %mul3A_74 = arith.muli %scan3A_70, %mul3A_73 : i32
      %add3A_75 = arith.addi %mul3A_72, %mul3A_74 : i32
      %dma_start3A_76 = arith.constant 0 : i32
      %dma_start3A_77 = arith.constant 0 : i32
      %dma_start3A_78 = arith.constant 0 : i32
      %dma_start3A_79 = tpu.memref_slice %arg8[%dma_start3A_76, %dma_start3A_77, %dma_start3A_78] : memref<3x112x128xf32, #tpu.memory_space<vmem>> -> memref<1x64x128xf32, #tpu.memory_space<vmem>>
      %dma_start3A_80 = tpu.memref_squeeze %dma_start3A_79 : memref<1x64x128xf32, #tpu.memory_space<vmem>> -> memref<64x128xf32, #tpu.memory_space<vmem>>
      %dma_start3A_81 = arith.constant 0 : i32
      %dma_start3A_82 = tpu.memref_slice %arg9[%add3A_75, %dma_start3A_81] : memref<10240x128xf32, #tpu.memory_space<vmem_shared>> -> memref<64x128xf32, #tpu.memory_space<vmem_shared>>
      %dma_start3A_83 = arith.constant 0 : i32
      %dma_start3A_84 = tpu.memref_slice %arg9[%add3A_75, %dma_start3A_83] : memref<10240x128xf32, #tpu.memory_space<vmem_shared>> -> memref<64x128xf32, #tpu.memory_space<vmem_shared>>
      %dma_start3A_85 = arith.constant 0 : i32
      %dma_start3A_86 = arith.constant 0 : i32
      %dma_start3A_87 = tpu.memref_slice %arg8[%dma_start3A_76, %dma_start3A_85, %dma_start3A_86] : memref<3x112x128xf32, #tpu.memory_space<vmem>> -> memref<1x64x128xf32, #tpu.memory_space<vmem>>
      %dma_start3A_88 = tpu.memref_squeeze %dma_start3A_87 : memref<1x64x128xf32, #tpu.memory_space<vmem>> -> memref<64x128xf32, #tpu.memory_space<vmem>>
      tpu.enqueue_dma source(%dma_start3A_88 : memref<64x128xf32, #tpu.memory_space<vmem>>) target(%dma_start3A_84 : memref<64x128xf32, #tpu.memory_space<vmem_shared>>) target_semaphore(%arg10 : memref<!tpu.dma_semaphore, #tpu.memory_space<semaphore_mem>>)
    }
    %scan3A_12 = arith.constant 10 : i32
    %scan3A_13 = arith.constant 0 : i32
    %scan3A_14 = arith.constant 0 : i32
    %scan3A_15 = arith.constant 10 : i32
    %scan3A_16 = arith.addi %scan3A_14, %scan3A_15 : i32
    %scan3A_17 = arith.constant 1 : i32
    scf.for %scan3A_70 = %scan3A_14 to %scan3A_16 step %scan3A_17  : i32 {
      %mul3A_71 = arith.constant 640 : i32
      %mul3A_72 = arith.muli %arg1, %mul3A_71 : i32
      %mul3A_73 = arith.constant 64 : i32
      %mul3A_74 = arith.muli %scan3A_70, %mul3A_73 : i32
      %add3A_75 = arith.addi %mul3A_72, %mul3A_74 : i32
      %dma_wait3A_76 = arith.constant 0 : i32
      %dma_wait3A_77 = arith.constant 0 : i32
      %dma_wait3A_78 = arith.constant 0 : i32
      %dma_wait3A_79 = tpu.memref_slice %arg8[%dma_wait3A_76, %dma_wait3A_77, %dma_wait3A_78] : memref<3x112x128xf32, #tpu.memory_space<vmem>> -> memref<1x64x128xf32, #tpu.memory_space<vmem>>
      %dma_wait3A_80 = tpu.memref_squeeze %dma_wait3A_79 : memref<1x64x128xf32, #tpu.memory_space<vmem>> -> memref<64x128xf32, #tpu.memory_space<vmem>>
      %dma_wait3A_81 = arith.constant 0 : i32
      %dma_wait3A_82 = tpu.memref_slice %arg9[%add3A_75, %dma_wait3A_81] : memref<10240x128xf32, #tpu.memory_space<vmem_shared>> -> memref<64x128xf32, #tpu.memory_space<vmem_shared>>
      %dma_wait3A_83 = arith.constant 0 : i32
      %dma_wait3A_84 = tpu.memref_slice %arg9[%add3A_75, %dma_wait3A_83] : memref<10240x128xf32, #tpu.memory_space<vmem_shared>> -> memref<64x128xf32, #tpu.memory_space<vmem_shared>>
      %dma_wait3A_85 = arith.constant 0 : i32
      %dma_wait3A_86 = arith.constant 0 : i32
      %dma_wait3A_87 = tpu.memref_slice %arg8[%dma_wait3A_76, %dma_wait3A_85, %dma_wait3A_86] : memref<3x112x128xf32, #tpu.memory_space<vmem>> -> memref<1x64x128xf32, #tpu.memory_space<vmem>>
      %dma_wait3A_88 = tpu.memref_squeeze %dma_wait3A_87 : memref<1x64x128xf32, #tpu.memory_space<vmem>> -> memref<64x128xf32, #tpu.memory_space<vmem>>
      tpu.wait_dma2 semaphore(%arg10 : memref<!tpu.dma_semaphore, #tpu.memory_space<semaphore_mem>>) src(%dma_wait3A_88 : memref<64x128xf32, #tpu.memory_space<vmem>>) dst(%dma_wait3A_84 : memref<64x128xf32, #tpu.memory_space<vmem_shared>>)
    }
    %scan3A_18 = arith.constant 10 : i32
    %barrier3A = arith.constant 0 : index
    tpu.barrier barrier_id(%barrier3A)
    %run_scoped3A = arith.constant 0 : i32
    %run_scoped3A_19 = arith.constant 0 : i32
    "tpu.region"() ({
      %run_scoped3A_70 = tpu.sem_alloc : memref<!tpu.dma_semaphore, #tpu.memory_space<semaphore_mem>>
      %dma_start3A_71 = arith.constant 0 : i32
      %dma_start3A_72 = arith.constant 0 : i32
      %dma_start3A_73 = tpu.memref_slice %arg6[%run_scoped3A_19, %dma_start3A_71, %dma_start3A_72] : memref<2x6x112xi32, #tpu.memory_space<vmem>> -> memref<1x6x112xi32, #tpu.memory_space<vmem>>
      %dma_start3A_74 = tpu.memref_squeeze %dma_start3A_73 : memref<1x6x112xi32, #tpu.memory_space<vmem>> -> memref<6x112xi32, #tpu.memory_space<vmem>>
      %dma_start3A_75 = arith.constant 0 : i32
      %dma_start3A_76 = arith.constant 0 : i32
      %dma_start3A_77 = tpu.memref_slice %arg3[%add3A, %run_scoped3A, %dma_start3A_75, %dma_start3A_76] : memref<32x15x6x112xi32, #tpu.memory_space<hbm>> -> memref<1x1x6x112xi32, #tpu.memory_space<hbm>>
      %dma_start3A_78 = tpu.memref_squeeze %dma_start3A_77 : memref<1x1x6x112xi32, #tpu.memory_space<hbm>> -> memref<6x112xi32, #tpu.memory_space<hbm>>
      %dma_start3A_79 = arith.constant 0 : i32
      %dma_start3A_80 = arith.constant 0 : i32
      %dma_start3A_81 = tpu.memref_slice %arg6[%run_scoped3A_19, %dma_start3A_79, %dma_start3A_80] : memref<2x6x112xi32, #tpu.memory_space<vmem>> -> memref<1x6x112xi32, #tpu.memory_space<vmem>>
      %dma_start3A_82 = tpu.memref_squeeze %dma_start3A_81 : memref<1x6x112xi32, #tpu.memory_space<vmem>> -> memref<6x112xi32, #tpu.memory_space<vmem>>
      %dma_start3A_83 = arith.constant 0 : i32
      %dma_start3A_84 = arith.constant 0 : i32
      %dma_start3A_85 = tpu.memref_slice %arg3[%add3A, %run_scoped3A, %dma_start3A_83, %dma_start3A_84] : memref<32x15x6x112xi32, #tpu.memory_space<hbm>> -> memref<1x1x6x112xi32, #tpu.memory_space<hbm>>
      %dma_start3A_86 = tpu.memref_squeeze %dma_start3A_85 : memref<1x1x6x112xi32, #tpu.memory_space<hbm>> -> memref<6x112xi32, #tpu.memory_space<hbm>>
      tpu.enqueue_dma source(%dma_start3A_86 : memref<6x112xi32, #tpu.memory_space<hbm>>) target(%dma_start3A_82 : memref<6x112xi32, #tpu.memory_space<vmem>>) target_semaphore(%run_scoped3A_70 : memref<!tpu.dma_semaphore, #tpu.memory_space<semaphore_mem>>)
      %dma_wait3A_87 = arith.constant 0 : i32
      %dma_wait3A_88 = arith.constant 0 : i32
      %dma_wait3A_89 = tpu.memref_slice %arg6[%run_scoped3A_19, %dma_wait3A_87, %dma_wait3A_88] : memref<2x6x112xi32, #tpu.memory_space<vmem>> -> memref<1x6x112xi32, #tpu.memory_space<vmem>>
      %dma_wait3A_90 = tpu.memref_squeeze %dma_wait3A_89 : memref<1x6x112xi32, #tpu.memory_space<vmem>> -> memref<6x112xi32, #tpu.memory_space<vmem>>
      %dma_wait3A_91 = arith.constant 0 : i32
      %dma_wait3A_92 = arith.constant 0 : i32
      %dma_wait3A_93 = tpu.memref_slice %arg3[%add3A, %run_scoped3A, %dma_wait3A_91, %dma_wait3A_92] : memref<32x15x6x112xi32, #tpu.memory_space<hbm>> -> memref<1x1x6x112xi32, #tpu.memory_space<hbm>>
      %dma_wait3A_94 = tpu.memref_squeeze %dma_wait3A_93 : memref<1x1x6x112xi32, #tpu.memory_space<hbm>> -> memref<6x112xi32, #tpu.memory_space<hbm>>
      %dma_wait3A_95 = arith.constant 0 : i32
      %dma_wait3A_96 = arith.constant 0 : i32
      %dma_wait3A_97 = tpu.memref_slice %arg6[%run_scoped3A_19, %dma_wait3A_95, %dma_wait3A_96] : memref<2x6x112xi32, #tpu.memory_space<vmem>> -> memref<1x6x112xi32, #tpu.memory_space<vmem>>
      %dma_wait3A_98 = tpu.memref_squeeze %dma_wait3A_97 : memref<1x6x112xi32, #tpu.memory_space<vmem>> -> memref<6x112xi32, #tpu.memory_space<vmem>>
      %dma_wait3A_99 = arith.constant 0 : i32
      %dma_wait3A_100 = arith.constant 0 : i32
      %dma_wait3A_101 = tpu.memref_slice %arg3[%add3A, %run_scoped3A, %dma_wait3A_99, %dma_wait3A_100] : memref<32x15x6x112xi32, #tpu.memory_space<hbm>> -> memref<1x1x6x112xi32, #tpu.memory_space<hbm>>
      %dma_wait3A_102 = tpu.memref_squeeze %dma_wait3A_101 : memref<1x1x6x112xi32, #tpu.memory_space<hbm>> -> memref<6x112xi32, #tpu.memory_space<hbm>>
      tpu.wait_dma2 semaphore(%run_scoped3A_70 : memref<!tpu.dma_semaphore, #tpu.memory_space<semaphore_mem>>) src(%dma_wait3A_102 : memref<6x112xi32, #tpu.memory_space<hbm>>) dst(%dma_wait3A_98 : memref<6x112xi32, #tpu.memory_space<vmem>>)
      tpu.yield
    }) : () -> ()
    %run_scoped3A_20 = arith.constant 0 : i32
    %run_scoped3A_21 = arith.constant 0 : i32
    "tpu.region"() ({
      %run_scoped3A_70 = tpu.sem_alloc : memref<!tpu.dma_semaphore, #tpu.memory_space<semaphore_mem>>
      %dma_start3A_71 = arith.constant 0 : i32
      %dma_start3A_72 = arith.constant 0 : i32
      %dma_start3A_73 = tpu.memref_slice %arg7[%run_scoped3A_21, %dma_start3A_71, %dma_start3A_72] : memref<2x6x112xi32, #tpu.memory_space<vmem>> -> memref<1x6x112xi32, #tpu.memory_space<vmem>>
      %dma_start3A_74 = tpu.memref_squeeze %dma_start3A_73 : memref<1x6x112xi32, #tpu.memory_space<vmem>> -> memref<6x112xi32, #tpu.memory_space<vmem>>
      %dma_start3A_75 = arith.constant 0 : i32
      %dma_start3A_76 = arith.constant 0 : i32
      %dma_start3A_77 = tpu.memref_slice %arg4[%add3A, %run_scoped3A_20, %dma_start3A_75, %dma_start3A_76] : memref<32x15x6x112xi32, #tpu.memory_space<hbm>> -> memref<1x1x6x112xi32, #tpu.memory_space<hbm>>
      %dma_start3A_78 = tpu.memref_squeeze %dma_start3A_77 : memref<1x1x6x112xi32, #tpu.memory_space<hbm>> -> memref<6x112xi32, #tpu.memory_space<hbm>>
      %dma_start3A_79 = arith.constant 0 : i32
      %dma_start3A_80 = arith.constant 0 : i32
      %dma_start3A_81 = tpu.memref_slice %arg7[%run_scoped3A_21, %dma_start3A_79, %dma_start3A_80] : memref<2x6x112xi32, #tpu.memory_space<vmem>> -> memref<1x6x112xi32, #tpu.memory_space<vmem>>
      %dma_start3A_82 = tpu.memref_squeeze %dma_start3A_81 : memref<1x6x112xi32, #tpu.memory_space<vmem>> -> memref<6x112xi32, #tpu.memory_space<vmem>>
      %dma_start3A_83 = arith.constant 0 : i32
      %dma_start3A_84 = arith.constant 0 : i32
      %dma_start3A_85 = tpu.memref_slice %arg4[%add3A, %run_scoped3A_20, %dma_start3A_83, %dma_start3A_84] : memref<32x15x6x112xi32, #tpu.memory_space<hbm>> -> memref<1x1x6x112xi32, #tpu.memory_space<hbm>>
      %dma_start3A_86 = tpu.memref_squeeze %dma_start3A_85 : memref<1x1x6x112xi32, #tpu.memory_space<hbm>> -> memref<6x112xi32, #tpu.memory_space<hbm>>
      tpu.enqueue_dma source(%dma_start3A_86 : memref<6x112xi32, #tpu.memory_space<hbm>>) target(%dma_start3A_82 : memref<6x112xi32, #tpu.memory_space<vmem>>) target_semaphore(%run_scoped3A_70 : memref<!tpu.dma_semaphore, #tpu.memory_space<semaphore_mem>>)
      %dma_wait3A_87 = arith.constant 0 : i32
      %dma_wait3A_88 = arith.constant 0 : i32
      %dma_wait3A_89 = tpu.memref_slice %arg7[%run_scoped3A_21, %dma_wait3A_87, %dma_wait3A_88] : memref<2x6x112xi32, #tpu.memory_space<vmem>> -> memref<1x6x112xi32, #tpu.memory_space<vmem>>
      %dma_wait3A_90 = tpu.memref_squeeze %dma_wait3A_89 : memref<1x6x112xi32, #tpu.memory_space<vmem>> -> memref<6x112xi32, #tpu.memory_space<vmem>>
      %dma_wait3A_91 = arith.constant 0 : i32
      %dma_wait3A_92 = arith.constant 0 : i32
      %dma_wait3A_93 = tpu.memref_slice %arg4[%add3A, %run_scoped3A_20, %dma_wait3A_91, %dma_wait3A_92] : memref<32x15x6x112xi32, #tpu.memory_space<hbm>> -> memref<1x1x6x112xi32, #tpu.memory_space<hbm>>
      %dma_wait3A_94 = tpu.memref_squeeze %dma_wait3A_93 : memref<1x1x6x112xi32, #tpu.memory_space<hbm>> -> memref<6x112xi32, #tpu.memory_space<hbm>>
      %dma_wait3A_95 = arith.constant 0 : i32
      %dma_wait3A_96 = arith.constant 0 : i32
      %dma_wait3A_97 = tpu.memref_slice %arg7[%run_scoped3A_21, %dma_wait3A_95, %dma_wait3A_96] : memref<2x6x112xi32, #tpu.memory_space<vmem>> -> memref<1x6x112xi32, #tpu.memory_space<vmem>>
      %dma_wait3A_98 = tpu.memref_squeeze %dma_wait3A_97 : memref<1x6x112xi32, #tpu.memory_space<vmem>> -> memref<6x112xi32, #tpu.memory_space<vmem>>
      %dma_wait3A_99 = arith.constant 0 : i32
      %dma_wait3A_100 = arith.constant 0 : i32
      %dma_wait3A_101 = tpu.memref_slice %arg4[%add3A, %run_scoped3A_20, %dma_wait3A_99, %dma_wait3A_100] : memref<32x15x6x112xi32, #tpu.memory_space<hbm>> -> memref<1x1x6x112xi32, #tpu.memory_space<hbm>>
      %dma_wait3A_102 = tpu.memref_squeeze %dma_wait3A_101 : memref<1x1x6x112xi32, #tpu.memory_space<hbm>> -> memref<6x112xi32, #tpu.memory_space<hbm>>
      tpu.wait_dma2 semaphore(%run_scoped3A_70 : memref<!tpu.dma_semaphore, #tpu.memory_space<semaphore_mem>>) src(%dma_wait3A_102 : memref<6x112xi32, #tpu.memory_space<hbm>>) dst(%dma_wait3A_98 : memref<6x112xi32, #tpu.memory_space<vmem>>)
      tpu.yield
    }) : () -> ()
    %dma_start3A = arith.constant 0 : i32
    %dma_start3A_22 = arith.constant 0 : i32
    %dma_start3A_23 = arith.constant 0 : i32
    %dma_start3A_24 = arith.constant 0 : i32
    %dma_start3A_25 = arith.constant 0 : i32
    %dma_start3A_26 = tpu.memref_slice %arg8[%dma_start3A_23, %dma_start3A_24, %dma_start3A_25] : memref<3x112x128xf32, #tpu.memory_space<vmem>> -> memref<1x112x128xf32, #tpu.memory_space<vmem>>
    %dma_start3A_27 = tpu.memref_squeeze %dma_start3A_26 : memref<1x112x128xf32, #tpu.memory_space<vmem>> -> memref<112x128xf32, #tpu.memory_space<vmem>>
    %dma_start3A_28 = arith.constant 0 : i32
    %dma_start3A_29 = tpu.memref_slice %arg6[%dma_start3A, %dma_start3A_22, %dma_start3A_28] : memref<2x6x112xi32, #tpu.memory_space<vmem>> -> memref<1x1x112xi32, #tpu.memory_space<vmem>>
    %dma_start3A_30 = tpu.memref_squeeze %dma_start3A_29 : memref<1x1x112xi32, #tpu.memory_space<vmem>> -> memref<112xi32, #tpu.memory_space<vmem>>
    %dma_start3A_31 = arith.constant 0 : i32
    %dma_start3A_32 = arith.constant 0 : i32
    %dma_start3A_33 = tpu.memref_slice %arg2[%dma_start3A_31, %dma_start3A_32] : memref<10240x128xf32, #tpu.memory_space<hbm>> -> memref<10240x128xf32, #tpu.memory_space<hbm>>
    tpu.enqueue_indirect_dma source(%dma_start3A_33 : memref<10240x128xf32, #tpu.memory_space<hbm>>) target(%dma_start3A_27 : memref<112x128xf32, #tpu.memory_space<vmem>>) offsets(%dma_start3A_30 : memref<112xi32, #tpu.memory_space<vmem>>) semaphore(%arg10 : memref<!tpu.dma_semaphore, #tpu.memory_space<semaphore_mem>>)
    %scan3A_34 = arith.constant 0 : i32
    %scan3A_35 = arith.constant 0 : i32
    %scan3A_36 = arith.constant 15 : i32
    %scan3A_37 = arith.addi %scan3A_35, %scan3A_36 : i32
    %scan3A_38 = arith.constant 1 : i32
    scf.for %scan3A_70 = %scan3A_35 to %scan3A_37 step %scan3A_38  : i32 {
      %jit3A = arith.constant 2 : i32
      %eq3A = arith.constant 0 : i32
      %eq3A_71 = arith.cmpi eq, %jit3A, %eq3A : i32
      %jit3A_72 = arith.constant 1 : i32
      %select_n3A = arith.select %eq3A_71, %jit3A_72, %jit3A : i32
      %rem3A = arith.remsi %scan3A_70, %select_n3A : i32
      %ne3A = arith.constant 0 : i32
      %ne3A_73 = arith.cmpi ne, %rem3A, %ne3A : i32
      %lt3A = arith.constant 0 : i32
      %lt3A_74 = arith.cmpi slt, %rem3A, %lt3A : i32
      %lt3A_75 = arith.constant 0 : i32
      %lt3A_76 = arith.cmpi slt, %select_n3A, %lt3A_75 : i32
      %ne3A_77 = arith.xori %lt3A_74, %lt3A_76 : i1
      %and3A = arith.andi %ne3A_77, %ne3A_73 : i1
      %add3A_78 = arith.addi %rem3A, %select_n3A : i32
      %select_n3A_79 = arith.select %and3A, %add3A_78, %rem3A : i32
      %sub3A = arith.constant 1 : i32
      %sub3A_80 = arith.subi %sub3A, %select_n3A_79 : i32
      %gt3A = arith.constant 0 : i32
      %gt3A_81 = arith.cmpi sgt, %scan3A_70, %gt3A : i32
      %convert_element_type3A = arith.extui %gt3A_81 : i1 to i32
      %cond3A = arith.constant 0 : i32
      %cond3A_82 = arith.cmpi ne, %convert_element_type3A, %cond3A : i32
      scf.if %cond3A_82 {
        %dma_wait3A_354 = arith.constant 1 : i32
        %dma_wait3A_355 = arith.constant 4 : i32
        %dma_wait3A_356 = arith.constant 0 : i32
        %dma_wait3A_357 = arith.constant 0 : i32
        %dma_wait3A_358 = tpu.memref_slice %arg8[%dma_wait3A_354, %dma_wait3A_356, %dma_wait3A_357] : memref<3x112x128xf32, #tpu.memory_space<vmem>> -> memref<1x112x128xf32, #tpu.memory_space<vmem>>
        %dma_wait3A_359 = tpu.memref_squeeze %dma_wait3A_358 : memref<1x112x128xf32, #tpu.memory_space<vmem>> -> memref<112x128xf32, #tpu.memory_space<vmem>>
        %dma_wait3A_360 = arith.constant 0 : i32
        %dma_wait3A_361 = tpu.memref_slice %arg7[%sub3A_80, %dma_wait3A_355, %dma_wait3A_360] : memref<2x6x112xi32, #tpu.memory_space<vmem>> -> memref<1x1x112xi32, #tpu.memory_space<vmem>>
        %dma_wait3A_362 = tpu.memref_squeeze %dma_wait3A_361 : memref<1x1x112xi32, #tpu.memory_space<vmem>> -> memref<112xi32, #tpu.memory_space<vmem>>
        %dma_wait3A_363 = arith.constant 0 : i32
        %dma_wait3A_364 = arith.constant 0 : i32
        %dma_wait3A_365 = tpu.memref_slice %arg9[%dma_wait3A_363, %dma_wait3A_364] : memref<10240x128xf32, #tpu.memory_space<vmem_shared>> -> memref<10240x128xf32, #tpu.memory_space<vmem_shared>>
        tpu.wait_indirect_dma semaphore(%arg14 : memref<!tpu.dma_semaphore, #tpu.memory_space<semaphore_mem>>) src(%dma_wait3A_359 : memref<112x128xf32, #tpu.memory_space<vmem>>) dst(%dma_wait3A_365 : memref<10240x128xf32, #tpu.memory_space<vmem_shared>>)
      } else {
      }
      %dma_start3A_83 = arith.constant 1 : i32
      %dma_start3A_84 = arith.constant 1 : i32
      %dma_start3A_85 = arith.constant 0 : i32
      %dma_start3A_86 = arith.constant 0 : i32
      %dma_start3A_87 = tpu.memref_slice %arg8[%dma_start3A_84, %dma_start3A_85, %dma_start3A_86] : memref<3x112x128xf32, #tpu.memory_space<vmem>> -> memref<1x112x128xf32, #tpu.memory_space<vmem>>
      %dma_start3A_88 = tpu.memref_squeeze %dma_start3A_87 : memref<1x112x128xf32, #tpu.memory_space<vmem>> -> memref<112x128xf32, #tpu.memory_space<vmem>>
      %dma_start3A_89 = arith.constant 0 : i32
      %dma_start3A_90 = tpu.memref_slice %arg6[%select_n3A_79, %dma_start3A_83, %dma_start3A_89] : memref<2x6x112xi32, #tpu.memory_space<vmem>> -> memref<1x1x112xi32, #tpu.memory_space<vmem>>
      %dma_start3A_91 = tpu.memref_squeeze %dma_start3A_90 : memref<1x1x112xi32, #tpu.memory_space<vmem>> -> memref<112xi32, #tpu.memory_space<vmem>>
      %dma_start3A_92 = arith.constant 0 : i32
      %dma_start3A_93 = arith.constant 0 : i32
      %dma_start3A_94 = tpu.memref_slice %arg2[%dma_start3A_92, %dma_start3A_93] : memref<10240x128xf32, #tpu.memory_space<hbm>> -> memref<10240x128xf32, #tpu.memory_space<hbm>>
      tpu.enqueue_indirect_dma source(%dma_start3A_94 : memref<10240x128xf32, #tpu.memory_space<hbm>>) target(%dma_start3A_88 : memref<112x128xf32, #tpu.memory_space<vmem>>) offsets(%dma_start3A_91 : memref<112xi32, #tpu.memory_space<vmem>>) semaphore(%arg11 : memref<!tpu.dma_semaphore, #tpu.memory_space<semaphore_mem>>)
      %dma_wait3A_95 = arith.constant 0 : i32
      %dma_wait3A_96 = arith.constant 0 : i32
      %dma_wait3A_97 = arith.constant 0 : i32
      %dma_wait3A_98 = arith.constant 0 : i32
      %dma_wait3A_99 = tpu.memref_slice %arg8[%dma_wait3A_96, %dma_wait3A_97, %dma_wait3A_98] : memref<3x112x128xf32, #tpu.memory_space<vmem>> -> memref<1x112x128xf32, #tpu.memory_space<vmem>>
      %dma_wait3A_100 = tpu.memref_squeeze %dma_wait3A_99 : memref<1x112x128xf32, #tpu.memory_space<vmem>> -> memref<112x128xf32, #tpu.memory_space<vmem>>
      %dma_wait3A_101 = arith.constant 0 : i32
      %dma_wait3A_102 = tpu.memref_slice %arg6[%select_n3A_79, %dma_wait3A_95, %dma_wait3A_101] : memref<2x6x112xi32, #tpu.memory_space<vmem>> -> memref<1x1x112xi32, #tpu.memory_space<vmem>>
      %dma_wait3A_103 = tpu.memref_squeeze %dma_wait3A_102 : memref<1x1x112xi32, #tpu.memory_space<vmem>> -> memref<112xi32, #tpu.memory_space<vmem>>
      %dma_wait3A_104 = arith.constant 0 : i32
      %dma_wait3A_105 = arith.constant 0 : i32
      %dma_wait3A_106 = tpu.memref_slice %arg2[%dma_wait3A_104, %dma_wait3A_105] : memref<10240x128xf32, #tpu.memory_space<hbm>> -> memref<10240x128xf32, #tpu.memory_space<hbm>>
      tpu.wait_indirect_dma semaphore(%arg10 : memref<!tpu.dma_semaphore, #tpu.memory_space<semaphore_mem>>) src(%dma_wait3A_106 : memref<10240x128xf32, #tpu.memory_space<hbm>>) dst(%dma_wait3A_100 : memref<112x128xf32, #tpu.memory_space<vmem>>)
      %dma_start3A_107 = arith.constant 0 : i32
      %dma_start3A_108 = arith.constant 0 : i32
      %dma_start3A_109 = arith.constant 0 : i32
      %dma_start3A_110 = arith.constant 0 : i32
      %dma_start3A_111 = tpu.memref_slice %arg8[%dma_start3A_107, %dma_start3A_109, %dma_start3A_110] : memref<3x112x128xf32, #tpu.memory_space<vmem>> -> memref<1x112x128xf32, #tpu.memory_space<vmem>>
      %dma_start3A_112 = tpu.memref_squeeze %dma_start3A_111 : memref<1x112x128xf32, #tpu.memory_space<vmem>> -> memref<112x128xf32, #tpu.memory_space<vmem>>
      %dma_start3A_113 = arith.constant 0 : i32
      %dma_start3A_114 = tpu.memref_slice %arg7[%select_n3A_79, %dma_start3A_108, %dma_start3A_113] : memref<2x6x112xi32, #tpu.memory_space<vmem>> -> memref<1x1x112xi32, #tpu.memory_space<vmem>>
      %dma_start3A_115 = tpu.memref_squeeze %dma_start3A_114 : memref<1x1x112xi32, #tpu.memory_space<vmem>> -> memref<112xi32, #tpu.memory_space<vmem>>
      %dma_start3A_116 = arith.constant 0 : i32
      %dma_start3A_117 = arith.constant 0 : i32
      %dma_start3A_118 = tpu.memref_slice %arg9[%dma_start3A_116, %dma_start3A_117] : memref<10240x128xf32, #tpu.memory_space<vmem_shared>> -> memref<10240x128xf32, #tpu.memory_space<vmem_shared>>
      tpu.enqueue_indirect_dma source(%dma_start3A_112 : memref<112x128xf32, #tpu.memory_space<vmem>>) target(%dma_start3A_118 : memref<10240x128xf32, #tpu.memory_space<vmem_shared>>) offsets(%dma_start3A_115 : memref<112xi32, #tpu.memory_space<vmem>>) semaphore(%arg13 : memref<!tpu.dma_semaphore, #tpu.memory_space<semaphore_mem>>) {add = true}
      %gt3A_119 = arith.constant 0 : i32
      %gt3A_120 = arith.cmpi sgt, %scan3A_70, %gt3A_119 : i32
      %convert_element_type3A_121 = arith.extui %gt3A_120 : i1 to i32
      %cond3A_122 = arith.constant 0 : i32
      %cond3A_123 = arith.cmpi ne, %convert_element_type3A_121, %cond3A_122 : i32
      scf.if %cond3A_123 {
        %dma_wait3A_354 = arith.constant 2 : i32
        %dma_wait3A_355 = arith.constant 5 : i32
        %dma_wait3A_356 = arith.constant 0 : i32
        %dma_wait3A_357 = arith.constant 0 : i32
        %dma_wait3A_358 = tpu.memref_slice %arg8[%dma_wait3A_354, %dma_wait3A_356, %dma_wait3A_357] : memref<3x112x128xf32, #tpu.memory_space<vmem>> -> memref<1x112x128xf32, #tpu.memory_space<vmem>>
        %dma_wait3A_359 = tpu.memref_squeeze %dma_wait3A_358 : memref<1x112x128xf32, #tpu.memory_space<vmem>> -> memref<112x128xf32, #tpu.memory_space<vmem>>
        %dma_wait3A_360 = arith.constant 0 : i32
        %dma_wait3A_361 = tpu.memref_slice %arg7[%sub3A_80, %dma_wait3A_355, %dma_wait3A_360] : memref<2x6x112xi32, #tpu.memory_space<vmem>> -> memref<1x1x112xi32, #tpu.memory_space<vmem>>
        %dma_wait3A_362 = tpu.memref_squeeze %dma_wait3A_361 : memref<1x1x112xi32, #tpu.memory_space<vmem>> -> memref<112xi32, #tpu.memory_space<vmem>>
        %dma_wait3A_363 = arith.constant 0 : i32
        %dma_wait3A_364 = arith.constant 0 : i32
        %dma_wait3A_365 = tpu.memref_slice %arg9[%dma_wait3A_363, %dma_wait3A_364] : memref<10240x128xf32, #tpu.memory_space<vmem_shared>> -> memref<10240x128xf32, #tpu.memory_space<vmem_shared>>
        tpu.wait_indirect_dma semaphore(%arg15 : memref<!tpu.dma_semaphore, #tpu.memory_space<semaphore_mem>>) src(%dma_wait3A_359 : memref<112x128xf32, #tpu.memory_space<vmem>>) dst(%dma_wait3A_365 : memref<10240x128xf32, #tpu.memory_space<vmem_shared>>)
      } else {
      }
      %dma_start3A_124 = arith.constant 2 : i32
      %dma_start3A_125 = arith.constant 2 : i32
      %dma_start3A_126 = arith.constant 0 : i32
      %dma_start3A_127 = arith.constant 0 : i32
      %dma_start3A_128 = tpu.memref_slice %arg8[%dma_start3A_125, %dma_start3A_126, %dma_start3A_127] : memref<3x112x128xf32, #tpu.memory_space<vmem>> -> memref<1x112x128xf32, #tpu.memory_space<vmem>>
      %dma_start3A_129 = tpu.memref_squeeze %dma_start3A_128 : memref<1x112x128xf32, #tpu.memory_space<vmem>> -> memref<112x128xf32, #tpu.memory_space<vmem>>
      %dma_start3A_130 = arith.constant 0 : i32
      %dma_start3A_131 = tpu.memref_slice %arg6[%select_n3A_79, %dma_start3A_124, %dma_start3A_130] : memref<2x6x112xi32, #tpu.memory_space<vmem>> -> memref<1x1x112xi32, #tpu.memory_space<vmem>>
      %dma_start3A_132 = tpu.memref_squeeze %dma_start3A_131 : memref<1x1x112xi32, #tpu.memory_space<vmem>> -> memref<112xi32, #tpu.memory_space<vmem>>
      %dma_start3A_133 = arith.constant 0 : i32
      %dma_start3A_134 = arith.constant 0 : i32
      %dma_start3A_135 = tpu.memref_slice %arg2[%dma_start3A_133, %dma_start3A_134] : memref<10240x128xf32, #tpu.memory_space<hbm>> -> memref<10240x128xf32, #tpu.memory_space<hbm>>
      tpu.enqueue_indirect_dma source(%dma_start3A_135 : memref<10240x128xf32, #tpu.memory_space<hbm>>) target(%dma_start3A_129 : memref<112x128xf32, #tpu.memory_space<vmem>>) offsets(%dma_start3A_132 : memref<112xi32, #tpu.memory_space<vmem>>) semaphore(%arg12 : memref<!tpu.dma_semaphore, #tpu.memory_space<semaphore_mem>>)
      %dma_wait3A_136 = arith.constant 1 : i32
      %dma_wait3A_137 = arith.constant 1 : i32
      %dma_wait3A_138 = arith.constant 0 : i32
      %dma_wait3A_139 = arith.constant 0 : i32
      %dma_wait3A_140 = tpu.memref_slice %arg8[%dma_wait3A_137, %dma_wait3A_138, %dma_wait3A_139] : memref<3x112x128xf32, #tpu.memory_space<vmem>> -> memref<1x112x128xf32, #tpu.memory_space<vmem>>
      %dma_wait3A_141 = tpu.memref_squeeze %dma_wait3A_140 : memref<1x112x128xf32, #tpu.memory_space<vmem>> -> memref<112x128xf32, #tpu.memory_space<vmem>>
      %dma_wait3A_142 = arith.constant 0 : i32
      %dma_wait3A_143 = tpu.memref_slice %arg6[%select_n3A_79, %dma_wait3A_136, %dma_wait3A_142] : memref<2x6x112xi32, #tpu.memory_space<vmem>> -> memref<1x1x112xi32, #tpu.memory_space<vmem>>
      %dma_wait3A_144 = tpu.memref_squeeze %dma_wait3A_143 : memref<1x1x112xi32, #tpu.memory_space<vmem>> -> memref<112xi32, #tpu.memory_space<vmem>>
      %dma_wait3A_145 = arith.constant 0 : i32
      %dma_wait3A_146 = arith.constant 0 : i32
      %dma_wait3A_147 = tpu.memref_slice %arg2[%dma_wait3A_145, %dma_wait3A_146] : memref<10240x128xf32, #tpu.memory_space<hbm>> -> memref<10240x128xf32, #tpu.memory_space<hbm>>
      tpu.wait_indirect_dma semaphore(%arg11 : memref<!tpu.dma_semaphore, #tpu.memory_space<semaphore_mem>>) src(%dma_wait3A_147 : memref<10240x128xf32, #tpu.memory_space<hbm>>) dst(%dma_wait3A_141 : memref<112x128xf32, #tpu.memory_space<vmem>>)
      %dma_start3A_148 = arith.constant 1 : i32
      %dma_start3A_149 = arith.constant 1 : i32
      %dma_start3A_150 = arith.constant 0 : i32
      %dma_start3A_151 = arith.constant 0 : i32
      %dma_start3A_152 = tpu.memref_slice %arg8[%dma_start3A_148, %dma_start3A_150, %dma_start3A_151] : memref<3x112x128xf32, #tpu.memory_space<vmem>> -> memref<1x112x128xf32, #tpu.memory_space<vmem>>
      %dma_start3A_153 = tpu.memref_squeeze %dma_start3A_152 : memref<1x112x128xf32, #tpu.memory_space<vmem>> -> memref<112x128xf32, #tpu.memory_space<vmem>>
      %dma_start3A_154 = arith.constant 0 : i32
      %dma_start3A_155 = tpu.memref_slice %arg7[%select_n3A_79, %dma_start3A_149, %dma_start3A_154] : memref<2x6x112xi32, #tpu.memory_space<vmem>> -> memref<1x1x112xi32, #tpu.memory_space<vmem>>
      %dma_start3A_156 = tpu.memref_squeeze %dma_start3A_155 : memref<1x1x112xi32, #tpu.memory_space<vmem>> -> memref<112xi32, #tpu.memory_space<vmem>>
      %dma_start3A_157 = arith.constant 0 : i32
      %dma_start3A_158 = arith.constant 0 : i32
      %dma_start3A_159 = tpu.memref_slice %arg9[%dma_start3A_157, %dma_start3A_158] : memref<10240x128xf32, #tpu.memory_space<vmem_shared>> -> memref<10240x128xf32, #tpu.memory_space<vmem_shared>>
      tpu.enqueue_indirect_dma source(%dma_start3A_153 : memref<112x128xf32, #tpu.memory_space<vmem>>) target(%dma_start3A_159 : memref<10240x128xf32, #tpu.memory_space<vmem_shared>>) offsets(%dma_start3A_156 : memref<112xi32, #tpu.memory_space<vmem>>) semaphore(%arg14 : memref<!tpu.dma_semaphore, #tpu.memory_space<semaphore_mem>>) {add = true}
      %add3A_160 = arith.constant 1 : i32
      %add3A_161 = arith.addi %scan3A_70, %add3A_160 : i32
      %lt3A_162 = arith.constant 15 : i32
      %lt3A_163 = arith.cmpi slt, %add3A_161, %lt3A_162 : i32
      %convert_element_type3A_164 = arith.extui %lt3A_163 : i1 to i32
      %cond3A_165 = arith.constant 0 : i32
      %cond3A_166 = arith.cmpi ne, %convert_element_type3A_164, %cond3A_165 : i32
      scf.if %cond3A_166 {
        %add3A_354 = arith.constant 1 : i32
        %add3A_355 = arith.addi %scan3A_70, %add3A_354 : i32
        %dma_start3A_356 = arith.constant 0 : i32
        %dma_start3A_357 = arith.constant 0 : i32
        %dma_start3A_358 = tpu.memref_slice %arg6[%sub3A_80, %dma_start3A_356, %dma_start3A_357] : memref<2x6x112xi32, #tpu.memory_space<vmem>> -> memref<1x6x112xi32, #tpu.memory_space<vmem>>
        %dma_start3A_359 = tpu.memref_squeeze %dma_start3A_358 : memref<1x6x112xi32, #tpu.memory_space<vmem>> -> memref<6x112xi32, #tpu.memory_space<vmem>>
        %dma_start3A_360 = arith.constant 0 : i32
        %dma_start3A_361 = arith.constant 0 : i32
        %dma_start3A_362 = tpu.memref_slice %arg3[%add3A, %add3A_355, %dma_start3A_360, %dma_start3A_361] : memref<32x15x6x112xi32, #tpu.memory_space<hbm>> -> memref<1x1x6x112xi32, #tpu.memory_space<hbm>>
        %dma_start3A_363 = tpu.memref_squeeze %dma_start3A_362 : memref<1x1x6x112xi32, #tpu.memory_space<hbm>> -> memref<6x112xi32, #tpu.memory_space<hbm>>
        %dma_start3A_364 = arith.constant 0 : i32
        %dma_start3A_365 = arith.constant 0 : i32
        %dma_start3A_366 = tpu.memref_slice %arg6[%sub3A_80, %dma_start3A_364, %dma_start3A_365] : memref<2x6x112xi32, #tpu.memory_space<vmem>> -> memref<1x6x112xi32, #tpu.memory_space<vmem>>
        %dma_start3A_367 = tpu.memref_squeeze %dma_start3A_366 : memref<1x6x112xi32, #tpu.memory_space<vmem>> -> memref<6x112xi32, #tpu.memory_space<vmem>>
        %dma_start3A_368 = arith.constant 0 : i32
        %dma_start3A_369 = arith.constant 0 : i32
        %dma_start3A_370 = tpu.memref_slice %arg3[%add3A, %add3A_355, %dma_start3A_368, %dma_start3A_369] : memref<32x15x6x112xi32, #tpu.memory_space<hbm>> -> memref<1x1x6x112xi32, #tpu.memory_space<hbm>>
        %dma_start3A_371 = tpu.memref_squeeze %dma_start3A_370 : memref<1x1x6x112xi32, #tpu.memory_space<hbm>> -> memref<6x112xi32, #tpu.memory_space<hbm>>
        tpu.enqueue_dma source(%dma_start3A_371 : memref<6x112xi32, #tpu.memory_space<hbm>>) target(%dma_start3A_367 : memref<6x112xi32, #tpu.memory_space<vmem>>) target_semaphore(%arg16 : memref<!tpu.dma_semaphore, #tpu.memory_space<semaphore_mem>>)
        %add3A_372 = arith.constant 1 : i32
        %add3A_373 = arith.addi %scan3A_70, %add3A_372 : i32
        %dma_start3A_374 = arith.constant 0 : i32
        %dma_start3A_375 = arith.constant 0 : i32
        %dma_start3A_376 = tpu.memref_slice %arg7[%sub3A_80, %dma_start3A_374, %dma_start3A_375] : memref<2x6x112xi32, #tpu.memory_space<vmem>> -> memref<1x6x112xi32, #tpu.memory_space<vmem>>
        %dma_start3A_377 = tpu.memref_squeeze %dma_start3A_376 : memref<1x6x112xi32, #tpu.memory_space<vmem>> -> memref<6x112xi32, #tpu.memory_space<vmem>>
        %dma_start3A_378 = arith.constant 0 : i32
        %dma_start3A_379 = arith.constant 0 : i32
        %dma_start3A_380 = tpu.memref_slice %arg4[%add3A, %add3A_373, %dma_start3A_378, %dma_start3A_379] : memref<32x15x6x112xi32, #tpu.memory_space<hbm>> -> memref<1x1x6x112xi32, #tpu.memory_space<hbm>>
        %dma_start3A_381 = tpu.memref_squeeze %dma_start3A_380 : memref<1x1x6x112xi32, #tpu.memory_space<hbm>> -> memref<6x112xi32, #tpu.memory_space<hbm>>
        %dma_start3A_382 = arith.constant 0 : i32
        %dma_start3A_383 = arith.constant 0 : i32
        %dma_start3A_384 = tpu.memref_slice %arg7[%sub3A_80, %dma_start3A_382, %dma_start3A_383] : memref<2x6x112xi32, #tpu.memory_space<vmem>> -> memref<1x6x112xi32, #tpu.memory_space<vmem>>
        %dma_start3A_385 = tpu.memref_squeeze %dma_start3A_384 : memref<1x6x112xi32, #tpu.memory_space<vmem>> -> memref<6x112xi32, #tpu.memory_space<vmem>>
        %dma_start3A_386 = arith.constant 0 : i32
        %dma_start3A_387 = arith.constant 0 : i32
        %dma_start3A_388 = tpu.memref_slice %arg4[%add3A, %add3A_373, %dma_start3A_386, %dma_start3A_387] : memref<32x15x6x112xi32, #tpu.memory_space<hbm>> -> memref<1x1x6x112xi32, #tpu.memory_space<hbm>>
        %dma_start3A_389 = tpu.memref_squeeze %dma_start3A_388 : memref<1x1x6x112xi32, #tpu.memory_space<hbm>> -> memref<6x112xi32, #tpu.memory_space<hbm>>
        tpu.enqueue_dma source(%dma_start3A_389 : memref<6x112xi32, #tpu.memory_space<hbm>>) target(%dma_start3A_385 : memref<6x112xi32, #tpu.memory_space<vmem>>) target_semaphore(%arg17 : memref<!tpu.dma_semaphore, #tpu.memory_space<semaphore_mem>>)
      } else {
      }
      %dma_wait3A_167 = arith.constant 0 : i32
      %dma_wait3A_168 = arith.constant 0 : i32
      %dma_wait3A_169 = arith.constant 0 : i32
      %dma_wait3A_170 = arith.constant 0 : i32
      %dma_wait3A_171 = tpu.memref_slice %arg8[%dma_wait3A_167, %dma_wait3A_169, %dma_wait3A_170] : memref<3x112x128xf32, #tpu.memory_space<vmem>> -> memref<1x112x128xf32, #tpu.memory_space<vmem>>
      %dma_wait3A_172 = tpu.memref_squeeze %dma_wait3A_171 : memref<1x112x128xf32, #tpu.memory_space<vmem>> -> memref<112x128xf32, #tpu.memory_space<vmem>>
      %dma_wait3A_173 = arith.constant 0 : i32
      %dma_wait3A_174 = tpu.memref_slice %arg7[%select_n3A_79, %dma_wait3A_168, %dma_wait3A_173] : memref<2x6x112xi32, #tpu.memory_space<vmem>> -> memref<1x1x112xi32, #tpu.memory_space<vmem>>
      %dma_wait3A_175 = tpu.memref_squeeze %dma_wait3A_174 : memref<1x1x112xi32, #tpu.memory_space<vmem>> -> memref<112xi32, #tpu.memory_space<vmem>>
      %dma_wait3A_176 = arith.constant 0 : i32
      %dma_wait3A_177 = arith.constant 0 : i32
      %dma_wait3A_178 = tpu.memref_slice %arg9[%dma_wait3A_176, %dma_wait3A_177] : memref<10240x128xf32, #tpu.memory_space<vmem_shared>> -> memref<10240x128xf32, #tpu.memory_space<vmem_shared>>
      tpu.wait_indirect_dma semaphore(%arg13 : memref<!tpu.dma_semaphore, #tpu.memory_space<semaphore_mem>>) src(%dma_wait3A_172 : memref<112x128xf32, #tpu.memory_space<vmem>>) dst(%dma_wait3A_178 : memref<10240x128xf32, #tpu.memory_space<vmem_shared>>)
      %dma_start3A_179 = arith.constant 3 : i32
      %dma_start3A_180 = arith.constant 0 : i32
      %dma_start3A_181 = arith.constant 0 : i32
      %dma_start3A_182 = arith.constant 0 : i32
      %dma_start3A_183 = tpu.memref_slice %arg8[%dma_start3A_180, %dma_start3A_181, %dma_start3A_182] : memref<3x112x128xf32, #tpu.memory_space<vmem>> -> memref<1x112x128xf32, #tpu.memory_space<vmem>>
      %dma_start3A_184 = tpu.memref_squeeze %dma_start3A_183 : memref<1x112x128xf32, #tpu.memory_space<vmem>> -> memref<112x128xf32, #tpu.memory_space<vmem>>
      %dma_start3A_185 = arith.constant 0 : i32
      %dma_start3A_186 = tpu.memref_slice %arg6[%select_n3A_79, %dma_start3A_179, %dma_start3A_185] : memref<2x6x112xi32, #tpu.memory_space<vmem>> -> memref<1x1x112xi32, #tpu.memory_space<vmem>>
      %dma_start3A_187 = tpu.memref_squeeze %dma_start3A_186 : memref<1x1x112xi32, #tpu.memory_space<vmem>> -> memref<112xi32, #tpu.memory_space<vmem>>
      %dma_start3A_188 = arith.constant 0 : i32
      %dma_start3A_189 = arith.constant 0 : i32
      %dma_start3A_190 = tpu.memref_slice %arg2[%dma_start3A_188, %dma_start3A_189] : memref<10240x128xf32, #tpu.memory_space<hbm>> -> memref<10240x128xf32, #tpu.memory_space<hbm>>
      tpu.enqueue_indirect_dma source(%dma_start3A_190 : memref<10240x128xf32, #tpu.memory_space<hbm>>) target(%dma_start3A_184 : memref<112x128xf32, #tpu.memory_space<vmem>>) offsets(%dma_start3A_187 : memref<112xi32, #tpu.memory_space<vmem>>) semaphore(%arg10 : memref<!tpu.dma_semaphore, #tpu.memory_space<semaphore_mem>>)
      %dma_wait3A_191 = arith.constant 2 : i32
      %dma_wait3A_192 = arith.constant 2 : i32
      %dma_wait3A_193 = arith.constant 0 : i32
      %dma_wait3A_194 = arith.constant 0 : i32
      %dma_wait3A_195 = tpu.memref_slice %arg8[%dma_wait3A_192, %dma_wait3A_193, %dma_wait3A_194] : memref<3x112x128xf32, #tpu.memory_space<vmem>> -> memref<1x112x128xf32, #tpu.memory_space<vmem>>
      %dma_wait3A_196 = tpu.memref_squeeze %dma_wait3A_195 : memref<1x112x128xf32, #tpu.memory_space<vmem>> -> memref<112x128xf32, #tpu.memory_space<vmem>>
      %dma_wait3A_197 = arith.constant 0 : i32
      %dma_wait3A_198 = tpu.memref_slice %arg6[%select_n3A_79, %dma_wait3A_191, %dma_wait3A_197] : memref<2x6x112xi32, #tpu.memory_space<vmem>> -> memref<1x1x112xi32, #tpu.memory_space<vmem>>
      %dma_wait3A_199 = tpu.memref_squeeze %dma_wait3A_198 : memref<1x1x112xi32, #tpu.memory_space<vmem>> -> memref<112xi32, #tpu.memory_space<vmem>>
      %dma_wait3A_200 = arith.constant 0 : i32
      %dma_wait3A_201 = arith.constant 0 : i32
      %dma_wait3A_202 = tpu.memref_slice %arg2[%dma_wait3A_200, %dma_wait3A_201] : memref<10240x128xf32, #tpu.memory_space<hbm>> -> memref<10240x128xf32, #tpu.memory_space<hbm>>
      tpu.wait_indirect_dma semaphore(%arg12 : memref<!tpu.dma_semaphore, #tpu.memory_space<semaphore_mem>>) src(%dma_wait3A_202 : memref<10240x128xf32, #tpu.memory_space<hbm>>) dst(%dma_wait3A_196 : memref<112x128xf32, #tpu.memory_space<vmem>>)
      %dma_start3A_203 = arith.constant 2 : i32
      %dma_start3A_204 = arith.constant 2 : i32
      %dma_start3A_205 = arith.constant 0 : i32
      %dma_start3A_206 = arith.constant 0 : i32
      %dma_start3A_207 = tpu.memref_slice %arg8[%dma_start3A_203, %dma_start3A_205, %dma_start3A_206] : memref<3x112x128xf32, #tpu.memory_space<vmem>> -> memref<1x112x128xf32, #tpu.memory_space<vmem>>
      %dma_start3A_208 = tpu.memref_squeeze %dma_start3A_207 : memref<1x112x128xf32, #tpu.memory_space<vmem>> -> memref<112x128xf32, #tpu.memory_space<vmem>>
      %dma_start3A_209 = arith.constant 0 : i32
      %dma_start3A_210 = tpu.memref_slice %arg7[%select_n3A_79, %dma_start3A_204, %dma_start3A_209] : memref<2x6x112xi32, #tpu.memory_space<vmem>> -> memref<1x1x112xi32, #tpu.memory_space<vmem>>
      %dma_start3A_211 = tpu.memref_squeeze %dma_start3A_210 : memref<1x1x112xi32, #tpu.memory_space<vmem>> -> memref<112xi32, #tpu.memory_space<vmem>>
      %dma_start3A_212 = arith.constant 0 : i32
      %dma_start3A_213 = arith.constant 0 : i32
      %dma_start3A_214 = tpu.memref_slice %arg9[%dma_start3A_212, %dma_start3A_213] : memref<10240x128xf32, #tpu.memory_space<vmem_shared>> -> memref<10240x128xf32, #tpu.memory_space<vmem_shared>>
      tpu.enqueue_indirect_dma source(%dma_start3A_208 : memref<112x128xf32, #tpu.memory_space<vmem>>) target(%dma_start3A_214 : memref<10240x128xf32, #tpu.memory_space<vmem_shared>>) offsets(%dma_start3A_211 : memref<112xi32, #tpu.memory_space<vmem>>) semaphore(%arg15 : memref<!tpu.dma_semaphore, #tpu.memory_space<semaphore_mem>>) {add = true}
      %dma_wait3A_215 = arith.constant 1 : i32
      %dma_wait3A_216 = arith.constant 1 : i32
      %dma_wait3A_217 = arith.constant 0 : i32
      %dma_wait3A_218 = arith.constant 0 : i32
      %dma_wait3A_219 = tpu.memref_slice %arg8[%dma_wait3A_215, %dma_wait3A_217, %dma_wait3A_218] : memref<3x112x128xf32, #tpu.memory_space<vmem>> -> memref<1x112x128xf32, #tpu.memory_space<vmem>>
      %dma_wait3A_220 = tpu.memref_squeeze %dma_wait3A_219 : memref<1x112x128xf32, #tpu.memory_space<vmem>> -> memref<112x128xf32, #tpu.memory_space<vmem>>
      %dma_wait3A_221 = arith.constant 0 : i32
      %dma_wait3A_222 = tpu.memref_slice %arg7[%select_n3A_79, %dma_wait3A_216, %dma_wait3A_221] : memref<2x6x112xi32, #tpu.memory_space<vmem>> -> memref<1x1x112xi32, #tpu.memory_space<vmem>>
      %dma_wait3A_223 = tpu.memref_squeeze %dma_wait3A_222 : memref<1x1x112xi32, #tpu.memory_space<vmem>> -> memref<112xi32, #tpu.memory_space<vmem>>
      %dma_wait3A_224 = arith.constant 0 : i32
      %dma_wait3A_225 = arith.constant 0 : i32
      %dma_wait3A_226 = tpu.memref_slice %arg9[%dma_wait3A_224, %dma_wait3A_225] : memref<10240x128xf32, #tpu.memory_space<vmem_shared>> -> memref<10240x128xf32, #tpu.memory_space<vmem_shared>>
      tpu.wait_indirect_dma semaphore(%arg14 : memref<!tpu.dma_semaphore, #tpu.memory_space<semaphore_mem>>) src(%dma_wait3A_220 : memref<112x128xf32, #tpu.memory_space<vmem>>) dst(%dma_wait3A_226 : memref<10240x128xf32, #tpu.memory_space<vmem_shared>>)
      %dma_start3A_227 = arith.constant 4 : i32
      %dma_start3A_228 = arith.constant 1 : i32
      %dma_start3A_229 = arith.constant 0 : i32
      %dma_start3A_230 = arith.constant 0 : i32
      %dma_start3A_231 = tpu.memref_slice %arg8[%dma_start3A_228, %dma_start3A_229, %dma_start3A_230] : memref<3x112x128xf32, #tpu.memory_space<vmem>> -> memref<1x112x128xf32, #tpu.memory_space<vmem>>
      %dma_start3A_232 = tpu.memref_squeeze %dma_start3A_231 : memref<1x112x128xf32, #tpu.memory_space<vmem>> -> memref<112x128xf32, #tpu.memory_space<vmem>>
      %dma_start3A_233 = arith.constant 0 : i32
      %dma_start3A_234 = tpu.memref_slice %arg6[%select_n3A_79, %dma_start3A_227, %dma_start3A_233] : memref<2x6x112xi32, #tpu.memory_space<vmem>> -> memref<1x1x112xi32, #tpu.memory_space<vmem>>
      %dma_start3A_235 = tpu.memref_squeeze %dma_start3A_234 : memref<1x1x112xi32, #tpu.memory_space<vmem>> -> memref<112xi32, #tpu.memory_space<vmem>>
      %dma_start3A_236 = arith.constant 0 : i32
      %dma_start3A_237 = arith.constant 0 : i32
      %dma_start3A_238 = tpu.memref_slice %arg2[%dma_start3A_236, %dma_start3A_237] : memref<10240x128xf32, #tpu.memory_space<hbm>> -> memref<10240x128xf32, #tpu.memory_space<hbm>>
      tpu.enqueue_indirect_dma source(%dma_start3A_238 : memref<10240x128xf32, #tpu.memory_space<hbm>>) target(%dma_start3A_232 : memref<112x128xf32, #tpu.memory_space<vmem>>) offsets(%dma_start3A_235 : memref<112xi32, #tpu.memory_space<vmem>>) semaphore(%arg11 : memref<!tpu.dma_semaphore, #tpu.memory_space<semaphore_mem>>)
      %dma_wait3A_239 = arith.constant 3 : i32
      %dma_wait3A_240 = arith.constant 0 : i32
      %dma_wait3A_241 = arith.constant 0 : i32
      %dma_wait3A_242 = arith.constant 0 : i32
      %dma_wait3A_243 = tpu.memref_slice %arg8[%dma_wait3A_240, %dma_wait3A_241, %dma_wait3A_242] : memref<3x112x128xf32, #tpu.memory_space<vmem>> -> memref<1x112x128xf32, #tpu.memory_space<vmem>>
      %dma_wait3A_244 = tpu.memref_squeeze %dma_wait3A_243 : memref<1x112x128xf32, #tpu.memory_space<vmem>> -> memref<112x128xf32, #tpu.memory_space<vmem>>
      %dma_wait3A_245 = arith.constant 0 : i32
      %dma_wait3A_246 = tpu.memref_slice %arg6[%select_n3A_79, %dma_wait3A_239, %dma_wait3A_245] : memref<2x6x112xi32, #tpu.memory_space<vmem>> -> memref<1x1x112xi32, #tpu.memory_space<vmem>>
      %dma_wait3A_247 = tpu.memref_squeeze %dma_wait3A_246 : memref<1x1x112xi32, #tpu.memory_space<vmem>> -> memref<112xi32, #tpu.memory_space<vmem>>
      %dma_wait3A_248 = arith.constant 0 : i32
      %dma_wait3A_249 = arith.constant 0 : i32
      %dma_wait3A_250 = tpu.memref_slice %arg2[%dma_wait3A_248, %dma_wait3A_249] : memref<10240x128xf32, #tpu.memory_space<hbm>> -> memref<10240x128xf32, #tpu.memory_space<hbm>>
      tpu.wait_indirect_dma semaphore(%arg10 : memref<!tpu.dma_semaphore, #tpu.memory_space<semaphore_mem>>) src(%dma_wait3A_250 : memref<10240x128xf32, #tpu.memory_space<hbm>>) dst(%dma_wait3A_244 : memref<112x128xf32, #tpu.memory_space<vmem>>)
      %dma_start3A_251 = arith.constant 0 : i32
      %dma_start3A_252 = arith.constant 3 : i32
      %dma_start3A_253 = arith.constant 0 : i32
      %dma_start3A_254 = arith.constant 0 : i32
      %dma_start3A_255 = tpu.memref_slice %arg8[%dma_start3A_251, %dma_start3A_253, %dma_start3A_254] : memref<3x112x128xf32, #tpu.memory_space<vmem>> -> memref<1x112x128xf32, #tpu.memory_space<vmem>>
      %dma_start3A_256 = tpu.memref_squeeze %dma_start3A_255 : memref<1x112x128xf32, #tpu.memory_space<vmem>> -> memref<112x128xf32, #tpu.memory_space<vmem>>
      %dma_start3A_257 = arith.constant 0 : i32
      %dma_start3A_258 = tpu.memref_slice %arg7[%select_n3A_79, %dma_start3A_252, %dma_start3A_257] : memref<2x6x112xi32, #tpu.memory_space<vmem>> -> memref<1x1x112xi32, #tpu.memory_space<vmem>>
      %dma_start3A_259 = tpu.memref_squeeze %dma_start3A_258 : memref<1x1x112xi32, #tpu.memory_space<vmem>> -> memref<112xi32, #tpu.memory_space<vmem>>
      %dma_start3A_260 = arith.constant 0 : i32
      %dma_start3A_261 = arith.constant 0 : i32
      %dma_start3A_262 = tpu.memref_slice %arg9[%dma_start3A_260, %dma_start3A_261] : memref<10240x128xf32, #tpu.memory_space<vmem_shared>> -> memref<10240x128xf32, #tpu.memory_space<vmem_shared>>
      tpu.enqueue_indirect_dma source(%dma_start3A_256 : memref<112x128xf32, #tpu.memory_space<vmem>>) target(%dma_start3A_262 : memref<10240x128xf32, #tpu.memory_space<vmem_shared>>) offsets(%dma_start3A_259 : memref<112xi32, #tpu.memory_space<vmem>>) semaphore(%arg13 : memref<!tpu.dma_semaphore, #tpu.memory_space<semaphore_mem>>) {add = true}
      %dma_wait3A_263 = arith.constant 2 : i32
      %dma_wait3A_264 = arith.constant 2 : i32
      %dma_wait3A_265 = arith.constant 0 : i32
      %dma_wait3A_266 = arith.constant 0 : i32
      %dma_wait3A_267 = tpu.memref_slice %arg8[%dma_wait3A_263, %dma_wait3A_265, %dma_wait3A_266] : memref<3x112x128xf32, #tpu.memory_space<vmem>> -> memref<1x112x128xf32, #tpu.memory_space<vmem>>
      %dma_wait3A_268 = tpu.memref_squeeze %dma_wait3A_267 : memref<1x112x128xf32, #tpu.memory_space<vmem>> -> memref<112x128xf32, #tpu.memory_space<vmem>>
      %dma_wait3A_269 = arith.constant 0 : i32
      %dma_wait3A_270 = tpu.memref_slice %arg7[%select_n3A_79, %dma_wait3A_264, %dma_wait3A_269] : memref<2x6x112xi32, #tpu.memory_space<vmem>> -> memref<1x1x112xi32, #tpu.memory_space<vmem>>
      %dma_wait3A_271 = tpu.memref_squeeze %dma_wait3A_270 : memref<1x1x112xi32, #tpu.memory_space<vmem>> -> memref<112xi32, #tpu.memory_space<vmem>>
      %dma_wait3A_272 = arith.constant 0 : i32
      %dma_wait3A_273 = arith.constant 0 : i32
      %dma_wait3A_274 = tpu.memref_slice %arg9[%dma_wait3A_272, %dma_wait3A_273] : memref<10240x128xf32, #tpu.memory_space<vmem_shared>> -> memref<10240x128xf32, #tpu.memory_space<vmem_shared>>
      tpu.wait_indirect_dma semaphore(%arg15 : memref<!tpu.dma_semaphore, #tpu.memory_space<semaphore_mem>>) src(%dma_wait3A_268 : memref<112x128xf32, #tpu.memory_space<vmem>>) dst(%dma_wait3A_274 : memref<10240x128xf32, #tpu.memory_space<vmem_shared>>)
      %dma_start3A_275 = arith.constant 5 : i32
      %dma_start3A_276 = arith.constant 2 : i32
      %dma_start3A_277 = arith.constant 0 : i32
      %dma_start3A_278 = arith.constant 0 : i32
      %dma_start3A_279 = tpu.memref_slice %arg8[%dma_start3A_276, %dma_start3A_277, %dma_start3A_278] : memref<3x112x128xf32, #tpu.memory_space<vmem>> -> memref<1x112x128xf32, #tpu.memory_space<vmem>>
      %dma_start3A_280 = tpu.memref_squeeze %dma_start3A_279 : memref<1x112x128xf32, #tpu.memory_space<vmem>> -> memref<112x128xf32, #tpu.memory_space<vmem>>
      %dma_start3A_281 = arith.constant 0 : i32
      %dma_start3A_282 = tpu.memref_slice %arg6[%select_n3A_79, %dma_start3A_275, %dma_start3A_281] : memref<2x6x112xi32, #tpu.memory_space<vmem>> -> memref<1x1x112xi32, #tpu.memory_space<vmem>>
      %dma_start3A_283 = tpu.memref_squeeze %dma_start3A_282 : memref<1x1x112xi32, #tpu.memory_space<vmem>> -> memref<112xi32, #tpu.memory_space<vmem>>
      %dma_start3A_284 = arith.constant 0 : i32
      %dma_start3A_285 = arith.constant 0 : i32
      %dma_start3A_286 = tpu.memref_slice %arg2[%dma_start3A_284, %dma_start3A_285] : memref<10240x128xf32, #tpu.memory_space<hbm>> -> memref<10240x128xf32, #tpu.memory_space<hbm>>
      tpu.enqueue_indirect_dma source(%dma_start3A_286 : memref<10240x128xf32, #tpu.memory_space<hbm>>) target(%dma_start3A_280 : memref<112x128xf32, #tpu.memory_space<vmem>>) offsets(%dma_start3A_283 : memref<112xi32, #tpu.memory_space<vmem>>) semaphore(%arg12 : memref<!tpu.dma_semaphore, #tpu.memory_space<semaphore_mem>>)
      %dma_wait3A_287 = arith.constant 4 : i32
      %dma_wait3A_288 = arith.constant 1 : i32
      %dma_wait3A_289 = arith.constant 0 : i32
      %dma_wait3A_290 = arith.constant 0 : i32
      %dma_wait3A_291 = tpu.memref_slice %arg8[%dma_wait3A_288, %dma_wait3A_289, %dma_wait3A_290] : memref<3x112x128xf32, #tpu.memory_space<vmem>> -> memref<1x112x128xf32, #tpu.memory_space<vmem>>
      %dma_wait3A_292 = tpu.memref_squeeze %dma_wait3A_291 : memref<1x112x128xf32, #tpu.memory_space<vmem>> -> memref<112x128xf32, #tpu.memory_space<vmem>>
      %dma_wait3A_293 = arith.constant 0 : i32
      %dma_wait3A_294 = tpu.memref_slice %arg6[%select_n3A_79, %dma_wait3A_287, %dma_wait3A_293] : memref<2x6x112xi32, #tpu.memory_space<vmem>> -> memref<1x1x112xi32, #tpu.memory_space<vmem>>
      %dma_wait3A_295 = tpu.memref_squeeze %dma_wait3A_294 : memref<1x1x112xi32, #tpu.memory_space<vmem>> -> memref<112xi32, #tpu.memory_space<vmem>>
      %dma_wait3A_296 = arith.constant 0 : i32
      %dma_wait3A_297 = arith.constant 0 : i32
      %dma_wait3A_298 = tpu.memref_slice %arg2[%dma_wait3A_296, %dma_wait3A_297] : memref<10240x128xf32, #tpu.memory_space<hbm>> -> memref<10240x128xf32, #tpu.memory_space<hbm>>
      tpu.wait_indirect_dma semaphore(%arg11 : memref<!tpu.dma_semaphore, #tpu.memory_space<semaphore_mem>>) src(%dma_wait3A_298 : memref<10240x128xf32, #tpu.memory_space<hbm>>) dst(%dma_wait3A_292 : memref<112x128xf32, #tpu.memory_space<vmem>>)
      %dma_start3A_299 = arith.constant 1 : i32
      %dma_start3A_300 = arith.constant 4 : i32
      %dma_start3A_301 = arith.constant 0 : i32
      %dma_start3A_302 = arith.constant 0 : i32
      %dma_start3A_303 = tpu.memref_slice %arg8[%dma_start3A_299, %dma_start3A_301, %dma_start3A_302] : memref<3x112x128xf32, #tpu.memory_space<vmem>> -> memref<1x112x128xf32, #tpu.memory_space<vmem>>
      %dma_start3A_304 = tpu.memref_squeeze %dma_start3A_303 : memref<1x112x128xf32, #tpu.memory_space<vmem>> -> memref<112x128xf32, #tpu.memory_space<vmem>>
      %dma_start3A_305 = arith.constant 0 : i32
      %dma_start3A_306 = tpu.memref_slice %arg7[%select_n3A_79, %dma_start3A_300, %dma_start3A_305] : memref<2x6x112xi32, #tpu.memory_space<vmem>> -> memref<1x1x112xi32, #tpu.memory_space<vmem>>
      %dma_start3A_307 = tpu.memref_squeeze %dma_start3A_306 : memref<1x1x112xi32, #tpu.memory_space<vmem>> -> memref<112xi32, #tpu.memory_space<vmem>>
      %dma_start3A_308 = arith.constant 0 : i32
      %dma_start3A_309 = arith.constant 0 : i32
      %dma_start3A_310 = tpu.memref_slice %arg9[%dma_start3A_308, %dma_start3A_309] : memref<10240x128xf32, #tpu.memory_space<vmem_shared>> -> memref<10240x128xf32, #tpu.memory_space<vmem_shared>>
      tpu.enqueue_indirect_dma source(%dma_start3A_304 : memref<112x128xf32, #tpu.memory_space<vmem>>) target(%dma_start3A_310 : memref<10240x128xf32, #tpu.memory_space<vmem_shared>>) offsets(%dma_start3A_307 : memref<112xi32, #tpu.memory_space<vmem>>) semaphore(%arg14 : memref<!tpu.dma_semaphore, #tpu.memory_space<semaphore_mem>>) {add = true}
      %dma_wait3A_311 = arith.constant 0 : i32
      %dma_wait3A_312 = arith.constant 3 : i32
      %dma_wait3A_313 = arith.constant 0 : i32
      %dma_wait3A_314 = arith.constant 0 : i32
      %dma_wait3A_315 = tpu.memref_slice %arg8[%dma_wait3A_311, %dma_wait3A_313, %dma_wait3A_314] : memref<3x112x128xf32, #tpu.memory_space<vmem>> -> memref<1x112x128xf32, #tpu.memory_space<vmem>>
      %dma_wait3A_316 = tpu.memref_squeeze %dma_wait3A_315 : memref<1x112x128xf32, #tpu.memory_space<vmem>> -> memref<112x128xf32, #tpu.memory_space<vmem>>
      %dma_wait3A_317 = arith.constant 0 : i32
      %dma_wait3A_318 = tpu.memref_slice %arg7[%select_n3A_79, %dma_wait3A_312, %dma_wait3A_317] : memref<2x6x112xi32, #tpu.memory_space<vmem>> -> memref<1x1x112xi32, #tpu.memory_space<vmem>>
      %dma_wait3A_319 = tpu.memref_squeeze %dma_wait3A_318 : memref<1x1x112xi32, #tpu.memory_space<vmem>> -> memref<112xi32, #tpu.memory_space<vmem>>
      %dma_wait3A_320 = arith.constant 0 : i32
      %dma_wait3A_321 = arith.constant 0 : i32
      %dma_wait3A_322 = tpu.memref_slice %arg9[%dma_wait3A_320, %dma_wait3A_321] : memref<10240x128xf32, #tpu.memory_space<vmem_shared>> -> memref<10240x128xf32, #tpu.memory_space<vmem_shared>>
      tpu.wait_indirect_dma semaphore(%arg13 : memref<!tpu.dma_semaphore, #tpu.memory_space<semaphore_mem>>) src(%dma_wait3A_316 : memref<112x128xf32, #tpu.memory_space<vmem>>) dst(%dma_wait3A_322 : memref<10240x128xf32, #tpu.memory_space<vmem_shared>>)
      %add3A_323 = arith.constant 1 : i32
      %add3A_324 = arith.addi %scan3A_70, %add3A_323 : i32
      %lt3A_325 = arith.constant 15 : i32
      %lt3A_326 = arith.cmpi slt, %add3A_324, %lt3A_325 : i32
      %convert_element_type3A_327 = arith.extui %lt3A_326 : i1 to i32
      %cond3A_328 = arith.constant 0 : i32
      %cond3A_329 = arith.cmpi ne, %convert_element_type3A_327, %cond3A_328 : i32
      scf.if %cond3A_329 {
        %add3A_354 = arith.constant 1 : i32
        %add3A_355 = arith.addi %scan3A_70, %add3A_354 : i32
        %dma_wait3A_356 = arith.constant 0 : i32
        %dma_wait3A_357 = arith.constant 0 : i32
        %dma_wait3A_358 = tpu.memref_slice %arg6[%sub3A_80, %dma_wait3A_356, %dma_wait3A_357] : memref<2x6x112xi32, #tpu.memory_space<vmem>> -> memref<1x6x112xi32, #tpu.memory_space<vmem>>
        %dma_wait3A_359 = tpu.memref_squeeze %dma_wait3A_358 : memref<1x6x112xi32, #tpu.memory_space<vmem>> -> memref<6x112xi32, #tpu.memory_space<vmem>>
        %dma_wait3A_360 = arith.constant 0 : i32
        %dma_wait3A_361 = arith.constant 0 : i32
        %dma_wait3A_362 = tpu.memref_slice %arg3[%add3A, %add3A_355, %dma_wait3A_360, %dma_wait3A_361] : memref<32x15x6x112xi32, #tpu.memory_space<hbm>> -> memref<1x1x6x112xi32, #tpu.memory_space<hbm>>
        %dma_wait3A_363 = tpu.memref_squeeze %dma_wait3A_362 : memref<1x1x6x112xi32, #tpu.memory_space<hbm>> -> memref<6x112xi32, #tpu.memory_space<hbm>>
        %dma_wait3A_364 = arith.constant 0 : i32
        %dma_wait3A_365 = arith.constant 0 : i32
        %dma_wait3A_366 = tpu.memref_slice %arg6[%sub3A_80, %dma_wait3A_364, %dma_wait3A_365] : memref<2x6x112xi32, #tpu.memory_space<vmem>> -> memref<1x6x112xi32, #tpu.memory_space<vmem>>
        %dma_wait3A_367 = tpu.memref_squeeze %dma_wait3A_366 : memref<1x6x112xi32, #tpu.memory_space<vmem>> -> memref<6x112xi32, #tpu.memory_space<vmem>>
        %dma_wait3A_368 = arith.constant 0 : i32
        %dma_wait3A_369 = arith.constant 0 : i32
        %dma_wait3A_370 = tpu.memref_slice %arg3[%add3A, %add3A_355, %dma_wait3A_368, %dma_wait3A_369] : memref<32x15x6x112xi32, #tpu.memory_space<hbm>> -> memref<1x1x6x112xi32, #tpu.memory_space<hbm>>
        %dma_wait3A_371 = tpu.memref_squeeze %dma_wait3A_370 : memref<1x1x6x112xi32, #tpu.memory_space<hbm>> -> memref<6x112xi32, #tpu.memory_space<hbm>>
        tpu.wait_dma2 semaphore(%arg16 : memref<!tpu.dma_semaphore, #tpu.memory_space<semaphore_mem>>) src(%dma_wait3A_371 : memref<6x112xi32, #tpu.memory_space<hbm>>) dst(%dma_wait3A_367 : memref<6x112xi32, #tpu.memory_space<vmem>>)
        %add3A_372 = arith.constant 1 : i32
        %add3A_373 = arith.addi %scan3A_70, %add3A_372 : i32
        %dma_wait3A_374 = arith.constant 0 : i32
        %dma_wait3A_375 = arith.constant 0 : i32
        %dma_wait3A_376 = tpu.memref_slice %arg7[%sub3A_80, %dma_wait3A_374, %dma_wait3A_375] : memref<2x6x112xi32, #tpu.memory_space<vmem>> -> memref<1x6x112xi32, #tpu.memory_space<vmem>>
        %dma_wait3A_377 = tpu.memref_squeeze %dma_wait3A_376 : memref<1x6x112xi32, #tpu.memory_space<vmem>> -> memref<6x112xi32, #tpu.memory_space<vmem>>
        %dma_wait3A_378 = arith.constant 0 : i32
        %dma_wait3A_379 = arith.constant 0 : i32
        %dma_wait3A_380 = tpu.memref_slice %arg4[%add3A, %add3A_373, %dma_wait3A_378, %dma_wait3A_379] : memref<32x15x6x112xi32, #tpu.memory_space<hbm>> -> memref<1x1x6x112xi32, #tpu.memory_space<hbm>>
        %dma_wait3A_381 = tpu.memref_squeeze %dma_wait3A_380 : memref<1x1x6x112xi32, #tpu.memory_space<hbm>> -> memref<6x112xi32, #tpu.memory_space<hbm>>
        %dma_wait3A_382 = arith.constant 0 : i32
        %dma_wait3A_383 = arith.constant 0 : i32
        %dma_wait3A_384 = tpu.memref_slice %arg7[%sub3A_80, %dma_wait3A_382, %dma_wait3A_383] : memref<2x6x112xi32, #tpu.memory_space<vmem>> -> memref<1x6x112xi32, #tpu.memory_space<vmem>>
        %dma_wait3A_385 = tpu.memref_squeeze %dma_wait3A_384 : memref<1x6x112xi32, #tpu.memory_space<vmem>> -> memref<6x112xi32, #tpu.memory_space<vmem>>
        %dma_wait3A_386 = arith.constant 0 : i32
        %dma_wait3A_387 = arith.constant 0 : i32
        %dma_wait3A_388 = tpu.memref_slice %arg4[%add3A, %add3A_373, %dma_wait3A_386, %dma_wait3A_387] : memref<32x15x6x112xi32, #tpu.memory_space<hbm>> -> memref<1x1x6x112xi32, #tpu.memory_space<hbm>>
        %dma_wait3A_389 = tpu.memref_squeeze %dma_wait3A_388 : memref<1x1x6x112xi32, #tpu.memory_space<hbm>> -> memref<6x112xi32, #tpu.memory_space<hbm>>
        tpu.wait_dma2 semaphore(%arg17 : memref<!tpu.dma_semaphore, #tpu.memory_space<semaphore_mem>>) src(%dma_wait3A_389 : memref<6x112xi32, #tpu.memory_space<hbm>>) dst(%dma_wait3A_385 : memref<6x112xi32, #tpu.memory_space<vmem>>)
        %dma_start3A_390 = arith.constant 0 : i32
        %dma_start3A_391 = arith.constant 0 : i32
        %dma_start3A_392 = arith.constant 0 : i32
        %dma_start3A_393 = arith.constant 0 : i32
        %dma_start3A_394 = tpu.memref_slice %arg8[%dma_start3A_391, %dma_start3A_392, %dma_start3A_393] : memref<3x112x128xf32, #tpu.memory_space<vmem>> -> memref<1x112x128xf32, #tpu.memory_space<vmem>>
        %dma_start3A_395 = tpu.memref_squeeze %dma_start3A_394 : memref<1x112x128xf32, #tpu.memory_space<vmem>> -> memref<112x128xf32, #tpu.memory_space<vmem>>
        %dma_start3A_396 = arith.constant 0 : i32
        %dma_start3A_397 = tpu.memref_slice %arg6[%sub3A_80, %dma_start3A_390, %dma_start3A_396] : memref<2x6x112xi32, #tpu.memory_space<vmem>> -> memref<1x1x112xi32, #tpu.memory_space<vmem>>
        %dma_start3A_398 = tpu.memref_squeeze %dma_start3A_397 : memref<1x1x112xi32, #tpu.memory_space<vmem>> -> memref<112xi32, #tpu.memory_space<vmem>>
        %dma_start3A_399 = arith.constant 0 : i32
        %dma_start3A_400 = arith.constant 0 : i32
        %dma_start3A_401 = tpu.memref_slice %arg2[%dma_start3A_399, %dma_start3A_400] : memref<10240x128xf32, #tpu.memory_space<hbm>> -> memref<10240x128xf32, #tpu.memory_space<hbm>>
        tpu.enqueue_indirect_dma source(%dma_start3A_401 : memref<10240x128xf32, #tpu.memory_space<hbm>>) target(%dma_start3A_395 : memref<112x128xf32, #tpu.memory_space<vmem>>) offsets(%dma_start3A_398 : memref<112xi32, #tpu.memory_space<vmem>>) semaphore(%arg10 : memref<!tpu.dma_semaphore, #tpu.memory_space<semaphore_mem>>)
      } else {
      }
      %dma_wait3A_330 = arith.constant 5 : i32
      %dma_wait3A_331 = arith.constant 2 : i32
      %dma_wait3A_332 = arith.constant 0 : i32
      %dma_wait3A_333 = arith.constant 0 : i32
      %dma_wait3A_334 = tpu.memref_slice %arg8[%dma_wait3A_331, %dma_wait3A_332, %dma_wait3A_333] : memref<3x112x128xf32, #tpu.memory_space<vmem>> -> memref<1x112x128xf32, #tpu.memory_space<vmem>>
      %dma_wait3A_335 = tpu.memref_squeeze %dma_wait3A_334 : memref<1x112x128xf32, #tpu.memory_space<vmem>> -> memref<112x128xf32, #tpu.memory_space<vmem>>
      %dma_wait3A_336 = arith.constant 0 : i32
      %dma_wait3A_337 = tpu.memref_slice %arg6[%select_n3A_79, %dma_wait3A_330, %dma_wait3A_336] : memref<2x6x112xi32, #tpu.memory_space<vmem>> -> memref<1x1x112xi32, #tpu.memory_space<vmem>>
      %dma_wait3A_338 = tpu.memref_squeeze %dma_wait3A_337 : memref<1x1x112xi32, #tpu.memory_space<vmem>> -> memref<112xi32, #tpu.memory_space<vmem>>
      %dma_wait3A_339 = arith.constant 0 : i32
      %dma_wait3A_340 = arith.constant 0 : i32
      %dma_wait3A_341 = tpu.memref_slice %arg2[%dma_wait3A_339, %dma_wait3A_340] : memref<10240x128xf32, #tpu.memory_space<hbm>> -> memref<10240x128xf32, #tpu.memory_space<hbm>>
      tpu.wait_indirect_dma semaphore(%arg12 : memref<!tpu.dma_semaphore, #tpu.memory_space<semaphore_mem>>) src(%dma_wait3A_341 : memref<10240x128xf32, #tpu.memory_space<hbm>>) dst(%dma_wait3A_335 : memref<112x128xf32, #tpu.memory_space<vmem>>)
      %dma_start3A_342 = arith.constant 2 : i32
      %dma_start3A_343 = arith.constant 5 : i32
      %dma_start3A_344 = arith.constant 0 : i32
      %dma_start3A_345 = arith.constant 0 : i32
      %dma_start3A_346 = tpu.memref_slice %arg8[%dma_start3A_342, %dma_start3A_344, %dma_start3A_345] : memref<3x112x128xf32, #tpu.memory_space<vmem>> -> memref<1x112x128xf32, #tpu.memory_space<vmem>>
      %dma_start3A_347 = tpu.memref_squeeze %dma_start3A_346 : memref<1x112x128xf32, #tpu.memory_space<vmem>> -> memref<112x128xf32, #tpu.memory_space<vmem>>
      %dma_start3A_348 = arith.constant 0 : i32
      %dma_start3A_349 = tpu.memref_slice %arg7[%select_n3A_79, %dma_start3A_343, %dma_start3A_348] : memref<2x6x112xi32, #tpu.memory_space<vmem>> -> memref<1x1x112xi32, #tpu.memory_space<vmem>>
      %dma_start3A_350 = tpu.memref_squeeze %dma_start3A_349 : memref<1x1x112xi32, #tpu.memory_space<vmem>> -> memref<112xi32, #tpu.memory_space<vmem>>
      %dma_start3A_351 = arith.constant 0 : i32
      %dma_start3A_352 = arith.constant 0 : i32
      %dma_start3A_353 = tpu.memref_slice %arg9[%dma_start3A_351, %dma_start3A_352] : memref<10240x128xf32, #tpu.memory_space<vmem_shared>> -> memref<10240x128xf32, #tpu.memory_space<vmem_shared>>
      tpu.enqueue_indirect_dma source(%dma_start3A_347 : memref<112x128xf32, #tpu.memory_space<vmem>>) target(%dma_start3A_353 : memref<10240x128xf32, #tpu.memory_space<vmem_shared>>) offsets(%dma_start3A_350 : memref<112xi32, #tpu.memory_space<vmem>>) semaphore(%arg15 : memref<!tpu.dma_semaphore, #tpu.memory_space<semaphore_mem>>) {add = true}
    }
    %scan3A_39 = arith.constant 15 : i32
    %dma_wait3A = arith.constant 1 : i32
    %dma_wait3A_40 = arith.constant 0 : i32
    %dma_wait3A_41 = arith.constant 4 : i32
    %dma_wait3A_42 = arith.constant 0 : i32
    %dma_wait3A_43 = arith.constant 0 : i32
    %dma_wait3A_44 = tpu.memref_slice %arg8[%dma_wait3A, %dma_wait3A_42, %dma_wait3A_43] : memref<3x112x128xf32, #tpu.memory_space<vmem>> -> memref<1x112x128xf32, #tpu.memory_space<vmem>>
    %dma_wait3A_45 = tpu.memref_squeeze %dma_wait3A_44 : memref<1x112x128xf32, #tpu.memory_space<vmem>> -> memref<112x128xf32, #tpu.memory_space<vmem>>
    %dma_wait3A_46 = arith.constant 0 : i32
    %dma_wait3A_47 = tpu.memref_slice %arg7[%dma_wait3A_40, %dma_wait3A_41, %dma_wait3A_46] : memref<2x6x112xi32, #tpu.memory_space<vmem>> -> memref<1x1x112xi32, #tpu.memory_space<vmem>>
    %dma_wait3A_48 = tpu.memref_squeeze %dma_wait3A_47 : memref<1x1x112xi32, #tpu.memory_space<vmem>> -> memref<112xi32, #tpu.memory_space<vmem>>
    %dma_wait3A_49 = arith.constant 0 : i32
    %dma_wait3A_50 = arith.constant 0 : i32
    %dma_wait3A_51 = tpu.memref_slice %arg9[%dma_wait3A_49, %dma_wait3A_50] : memref<10240x128xf32, #tpu.memory_space<vmem_shared>> -> memref<10240x128xf32, #tpu.memory_space<vmem_shared>>
    tpu.wait_indirect_dma semaphore(%arg14 : memref<!tpu.dma_semaphore, #tpu.memory_space<semaphore_mem>>) src(%dma_wait3A_45 : memref<112x128xf32, #tpu.memory_space<vmem>>) dst(%dma_wait3A_51 : memref<10240x128xf32, #tpu.memory_space<vmem_shared>>)
    %dma_wait3A_52 = arith.constant 2 : i32
    %dma_wait3A_53 = arith.constant 0 : i32
    %dma_wait3A_54 = arith.constant 5 : i32
    %dma_wait3A_55 = arith.constant 0 : i32
    %dma_wait3A_56 = arith.constant 0 : i32
    %dma_wait3A_57 = tpu.memref_slice %arg8[%dma_wait3A_52, %dma_wait3A_55, %dma_wait3A_56] : memref<3x112x128xf32, #tpu.memory_space<vmem>> -> memref<1x112x128xf32, #tpu.memory_space<vmem>>
    %dma_wait3A_58 = tpu.memref_squeeze %dma_wait3A_57 : memref<1x112x128xf32, #tpu.memory_space<vmem>> -> memref<112x128xf32, #tpu.memory_space<vmem>>
    %dma_wait3A_59 = arith.constant 0 : i32
    %dma_wait3A_60 = tpu.memref_slice %arg7[%dma_wait3A_53, %dma_wait3A_54, %dma_wait3A_59] : memref<2x6x112xi32, #tpu.memory_space<vmem>> -> memref<1x1x112xi32, #tpu.memory_space<vmem>>
    %dma_wait3A_61 = tpu.memref_squeeze %dma_wait3A_60 : memref<1x1x112xi32, #tpu.memory_space<vmem>> -> memref<112xi32, #tpu.memory_space<vmem>>
    %dma_wait3A_62 = arith.constant 0 : i32
    %dma_wait3A_63 = arith.constant 0 : i32
    %dma_wait3A_64 = tpu.memref_slice %arg9[%dma_wait3A_62, %dma_wait3A_63] : memref<10240x128xf32, #tpu.memory_space<vmem_shared>> -> memref<10240x128xf32, #tpu.memory_space<vmem_shared>>
    tpu.wait_indirect_dma semaphore(%arg15 : memref<!tpu.dma_semaphore, #tpu.memory_space<semaphore_mem>>) src(%dma_wait3A_58 : memref<112x128xf32, #tpu.memory_space<vmem>>) dst(%dma_wait3A_64 : memref<10240x128xf32, #tpu.memory_space<vmem_shared>>)
    %barrier3A_65 = arith.constant 0 : index
    tpu.barrier barrier_id(%barrier3A_65)
    %mul3A_66 = arith.constant 640 : i32
    %mul3A_67 = arith.muli %arg1, %mul3A_66 : i32
    %mul3A_68 = arith.constant 640 : i32
    %mul3A_69 = arith.muli %arg1, %mul3A_68 : i32
    "tpu.region"() ({
      %run_scoped3A_70 = tpu.sem_alloc : memref<!tpu.dma_semaphore, #tpu.memory_space<semaphore_mem>>
      %dma_start3A_71 = arith.constant 0 : i32
      %dma_start3A_72 = tpu.memref_slice %arg5[%arg0, %mul3A_69, %dma_start3A_71] : memref<2x10240x128xf32, #tpu.memory_space<hbm>> -> memref<1x640x128xf32, #tpu.memory_space<hbm>>
      %dma_start3A_73 = tpu.memref_squeeze %dma_start3A_72 : memref<1x640x128xf32, #tpu.memory_space<hbm>> -> memref<640x128xf32, #tpu.memory_space<hbm>>
      %dma_start3A_74 = arith.constant 0 : i32
      %dma_start3A_75 = tpu.memref_slice %arg9[%mul3A_67, %dma_start3A_74] : memref<10240x128xf32, #tpu.memory_space<vmem_shared>> -> memref<640x128xf32, #tpu.memory_space<vmem_shared>>
      tpu.enqueue_dma source(%dma_start3A_75 : memref<640x128xf32, #tpu.memory_space<vmem_shared>>) target(%dma_start3A_73 : memref<640x128xf32, #tpu.memory_space<hbm>>) target_semaphore(%run_scoped3A_70 : memref<!tpu.dma_semaphore, #tpu.memory_space<semaphore_mem>>)
      %dma_wait3A_76 = arith.constant 0 : i32
      %dma_wait3A_77 = tpu.memref_slice %arg5[%arg0, %mul3A_69, %dma_wait3A_76] : memref<2x10240x128xf32, #tpu.memory_space<hbm>> -> memref<1x640x128xf32, #tpu.memory_space<hbm>>
      %dma_wait3A_78 = tpu.memref_squeeze %dma_wait3A_77 : memref<1x640x128xf32, #tpu.memory_space<hbm>> -> memref<640x128xf32, #tpu.memory_space<hbm>>
      %dma_wait3A_79 = arith.constant 0 : i32
      %dma_wait3A_80 = tpu.memref_slice %arg9[%mul3A_67, %dma_wait3A_79] : memref<10240x128xf32, #tpu.memory_space<vmem_shared>> -> memref<640x128xf32, #tpu.memory_space<vmem_shared>>
      tpu.wait_dma2 semaphore(%run_scoped3A_70 : memref<!tpu.dma_semaphore, #tpu.memory_space<semaphore_mem>>) src(%dma_wait3A_80 : memref<640x128xf32, #tpu.memory_space<vmem_shared>>) dst(%dma_wait3A_78 : memref<640x128xf32, #tpu.memory_space<hbm>>)
      tpu.yield
    }) : () -> ()
    return
  }
}

module attributes {stable_mosaic.version = 14 : i64} {
  func.func @_relu_mm_body(%arg0: i32, %arg1: memref<1x1024x128xf32, #tpu.memory_space<vmem>>, %arg2: memref<1x1024x128xf32, #tpu.memory_space<vmem>>, %arg3: memref<128x128xf32, #tpu.memory_space<vmem>>, %arg4: memref<1x128xf32, #tpu.memory_space<vmem>>, %arg5: memref<1024x128xf32, #tpu.memory_space<vmem>>) attributes {dimension_semantics = [#tpu.dimension_semantics<arbitrary>], iteration_bounds = array<i64: 10>, scalar_prefetch = 0 : i64, scratch_operands = 0 : i64, tpu.core_type = #tpu.core_type<tc>, window_params = [{transform_indices = @transform_0, window_bounds = array<i64: 1, 1024, 128>}, {transform_indices = @transform_1, window_bounds = array<i64: 1, 1024, 128>}, {pipeline_mode = #tpu.pipeline_mode<synchronous>, transform_indices = @transform_2, window_bounds = array<i64: 128, 128>}, {pipeline_mode = #tpu.pipeline_mode<synchronous>, transform_indices = @transform_3, window_bounds = array<i64: 1, 128>}, {transform_indices = @transform_4, window_bounds = array<i64: 1024, 128>}]} {
    %get3A = arith.constant 0 : index
    %get3A_0 = arith.constant 0 : index
    %get3A_1 = arith.constant 0 : index
    %get3A_2 = vector.load %arg1[%get3A, %get3A_0, %get3A_1] : memref<1x1024x128xf32, #tpu.memory_space<vmem>>, vector<1x1024x128xf32>
    %get3A_3 = vector.shape_cast %get3A_2 : vector<1x1024x128xf32> to vector<1024x128xf32>
    %get3A_4 = arith.constant 0 : index
    %get3A_5 = arith.constant 0 : index
    %get3A_6 = arith.constant 0 : index
    %get3A_7 = vector.load %arg2[%get3A_4, %get3A_5, %get3A_6] : memref<1x1024x128xf32, #tpu.memory_space<vmem>>, vector<1x1024x128xf32>
    %get3A_8 = vector.shape_cast %get3A_7 : vector<1x1024x128xf32> to vector<1024x128xf32>
    %add3A = arith.addf %get3A_3, %get3A_8 : vector<1024x128xf32>
    %get3A_9 = arith.constant 0 : index
    %get3A_10 = arith.constant 0 : index
    %get3A_11 = vector.load %arg3[%get3A_9, %get3A_10] : memref<128x128xf32, #tpu.memory_space<vmem>>, vector<128x128xf32>
    %dot_general3A = arith.constant dense<0.000000e+00> : vector<1024x128xf32>
    %dot_general3A_12 = tpu.matmul %add3A, %get3A_11, %dot_general3A {dimension_numbers = #tpu.dot_dimension_numbers<[1], [0], [0], [1], [0, 0, 1, 1], [], []>, transpose_lhs_hint = false} : vector<1024x128xf32>, vector<128x128xf32>, vector<1024x128xf32> -> vector<1024x128xf32>
    %get3A_13 = arith.constant 0 : index
    %get3A_14 = arith.constant 0 : index
    %get3A_15 = vector.load %arg4[%get3A_13, %get3A_14] : memref<1x128xf32, #tpu.memory_space<vmem>>, vector<1x128xf32>
    %add3A_16 = vector.broadcast %get3A_15 : vector<1x128xf32> to vector<1024x128xf32>
    %add3A_17 = arith.addf %dot_general3A_12, %add3A_16 : vector<1024x128xf32>
    %max3A = arith.constant 0.000000e+00 : f32
    %max3A_18 = vector.broadcast %max3A : f32 to vector<1024x128xf32>
    %max3A_19 = arith.maximumf %add3A_17, %max3A_18 : vector<1024x128xf32>
    %swap3A = arith.constant 0 : index
    %swap3A_20 = arith.constant 0 : index
    %swap3A_21 = vector.load %arg5[%swap3A, %swap3A_20] : memref<1024x128xf32, #tpu.memory_space<vmem>>, vector<1024x128xf32>
    tpu.vector_store %arg5[%swap3A, %swap3A_20], %max3A_19 {strides = array<i32>} : memref<1024x128xf32, #tpu.memory_space<vmem>>, vector<1024x128xf32>,
    return
  }
  func.func @transform_0(%arg0: i32) -> (i32, i32, i32) {
    %c0_i32 = arith.constant 0 : i32
    %c0_i32_0 = arith.constant 0 : i32
    %c0_i32_1 = arith.constant 0 : i32
    return %c0_i32, %arg0, %c0_i32_0 : i32, i32, i32
  }
  func.func @transform_1(%arg0: i32) -> (i32, i32, i32) {
    %c1_i32 = arith.constant 1 : i32
    %c0_i32 = arith.constant 0 : i32
    %c0_i32_0 = arith.constant 0 : i32
    return %c1_i32, %arg0, %c0_i32 : i32, i32, i32
  }
  func.func @transform_2(%arg0: i32) -> (i32, i32) {
    %c0_i32 = arith.constant 0 : i32
    %c0_i32_0 = arith.constant 0 : i32
    %c0_i32_1 = arith.constant 0 : i32
    return %c0_i32, %c0_i32_0 : i32, i32
  }
  func.func @transform_3(%arg0: i32) -> (i32, i32) {
    %c0_i32 = arith.constant 0 : i32
    %c0_i32_0 = arith.constant 0 : i32
    %c0_i32_1 = arith.constant 0 : i32
    return %c0_i32, %c0_i32_0 : i32, i32
  }
  func.func @transform_4(%arg0: i32) -> (i32, i32) {
    %c0_i32 = arith.constant 0 : i32
    %c0_i32_0 = arith.constant 0 : i32
    return %arg0, %c0_i32 : i32, i32
  }
}

module attributes {stable_mosaic.version = 14 : i64} {
  func.func @_mm2_body(%arg0: i32, %arg1: memref<1x1000x128xf32, #tpu.memory_space<vmem>>, %arg2: memref<1x1000x128xf32, #tpu.memory_space<vmem>>, %arg3: memref<128x64xf32, #tpu.memory_space<vmem>>, %arg4: memref<1x64xf32, #tpu.memory_space<vmem>>, %arg5: memref<1000x64xf32, #tpu.memory_space<vmem>>) attributes {dimension_semantics = [#tpu.dimension_semantics<arbitrary>], iteration_bounds = array<i64: 10>, scalar_prefetch = 0 : i64, scratch_operands = 0 : i64, tpu.core_type = #tpu.core_type<tc>, window_params = [{transform_indices = @transform_0, window_bounds = array<i64: 1, 1000, 128>}, {transform_indices = @transform_1, window_bounds = array<i64: 1, 1000, 128>}, {pipeline_mode = #tpu.pipeline_mode<synchronous>, transform_indices = @transform_2, window_bounds = array<i64: 128, 64>}, {pipeline_mode = #tpu.pipeline_mode<synchronous>, transform_indices = @transform_3, window_bounds = array<i64: 1, 64>}, {transform_indices = @transform_4, window_bounds = array<i64: 1000, 64>}]} {
    %get3A = arith.constant 0 : index
    %get3A_0 = arith.constant 0 : index
    %get3A_1 = arith.constant 0 : index
    %get3A_2 = vector.load %arg1[%get3A, %get3A_0, %get3A_1] : memref<1x1000x128xf32, #tpu.memory_space<vmem>>, vector<1x1000x128xf32>
    %get3A_3 = vector.shape_cast %get3A_2 : vector<1x1000x128xf32> to vector<1000x128xf32>
    %get3A_4 = arith.constant 0 : index
    %get3A_5 = arith.constant 0 : index
    %get3A_6 = arith.constant 0 : index
    %get3A_7 = vector.load %arg2[%get3A_4, %get3A_5, %get3A_6] : memref<1x1000x128xf32, #tpu.memory_space<vmem>>, vector<1x1000x128xf32>
    %get3A_8 = vector.shape_cast %get3A_7 : vector<1x1000x128xf32> to vector<1000x128xf32>
    %add3A = arith.addf %get3A_3, %get3A_8 : vector<1000x128xf32>
    %get3A_9 = arith.constant 0 : index
    %get3A_10 = arith.constant 0 : index
    %get3A_11 = vector.load %arg3[%get3A_9, %get3A_10] : memref<128x64xf32, #tpu.memory_space<vmem>>, vector<128x64xf32>
    %dot_general3A = arith.constant dense<0.000000e+00> : vector<1000x64xf32>
    %dot_general3A_12 = tpu.matmul %add3A, %get3A_11, %dot_general3A {dimension_numbers = #tpu.dot_dimension_numbers<[1], [0], [0], [1], [0, 0, 1, 1], [], []>, transpose_lhs_hint = false} : vector<1000x128xf32>, vector<128x64xf32>, vector<1000x64xf32> -> vector<1000x64xf32>
    %get3A_13 = arith.constant 0 : index
    %get3A_14 = arith.constant 0 : index
    %get3A_15 = vector.load %arg4[%get3A_13, %get3A_14] : memref<1x64xf32, #tpu.memory_space<vmem>>, vector<1x64xf32>
    %add3A_16 = vector.broadcast %get3A_15 : vector<1x64xf32> to vector<1000x64xf32>
    %add3A_17 = arith.addf %dot_general3A_12, %add3A_16 : vector<1000x64xf32>
    %swap3A = arith.constant 0 : index
    %swap3A_18 = arith.constant 0 : index
    %swap3A_19 = vector.load %arg5[%swap3A, %swap3A_18] : memref<1000x64xf32, #tpu.memory_space<vmem>>, vector<1000x64xf32>
    tpu.vector_store %arg5[%swap3A, %swap3A_18], %add3A_17 {strides = array<i32>} : memref<1000x64xf32, #tpu.memory_space<vmem>>, vector<1000x64xf32>,
    return
  }
  func.func @transform_0(%arg0: i32) -> (i32, i32, i32) {
    %c0_i32 = arith.constant 0 : i32
    %c0_i32_0 = arith.constant 0 : i32
    %c0_i32_1 = arith.constant 0 : i32
    return %c0_i32, %arg0, %c0_i32_0 : i32, i32, i32
  }
  func.func @transform_1(%arg0: i32) -> (i32, i32, i32) {
    %c1_i32 = arith.constant 1 : i32
    %c0_i32 = arith.constant 0 : i32
    %c0_i32_0 = arith.constant 0 : i32
    return %c1_i32, %arg0, %c0_i32 : i32, i32, i32
  }
  func.func @transform_2(%arg0: i32) -> (i32, i32) {
    %c0_i32 = arith.constant 0 : i32
    %c0_i32_0 = arith.constant 0 : i32
    %c0_i32_1 = arith.constant 0 : i32
    return %c0_i32, %c0_i32_0 : i32, i32
  }
  func.func @transform_3(%arg0: i32) -> (i32, i32) {
    %c0_i32 = arith.constant 0 : i32
    %c0_i32_0 = arith.constant 0 : i32
    %c0_i32_1 = arith.constant 0 : i32
    return %c0_i32, %c0_i32_0 : i32, i32
  }
  func.func @transform_4(%arg0: i32) -> (i32, i32) {
    %c0_i32 = arith.constant 0 : i32
    %c0_i32_0 = arith.constant 0 : i32
    return %arg0, %c0_i32 : i32, i32
  }
}

</mosaic_0001>

<sc_bundles>
// kernel: kernel.6.cloned.1.call-start
scs
__scs_entry_jumppad:
0x0: {  	(pc) =	sbr.rel $0x88, $3  }
0x1: {  	(tag) =	ssettag $0x0;
	lr =	simm.s32 $0x1  }
0x2: {  	[smem:$0x3F9B] =	sst lr;
	_ =	strace $0xD0000000  }
0x3: {  	_ = 	snop  }
0x4: {  	_ = 	snop  }
0x5: {  	_ = 	snop  }
0x6: {  	_ = 	snop  }
0x7: {  	_ = 	snop  }
__scs_overlays_trampoline_lowered:
0x8: {  	[smem:$0x3FAA] =	sst s0  }
0x9: {  	[smem:$0x3FAB] =	sst s1  }
0xa: {  	[smem:$0x3FAC] =	sst s2  }
0xb: {  	[smem:$0x3FAD] =	sst s3  }
0xc: {  	[smem:$0x3FAE] =	sst s4  }
0xd: {  	[smem:$0x3FAF] =	sst s5  }
0xe: {  	[smem:$0x3FB0] =	sst s6  }
0xf: {  	[smem:$0x3FB1] =	sst s7  }
0x10: {  	[smem:$0x3FB2] =	sst s8  }
0x11: {  	[smem:$0x3FB3] =	sst s9;
	s0 =	simm.s32 @!p0 $0x0  }
0x12: {  	s1 =	sld [smem:$0x3F99];
	s0 =	simm.s32 @p0 $0x1  }
0x13: {  	[smem:$0x3FB4] =	sst s0;
	s0 =	simm.s32 @!p1 $0x0  }
0x14: {  	s2 =	sld [smem:$0x3F98];
	s0 =	simm.s32 @p1 $0x1  }
0x15: {  	[smem:$0x3FB5] =	sst s0;
	s0 =	simm.s32 @!p2 $0x0  }
0x16: {  	s3 =	sld [smem:$0x3FDB];
	s0 =	simm.s32 @p2 $0x1  }
0x17: {  	s4 =	simm.s32 $0x1BF5;
	[smem:$0x3FB7] =	sst s0  }
0x18: {  	s0 =	sld [smem:$0x3F9A];
	_ =	swait.ge [sflag:s4], $0x0  }
0x19: {  	s7 =	sld [smem:$0x3F9B]  }
0x1a: {  	s8 =	sadd.s32 $0xFFFFE003, lr  }
0x1b: {  	s9 =	sadd.s32 $0xFFFFFEF7, lr;
	s5 =	simm.s32 $0xFFFFFFFF;
	p2 =	slt.u32 s8, $0xFFFFF086  }
0x1c: {  	p1 =	slt.u32 s9, $0xF7A;
	s5 =	simm.s32 @!p2 $0x0  }
0x1d: {  	s5 =	simm.s32 @p1 $0x1;
	p0 =	seq.s32 s7, s2  }
0x1e: {  	s7 =	smul.u32 @!p0 $0xF7A, s2;
	p2 =	seq.s32 @!p0 s5, $0x0  }
0x1f: {  	s9 =	smul.u32 $0xF7A, s1;
	s8 =	simm.s32 @!p0 $0x1BF5;
	p2 =	por !p2, p0  }
0x20: {  	[sflag:s8] =	ssyncset.s32 @!p0 $0xFFFFF086;
	s6 =	sadd.s32 @!p0 s3, s7;
	s7 =	simm.s32 @!p0 $0x108  }
0x21: {  	s3 =	sadd.s32 s3, s9;
	s6 =	sadd.s32 @!p0 $0x88, s6;
	s7 =	simm.s32 @p2 $0x1082  }
0x22: {  	[simem:s7], [sflag:s8] =	dma.local @!p0 [hbm:s6], $0xF7A  }
0x23: {  	s9 =	sor.u32 $0xD0000000, s2;
	s6 =	simm.s32 $0x108;
	_ =	swait.ge @!p0 [sflag:s8], $0x0  }
0x24: {  	s3 =	sadd.s32 $0x88, s3;
	s6 =	simm.s32 @!p1 $0x1082;
	[sflag:s4] =	ssyncset.s32 $0xFFFFF086  }
0x25: {  	[simem:s6], [sflag:s4] =	dma.local [hbm:s3], $0xF7A  }
0x26: {  	[smem:$0x3F9B] =	sst s1;
	(tag) =	ssettag s2;
	_ =	strace s9  }
0x27: {  	s1 =	sld [smem:$0x3FAB]  }
0x28: {  	s2 =	sld [smem:$0x3FAC]  }
0x29: {  	s4 =	sld [smem:$0x3FAE]  }
0x2a: {  	p0 =	seq.s32 s5, $0x0;
	s5 =	sld [smem:$0x3FAF]  }
0x2b: {  	s6 =	sld [smem:$0x3FB0]  }
0x2c: {  	s7 =	sld [smem:$0x3FB1]  }
0x2d: {  	s3 =	simm.s32 $0x108;
	s8 =	sld [smem:$0x3FB2]  }
0x2e: {  	s3 =	simm.s32 @!p0 $0x1082;
	s9 =	sld [smem:$0x3FB3]  }
0x2f: {  	lr =	sadd.s32 s0, s3;
	s0 =	sld [smem:$0x3FAA]  }
0x30: {  	s3 =	sld [smem:$0x3FAD]  }
0x31: {  	[smem:$0x3FB6] =	sst s10  }
0x32: {  	s10 =	sld [smem:$0x3FB4];
	_ =	sdelay $0x3  }
0x33: {  	p0 =	seq.s32 s10, $0x1;
	s10 =	sld [smem:$0x3FB6];
	_ =	sdelay $0x3  }
0x34: {  	[smem:$0x3FB6] =	sst s10  }
0x35: {  	s10 =	sld [smem:$0x3FB5];
	_ =	sdelay $0x3  }
0x36: {  	p1 =	seq.s32 s10, $0x1;
	s10 =	sld [smem:$0x3FB6];
	_ =	sdelay $0x3  }
0x37: {  	[smem:$0x3FB6] =	sst s10  }
0x38: {  	s10 =	sld [smem:$0x3FB7]  }
0x39: {  	_ = 	snop;
	(pc) =	sbr.ind lr, $3  }
0x3a: {  	_ = 	snop  }
0x3b: {  	_ = 	snop  }
0x3c: {  	p2 =	seq.s32 s10, $0x1;
	s10 =	sld [smem:$0x3FB6]  }
0x3d: {  	_ =	shalt  }
0x3e: {  	_ =	shalt  }
0x3f: {  	_ =	shalt  }
0x40: {  	_ =	shalt  }
0x41: {  	_ =	shalt  }
0x42: {  	_ =	shalt  }
0x43: {  	_ =	shalt  }
0x44: {  	_ =	shalt  }
0x45: {  	_ =	shalt  }
0x46: {  	_ =	shalt  }
0x47: {  	_ =	shalt  }
0x48: {  	_ =	shalt  }
0x49: {  	_ =	shalt  }
0x4a: {  	_ =	shalt  }
0x4b: {  	_ =	shalt  }
0x4c: {  	_ =	shalt  }
0x4d: {  	_ =	shalt  }
0x4e: {  	_ =	shalt  }
0x4f: {  	_ =	shalt  }
0x50: {  	_ =	shalt  }
0x51: {  	_ =	shalt  }
0x52: {  	_ =	shalt  }
0x53: {  	_ =	shalt  }
0x54: {  	_ =	shalt  }
0x55: {  	_ =	shalt  }
0x56: {  	_ =	shalt  }
0x57: {  	_ =	shalt  }
0x58: {  	_ =	shalt  }
0x59: {  	_ =	shalt  }
0x5a: {  	_ =	shalt  }
0x5b: {  	_ =	shalt  }
0x5c: {  	_ =	shalt  }
0x5d: {  	_ =	shalt  }
0x5e: {  	_ =	shalt  }
0x5f: {  	_ =	shalt  }
0x60: {  	_ =	shalt  }
0x61: {  	_ =	shalt  }
0x62: {  	_ =	shalt  }
0x63: {  	_ =	shalt  }
0x64: {  	_ =	shalt  }
0x65: {  	_ =	shalt  }
0x66: {  	_ =	shalt  }
0x67: {  	_ =	shalt  }
0x68: {  	_ =	shalt  }
0x69: {  	_ =	shalt  }
0x6a: {  	_ =	shalt  }
0x6b: {  	_ =	shalt  }
0x6c: {  	_ =	shalt  }
0x6d: {  	_ =	shalt  }
0x6e: {  	_ =	shalt  }
0x6f: {  	_ =	shalt  }
0x70: {  	_ =	shalt  }
0x71: {  	_ =	shalt  }
0x72: {  	_ =	shalt  }
0x73: {  	_ =	shalt  }
0x74: {  	_ =	shalt  }
0x75: {  	_ =	shalt  }
0x76: {  	_ =	shalt  }
0x77: {  	_ =	shalt  }
0x78: {  	_ =	shalt  }
0x79: {  	_ =	shalt  }
0x7a: {  	_ =	shalt  }
0x7b: {  	_ =	shalt  }
0x7c: {  	_ =	shalt  }
0x7d: {  	_ =	shalt  }
0x7e: {  	_ =	shalt  }
0x7f: {  	_ =	shalt  }
0x80: {  	_ =	shalt  }
0x81: {  	_ =	shalt  }
0x82: {  	_ =	shalt  }
0x83: {  	_ =	shalt  }
0x84: {  	_ =	shalt  }
0x85: {  	_ =	shalt  }
0x86: {  	_ =	shalt  }
0x87: {  	_ =	shalt  }
.Lfunc_end0:
.L_simem_size_0:
called_computation_lowered:
.L_overlay_start_0:
0x88: {  	s2 =	sld [smem:$0x3FD9]  }
0x89: {  	s3 =	sld [smem:$0x3FFE];
	_ =	sdelay $0x1  }
0x8a: {  	s1 =	srdreg.scid  }
0x8b: {  	s0 =	sand.u32 $0x1, s1  }
0x8c: {  	s17 =	sshll.u32 s0, $0xA;
	s2 =	sadd.s32 s3, s2  }
0x8d: {  	s2 =	sadd.s32 s2, s17  }
0x8e: {  	[smem:$0x3FC2] =	sst s2  }
0x8f: {  	_ = 	snop  }
0x90: {  	s2 =	sld [smem:$0x3FC9]  }
0x91: {  	s18 =	sld [smem:$0x3FD0];
	(tm) =	ssettm $0x1  }
0x92: {  	s4 =	sld [smem:$0x3FFB];
	_ =	sdelay $0x3  }
0x93: {  	_ =	strace s4  }
0x94: {  	s4 =	sld [smem:$0x3FFC];
	_ =	sdelay $0x3  }
0x95: {  	_ =	strace s4  }
0x96: {  	s4 =	sld [smem:$0x3FFD];
	_ =	sdelay $0x3  }
0x97: {  	_ =	strace s4  }
0x98: {  	_ =	strace $0x8FFFFFFF  }
0x99: {  	s19 =	sld [smem:$0x3FDB];
	_ =	sdelay $0x1  }
0x9a: {  	s5 =	simm.s32 $_scs_section_size  }
0x9b: {  	s6 =	simm.s32 $_size__tile_overlayer_lowered;
	s7 =	simm.s32 $_tile_overlayer_lowered  }
0x9c: {  	s22 =	simm.s32 $0x1BFF;
	s21 =	sshll.u32 s7, $0x1;
	s4 =	sadd.s32 s5, s19  }
0x9d: {  	s8 =	simm.s32 $0x0;
	s20 =	sshll.u32 s6, $0x1;
	s6 =	sadd.s32 s21, s4  }
0x9e: {  	[timem:s8], [sflag:s22] =	dma.local [hbm:s6], s20  }
0x9f: {  	_ =	swait.ge [sflag:s22], s20  }
0xa0: {  	s5 =	ssub.s32 $0x0, s20;
	[sflag:s22] =	ssyncset.done $0x0  }
0xa1: {  	[sflag:s22] =	ssyncadd.s32 s5;
	_ =	sdelay $0x1  }
0xa2: {  	s23 =	simm.s32 $0x1B8B  }
0xa3: {  	_ =	swait.ge [sflag:s23], $0x1  }
0xa4: {  	[sflag:s23] =	ssyncset.done $0x0  }
0xa5: {  	s25 =	simm.s32 $0x1B8E;
	s24 =	sld [smem:$0x3FFE];
	[sflag:s23] =	ssyncadd.s32 $0xFFFFFFFF  }
0xa6: {  	s26 =	simm.s32 $execute0_lowered;
	[smem:$0x3FD2] =	sst s25  }
0xa7: {  	s6 =	sshll.u32 s26, $0x1;
	_ =	strace $0x80000046;
	[dreg:$0x1] =	wrdreg $0xFFFFFFFF  }
0xa8: {  	s28 =	simm.s32 $_size_execute0_lowered;
	s4 =	sadd.s32 s4, s6;
	[dreg:$0x0] =	wrdreg $0x0  }
0xa9: {  	s6 =	sshll.u32 s28, $0x1;
	[dreg:$0x2] =	wrdreg s4  }
0xaa: {  	[dreg:$0x3] =	wrdreg s6  }
0xab: {  	[dreg:$0x4] =	wrdreg $0xC0  }
0xac: {  	_ =	task [dreg:s8], $0x5FFFF  }
0xad: {  	[dreg:$0x1] =	wrdreg $0xFFFFFFFF  }
0xae: {  	[dreg:$0x0] =	wrdreg $0x60  }
0xaf: {  	[dreg:$0x2] =	wrdreg s2  }
0xb0: {  	[dreg:$0x3] =	wrdreg s18  }
0xb1: {  	[dreg:$0x4] =	wrdreg s24  }
0xb2: {  	[dreg:$0x5] =	wrdreg $0xB8000  }
0xb3: {  	[dreg:$0x6] =	wrdreg $0x9  }
0xb4: {  	_ =	task.clear_ibuf [dreg:s8], $0x7FFFF;
	_ =	strace $0x90000046  }
0xb5: {  	s29 =	simm.s32 $0x9;
	_ =	strace $0x80000048  }
0xb6: {  	_ =	swait.ge [sflag:s29], $0x1  }
0xb7: {  	[sflag:s29] =	ssyncadd.s32 $0xFFFFFFFF  }
0xb8: {  	_ =	strace $0x90000048  }
0xb9: {  	_ =	sfence  }
0xba: {  	s30 =	sld [smem:$0x0];
	_ =	sdelay $0x2  }
0xbb: {  	s31 =	sshll.u32 s1, $0xD;
	s1 =	sshrl.u32 s1, $0x2  }
0xbc: {  	s3 =	sand.u32 $0x4000, s31;
	s1 =	sadd.s32 s1, s30  }
0xbd: {  	s0 =	sor.u32 s3, s0;
	s1 =	sshll.u32 s1, $0x11  }
0xbe: {  	s0 =	sor.u32 s1, s0  }
0xbf: {  	s0 =	sadd.s32 $0x8F2B, s0  }
0xc0: {  	[sflag:s0] =	ssyncadd.remote.s32 $0x1  }
0xc1: {  	_ =	sfence.sel $0xFFFF  }
0xc2: {  	[dreg:$0x0] =	wrdreg $0xFFFFFFFF;
	(pc) =	sbr.abs _section_cstart, $3  }
0xc3: {  	[dreg:$0x1] =	wrdreg $0xFFFFFFFF  }
0xc4: {  	_ =	task.clear_ibuf [dreg:s8], $0x2FFFF;
	_ =	strace $0x9FFFFFFF  }
0xc5: {  	(tm) =	ssettm $0x7FFFFFFF  }
tec
execute0_lowered:
.L_overlay_start_1:
0x0: {  	(tag) =	ssettag $0x1  }
0x1: {  	s1 =	rddreg [dreg:$0x0]  }
0x2: {  	s2 =	rddreg [dreg:$0x1]  }
0x3: {  	s0 =	rddreg [dreg:$0x2]  }
0x4: {  	s3 =	rddreg [dreg:$0x3];
	s4 =	srdreg.scid  }
0x5: {  	s6 =	simm.s32 $0x0;
	s11 =	stileid.u32;
	s28 =	simm.s32 $0x4800  }
0x6: {  	s29 =	simm.s32 $0x8000;
	s30 =	simm.s32 $0x2;
	s7 =	smul.u32 $0x14000, s11  }
0x7: {  	s31 =	simm.s32 $0x4;
	s4 =	sand.u32 $0x1, s4;
	s13 =	smul.u32 $0x50000, s11  }
0x8: {  	[smem:$0x7FF] =	sst s6;
	s6 =	sadd.s32 $0x1000, s0;
	s23 =	smul.u32 $0x3C00, s11  }
0x9: {  	s5 =	smul.u32 $0x140000, s4;
	_ =	strace $0x80000047;
	s8 =	sshll.u32 s4, $0x4  }
0xa: {  	s9 =	ssub.s32 $0x2, s4;
	s20 =	smul.u32 $0x3C000, s4;
	s15 =	sshrl.u32 s13, $0x2  }
0xb: {  	s4 =	simm.s32 $0x6;
	s5 =	sadd.s32 s7, s5;
	s7 =	sadd.s32 s15, s3  }
0xc: {  	s12 =	sor.u32 s11, s8;
	s14 =	sshrl.u32 s9, $0x1;
	s19 =	sadd.s32 $0x2000, s7  }
0xd: {  	s10 =	smul.u32 $0x3C00, s12;
	s21 =	sadd.s32 $0x4000, s7;
	[dreg:$0x9] =	wrdreg s19  }
0xe: {  	s5 =	sshrl.u32 s5, $0x3;
	s22 =	sadd.s32 $0x6000, s7;
	[dreg:$0xa] =	wrdreg s21  }
0xf: {  	s24 =	sadd.s32 $0x8000, s7;
	s25 =	sadd.s32 $0xA000, s7;
	[dreg:$0xb] =	wrdreg s22  }
0x10: {  	s26 =	sadd.s32 $0xC000, s7;
	s0 =	sadd.s32 s5, s0;
	[dreg:$0xc] =	wrdreg s24  }
0x11: {  	s5 =	ssub.s32 s9, s14;
	s16 =	sshrl.u32 s10, $0x3;
	[dreg:$0xd] =	wrdreg s25  }
0x12: {  	[dreg:$0xe] =	wrdreg s26;
	s19 =	sadd.s32 $0x10000, s7;
	s17 =	sadd.s32 s2, s16  }
0x13: {  	s22 =	simm.s32 $0x1000;
	s8 =	sadd.s32 s6, s16;
	[dreg:$0x5] =	wrdreg s17  }
0x14: {  	s24 =	simm.s32 $0x9;
	s0 =	sadd.s32 $0x10000, s0;
	[dreg:$0x6] =	wrdreg s8  }
0x15: {  	s26 =	simm.s32 $0x70;
	s18 =	smax.u32 s5, $0x1;
	[dreg:$0x7] =	wrdreg s0  }
0x16: {  	s25 =	simm.s32 $0x5;
	s5 =	simm.s32 $0x0;
	[dreg:$0x8] =	wrdreg s18  }
0x17: {  	s18 =	sadd.s32 $0xE000, s7;
	s0 =	sadd.s32 s23, s20;
	s20 =	sadd.s32 $0x12000, s7  }
0x18: {  	v0 =	vimm.f32 $0.0e+00;
	s23 =	simm.s32 $0x1;
	s21 =	sadd.s32 $0x400, s0;
	s0 =	simm.s32 $0x3  }
.LBB2_1:
0x19: {  	s9 =	simm.s32 $0x0  }
0x1a: {  	s8 =	sand.u32 $0xFE00, s9  }
0x1b: {  	s9 =	sand.u32 $0x70, s9;
	s10 =	sshrl.u32 s8, $0x2  }
0x1c: {  	s8 =	simm.s32 $0x40;
	s10 =	sor.u32 s9, s10;
	s9 =	simm.s32 $0x0  }
.LBB2_2:
0x1d: {  	p0 =	sne.s32 s8, $0xDFC0  }
0x1e: {  	[tilespmem:s10+$0x1000] =	vst v0;
	s9 =	sadd.s32 $0x10, s9;
	s10 =	smov.u32 s8;
	s8 =	sadd.s32 $0x40, s8  }
.Ltmp0:
0x1f: {  	(pc) =	sbr.rel @p0 .LBB2_2-.Ltmp0, $4  }
0x20: {  	_ = 	snop  }
0x21: {  	s10 =	sand.u32 $0xFE00, s10  }
0x22: {  	s11 =	sand.u32 $0x70, s9;
	s10 =	sshrl.u32 s10, $0x2  }
0x23: {  	s10 =	sor.u32 s11, s10  }
0x24: {  	[tilespmem:s10+$0x1000] =	vst v0  }
0x25: {  	[spmem:s7] =	stream.linear.scatter [tilespmem:s22], [sflag:$0x1], $0x2000, $0x38;
	[tilespmem:$0x1F800] =	vst v63  }
0x26: {  	s8 =	rddreg [dreg:$0x9]  }
0x27: {  	[spmem:s8] =	stream.linear.scatter [tilespmem:s22], [sflag:$0x1], $0x2000, $0x38;
	[tilespmem:$0x1F800] =	vst v63  }
0x28: {  	s17 =	rddreg [dreg:$0xa]  }
0x29: {  	[spmem:s17] =	stream.linear.scatter [tilespmem:s22], [sflag:$0x1], $0x2000, $0x38;
	[tilespmem:$0x1F800] =	vst v63  }
0x2a: {  	s9 =	rddreg [dreg:$0xb]  }
0x2b: {  	[spmem:s9] =	stream.linear.scatter [tilespmem:s22], [sflag:$0x1], $0x2000, $0x38;
	[tilespmem:$0x1F800] =	vst v63  }
0x2c: {  	s10 =	rddreg [dreg:$0xc]  }
0x2d: {  	[spmem:s10] =	stream.linear.scatter [tilespmem:s22], [sflag:$0x1], $0x2000, $0x38;
	[tilespmem:$0x1F800] =	vst v63  }
0x2e: {  	s11 =	rddreg [dreg:$0xd]  }
0x2f: {  	[spmem:s11] =	stream.linear.scatter [tilespmem:s22], [sflag:$0x1], $0x2000, $0x38;
	[tilespmem:$0x1F800] =	vst v63  }
0x30: {  	s12 =	rddreg [dreg:$0xe]  }
0x31: {  	[spmem:s12] =	stream.linear.scatter [tilespmem:s22], [sflag:$0x1], $0x2000, $0x38;
	[tilespmem:$0x1F800] =	vst v63  }
0x32: {  	_ = 	snop  }
0x33: {  	[spmem:s18] =	stream.linear.scatter [tilespmem:s22], [sflag:$0x1], $0x2000, $0x38;
	[tilespmem:$0x1F800] =	vst v63  }
0x34: {  	_ = 	snop  }
0x35: {  	[spmem:s19] =	stream.linear.scatter [tilespmem:s22], [sflag:$0x1], $0x2000, $0x38;
	[tilespmem:$0x1F800] =	vst v63  }
0x36: {  	_ = 	snop  }
0x37: {  	[spmem:s20] =	stream.linear.scatter [tilespmem:s22], [sflag:$0x1], $0x2000, $0x38;
	[tilespmem:$0x1F800] =	vst v63  }
0x38: {  	_ =	swait.ge [sflag:s23], $0x2000  }
0x39: {  	[sflag:s23] =	ssyncset.done $0x0  }
0x3a: {  	[sflag:s23] =	ssyncadd.s32 $0xFFFFE000  }
0x3b: {  	_ =	swait.ge [sflag:s23], $0x2000  }
0x3c: {  	[sflag:s23] =	ssyncset.done $0x0  }
0x3d: {  	[sflag:s23] =	ssyncadd.s32 $0xFFFFE000  }
0x3e: {  	_ =	swait.ge [sflag:s23], $0x2000  }
0x3f: {  	[sflag:s23] =	ssyncset.done $0x0  }
0x40: {  	[sflag:s23] =	ssyncadd.s32 $0xFFFFE000  }
0x41: {  	_ =	swait.ge [sflag:s23], $0x2000  }
0x42: {  	[sflag:s23] =	ssyncset.done $0x0  }
0x43: {  	[sflag:s23] =	ssyncadd.s32 $0xFFFFE000  }
0x44: {  	_ =	swait.ge [sflag:s23], $0x2000  }
0x45: {  	[sflag:s23] =	ssyncset.done $0x0  }
0x46: {  	[sflag:s23] =	ssyncadd.s32 $0xFFFFE000  }
0x47: {  	_ =	swait.ge [sflag:s23], $0x2000  }
0x48: {  	[sflag:s23] =	ssyncset.done $0x0  }
0x49: {  	[sflag:s23] =	ssyncadd.s32 $0xFFFFE000  }
0x4a: {  	_ =	swait.ge [sflag:s23], $0x2000  }
0x4b: {  	[sflag:s23] =	ssyncset.done $0x0  }
0x4c: {  	[sflag:s23] =	ssyncadd.s32 $0xFFFFE000  }
0x4d: {  	_ =	swait.ge [sflag:s23], $0x2000  }
0x4e: {  	[sflag:s23] =	ssyncset.done $0x0  }
0x4f: {  	[sflag:s23] =	ssyncadd.s32 $0xFFFFE000  }
0x50: {  	_ =	swait.ge [sflag:s23], $0x2000  }
0x51: {  	[sflag:s23] =	ssyncset.done $0x0  }
0x52: {  	[sflag:s23] =	ssyncadd.s32 $0xFFFFE000  }
0x53: {  	_ =	swait.ge [sflag:s23], $0x2000  }
0x54: {  	[sflag:s23] =	ssyncset.done $0x0  }
0x55: {  	[sflag:s23] =	ssyncadd.s32 $0xFFFFE000  }
0x56: {  	[bflag:$0x0] =	sbarrier.arrive $0xFFFF  }
0x57: {  	s13 =	simm.s32 $0x0;
	s9 =	rddreg [dreg:$0x5]  }
0x58: {  	[tilespmem:s13], [sflag:$0x9] =	stream.linear.gather [hbm4b:s9+s13], $0x300, $0x38;
	[tilespmem:$0x1F800] =	vst v63  }
0x59: {  	_ =	swait.ge [sflag:s24], $0x300  }
0x5a: {  	[sflag:s24] =	ssyncset.done $0x0  }
0x5b: {  	s15 =	simm.s32 $0x800;
	s14 =	rddreg [dreg:$0x6];
	[sflag:s24] =	ssyncadd.s32 $0xFFFFFD00  }
0x5c: {  	[tilespmem:s15], [sflag:$0x9] =	stream.linear.gather [hbm4b:s14+s13], $0x300, $0x38;
	[tilespmem:$0x1F800] =	vst v63  }
0x5d: {  	_ =	swait.ge [sflag:s24], $0x300  }
0x5e: {  	p0 =	por $0x1, $0x1;
	[sflag:s24] =	ssyncset.done $0x0  }
0x5f: {  	s9 =	simm.s32 @!p0 $0x5;
	[sflag:s24] =	ssyncadd.s32 $0xFFFFFD00  }
0x60: {  	[tilespmem:s22], [sflag:$0x1] =	stream.indirect.gather [hbm4b:s1+s26], $0x80, s13, s26, $0xb8;
	[tilespmem:$0x1F800] =	vst v63  }
0x61: {  	s8 =	sand.u32 $0x1, s13;
	_ =	swait.ge @!p0 [sflag:s9], $0x3800  }
0x62: {  	s10 =	sshll.u32 s8, $0xA;
	[sflag:s9] =	ssyncset.done @!p0 $0x0  }
0x63: {  	s11 =	sor.u32 $0x80, s10;
	[sflag:s9] =	ssyncadd.s32 @!p0 $0xFFFFC800  }
0x64: {  	[tilespmem:s28], [sflag:$0x2] =	stream.indirect.gather [hbm4b:s1+s26], $0x80, s11, s26, $0xb8;
	[tilespmem:$0x1F800] =	vst v63  }
0x65: {  	_ =	swait.ge [sflag:s23], $0x3800  }
0x66: {  	[sflag:s23] =	ssyncset.done $0x0  }
0x67: {  	s16 =	sor.u32 $0x800, s10;
	s12 =	simm.s32 @!p0 $0x6;
	[sflag:s23] =	ssyncadd.s32 $0xFFFFC800  }
0x68: {  	[spmem:s3] =	stream.indirect.scatter.add.f32 [tilespmem:s22], [sflag:$0x4], $0x80, s16, s26, $0xb8;
	[tilespmem:$0x1F800] =	vst v63  }
0x69: {  	_ =	swait.ge @!p0 [sflag:s12], $0x3800  }
0x6a: {  	[sflag:s12] =	ssyncset.done @!p0 $0x0  }
0x6b: {  	s17 =	sor.u32 $0x100, s10;
	[sflag:s12] =	ssyncadd.s32 @!p0 $0xFFFFC800  }
0x6c: {  	[tilespmem:s29], [sflag:$0x3] =	stream.indirect.gather [hbm4b:s1+s26], $0x80, s17, s26, $0xb8;
	[tilespmem:$0x1F800] =	vst v63  }
0x6d: {  	_ =	swait.ge [sflag:s30], $0x3800  }
0x6e: {  	s8 =	sxor.u32 $0x1, s8;
	p0 =	por $0x0, $0x0;
	[sflag:s30] =	ssyncset.done $0x0  }
0x6f: {  	s11 =	sor.u32 $0x800, s11;
	s12 =	sshrl.u32 @!p0 s21, $0x3;
	[sflag:s30] =	ssyncadd.s32 $0xFFFFC800  }
0x70: {  	[spmem:s3] =	stream.indirect.scatter.add.f32 [tilespmem:s28], [sflag:$0x5], $0x80, s11, s26, $0xb8;
	[tilespmem:$0x1F800] =	vst v63  }
0x71: {  	s8 =	sshll.u32 @!p0 s8, $0xA;
	s13 =	sadd.s32 @!p0 s2, s12;
	s11 =	simm.s32 @!p0 $0x0  }
0x72: {  	[tilespmem:s8], [sflag:$0x7] =	stream.linear.gather @!p0 [hbm4b:s13+s11], $0x300, $0x38;
	[tilespmem:$0x1F800] =	vst v63  }
0x73: {  	s12 =	sadd.s32 @!p0 s6, s12;
	s13 =	sor.u32 @!p0 $0x800, s8  }
0x74: {  	[tilespmem:s13], [sflag:$0x8] =	stream.linear.gather @!p0 [hbm4b:s12+s11], $0x300, $0x38;
	[tilespmem:$0x1F800] =	vst v63  }
0x75: {  	_ =	swait.ge [sflag:s31], $0x3800  }
0x76: {  	[sflag:s31] =	ssyncset.done $0x0  }
0x77: {  	s13 =	sor.u32 $0x180, s10;
	[sflag:s31] =	ssyncadd.s32 $0xFFFFC800  }
0x78: {  	[tilespmem:s22], [sflag:$0x1] =	stream.indirect.gather [hbm4b:s1+s26], $0x80, s13, s26, $0xb8;
	[tilespmem:$0x1F800] =	vst v63  }
0x79: {  	_ =	swait.ge [sflag:s0], $0x3800  }
0x7a: {  	[sflag:s0] =	ssyncset.done $0x0  }
0x7b: {  	s9 =	sor.u32 $0x800, s17;
	[sflag:s0] =	ssyncadd.s32 $0xFFFFC800  }
0x7c: {  	[spmem:s3] =	stream.indirect.scatter.add.f32 [tilespmem:s29], [sflag:$0x6], $0x80, s9, s26, $0xb8;
	[tilespmem:$0x1F800] =	vst v63  }
0x7d: {  	_ =	swait.ge [sflag:s25], $0x3800  }
0x7e: {  	[sflag:s25] =	ssyncset.done $0x0  }
0x7f: {  	s14 =	sor.u32 $0x200, s10;
	[sflag:s25] =	ssyncadd.s32 $0xFFFFC800  }
0x80: {  	[tilespmem:s28], [sflag:$0x2] =	stream.indirect.gather [hbm4b:s1+s26], $0x80, s14, s26, $0xb8;
	[tilespmem:$0x1F800] =	vst v63  }
0x81: {  	_ =	swait.ge [sflag:s23], $0x3800  }
0x82: {  	[sflag:s23] =	ssyncset.done $0x0  }
0x83: {  	s15 =	sor.u32 $0x980, s10;
	[sflag:s23] =	ssyncadd.s32 $0xFFFFC800  }
0x84: {  	[spmem:s3] =	stream.indirect.scatter.add.f32 [tilespmem:s22], [sflag:$0x4], $0x80, s15, s26, $0xb8;
	[tilespmem:$0x1F800] =	vst v63  }
0x85: {  	_ =	swait.ge [sflag:s4], $0x3800  }
0x86: {  	[sflag:s4] =	ssyncset.done $0x0  }
0x87: {  	s16 =	sor.u32 $0x280, s10;
	[sflag:s4] =	ssyncadd.s32 $0xFFFFC800  }
0x88: {  	[tilespmem:s29], [sflag:$0x3] =	stream.indirect.gather [hbm4b:s1+s26], $0x80, s16, s26, $0xb8;
	[tilespmem:$0x1F800] =	vst v63  }
0x89: {  	_ =	swait.ge [sflag:s30], $0x3800  }
0x8a: {  	[sflag:s30] =	ssyncset.done $0x0  }
0x8b: {  	s17 =	sor.u32 $0xA00, s10;
	[sflag:s30] =	ssyncadd.s32 $0xFFFFC800  }
0x8c: {  	[spmem:s3] =	stream.indirect.scatter.add.f32 [tilespmem:s28], [sflag:$0x5], $0x80, s17, s26, $0xb8;
	[tilespmem:$0x1F800] =	vst v63  }
0x8d: {  	_ =	swait.ge [sflag:s31], $0x3800  }
0x8e: {  	[sflag:s31] =	ssyncset.done $0x0  }
0x8f: {  	s9 =	simm.s32 @!p0 $0x7;
	[sflag:s31] =	ssyncadd.s32 $0xFFFFC800  }
0x90: {  	_ =	swait.ge @!p0 [sflag:s9], $0x300  }
0x91: {  	[sflag:s9] =	ssyncset.done @!p0 $0x0  }
0x92: {  	s10 =	simm.s32 @!p0 $0x8;
	[sflag:s9] =	ssyncadd.s32 @!p0 $0xFFFFFD00  }
0x93: {  	_ =	swait.ge @!p0 [sflag:s10], $0x300  }
0x94: {  	[sflag:s10] =	ssyncset.done @!p0 $0x0  }
0x95: {  	s9 =	simm.s32 @!p0 $0x70;
	[sflag:s10] =	ssyncadd.s32 @!p0 $0xFFFFFD00;
	s10 =	simm.s32 @!p0 $0x1000  }
0x96: {  	[tilespmem:s10], [sflag:$0x1] =	stream.indirect.gather @!p0 [hbm4b:s1+s9], $0x80, s8, s9, $0xb8;
	[tilespmem:$0x1F800] =	vst v63  }
0x97: {  	p1 =	por $0x0, $0x0;
	s13 =	sor.u32 $0x800, s16;
	s9 =	simm.s32 $0x1  }
0x98: {  	s10 =	simm.s32 $0x2;
	s8 =	sadd.s32 $0x400, s21;
	_ =	swait.ge [sflag:s0], $0x3800  }
.LBB2_4:
0x99: {  	s12 =	simm.s32 @!p1 $0x5  }
0x9a: {  	[sflag:s0] =	ssyncset.done $0x0;
	s14 =	smov.u32 s10;
	s10 =	sadd.s32 $0x1, s10  }
0x9b: {  	s11 =	sand.u32 $0x1, s9;
	p0 =	sne.s32 s10, $0xF;
	[sflag:s0] =	ssyncadd.s32 $0xFFFFC800  }
0x9c: {  	[spmem:s3] =	stream.indirect.scatter.add.f32 [tilespmem:s29], [sflag:$0x6], $0x80, s13, s26, $0xb8;
	[tilespmem:$0x1F800] =	vst v63  }
0x9d: {  	s13 =	sxor.u32 $0x1, s11;
	s11 =	sshll.u32 s11, $0xA;
	_ =	swait.ge @!p1 [sflag:s12], $0x3800  }
0x9e: {  	s15 =	sor.u32 $0x80, s11;
	[sflag:s12] =	ssyncset.done @!p1 $0x0  }
0x9f: {  	[sflag:s12] =	ssyncadd.s32 @!p1 $0xFFFFC800  }
0xa0: {  	[tilespmem:s28], [sflag:$0x2] =	stream.indirect.gather [hbm4b:s1+s26], $0x80, s15, s26, $0xb8;
	[tilespmem:$0x1F800] =	vst v63  }
0xa1: {  	_ =	swait.ge [sflag:s23], $0x3800  }
0xa2: {  	s16 =	simm.s32 @!p1 $0x6;
	s12 =	sor.u32 $0x800, s11;
	[sflag:s23] =	ssyncset.done $0x0  }
0xa3: {  	[sflag:s23] =	ssyncadd.s32 $0xFFFFC800  }
0xa4: {  	[spmem:s3] =	stream.indirect.scatter.add.f32 [tilespmem:s22], [sflag:$0x4], $0x80, s12, s26, $0xb8;
	[tilespmem:$0x1F800] =	vst v63  }
0xa5: {  	_ =	swait.ge @!p1 [sflag:s16], $0x3800  }
0xa6: {  	s17 =	sor.u32 $0x100, s11;
	[sflag:s16] =	ssyncset.done @!p1 $0x0  }
0xa7: {  	[sflag:s16] =	ssyncadd.s32 @!p1 $0xFFFFC800  }
0xa8: {  	[tilespmem:s29], [sflag:$0x3] =	stream.indirect.gather [hbm4b:s1+s26], $0x80, s17, s26, $0xb8;
	[tilespmem:$0x1F800] =	vst v63  }
0xa9: {  	_ =	swait.ge [sflag:s30], $0x3800  }
0xaa: {  	s12 =	sor.u32 $0x800, s15;
	p1 =	seq.s32 s9, $0xE;
	[sflag:s30] =	ssyncset.done $0x0  }
0xab: {  	s9 =	sshrl.u32 @!p1 s8, $0x3;
	s15 =	simm.s32 @!p1 $0x0;
	[sflag:s30] =	ssyncadd.s32 $0xFFFFC800  }
0xac: {  	[spmem:s3] =	stream.indirect.scatter.add.f32 [tilespmem:s28], [sflag:$0x5], $0x80, s12, s26, $0xb8;
	[tilespmem:$0x1F800] =	vst v63  }
0xad: {  	s16 =	sadd.s32 @!p1 s6, s9;
	s12 =	sshll.u32 @!p1 s13, $0xA;
	s13 =	sadd.s32 @!p1 s2, s9  }
0xae: {  	[tilespmem:s12], [sflag:$0x7] =	stream.linear.gather @!p1 [hbm4b:s13+s15], $0x300, $0x38;
	[tilespmem:$0x1F800] =	vst v63  }
0xaf: {  	s9 =	smov.u32 s14;
	s13 =	sor.u32 @!p1 $0x800, s12  }
0xb0: {  	[tilespmem:s13], [sflag:$0x8] =	stream.linear.gather @!p1 [hbm4b:s16+s15], $0x300, $0x38;
	[tilespmem:$0x1F800] =	vst v63  }
0xb1: {  	_ =	swait.ge [sflag:s31], $0x3800  }
0xb2: {  	s13 =	sor.u32 $0x180, s11;
	[sflag:s31] =	ssyncset.done $0x0  }
0xb3: {  	[sflag:s31] =	ssyncadd.s32 $0xFFFFC800  }
0xb4: {  	[tilespmem:s22], [sflag:$0x1] =	stream.indirect.gather [hbm4b:s1+s26], $0x80, s13, s26, $0xb8;
	[tilespmem:$0x1F800] =	vst v63  }
0xb5: {  	_ =	swait.ge [sflag:s0], $0x3800  }
0xb6: {  	s13 =	sor.u32 $0x800, s17;
	[sflag:s0] =	ssyncset.done $0x0  }
0xb7: {  	[sflag:s0] =	ssyncadd.s32 $0xFFFFC800  }
0xb8: {  	[spmem:s3] =	stream.indirect.scatter.add.f32 [tilespmem:s29], [sflag:$0x6], $0x80, s13, s26, $0xb8;
	[tilespmem:$0x1F800] =	vst v63  }
0xb9: {  	_ =	swait.ge [sflag:s25], $0x3800  }
0xba: {  	s13 =	sor.u32 $0x200, s11;
	[sflag:s25] =	ssyncset.done $0x0  }
0xbb: {  	[sflag:s25] =	ssyncadd.s32 $0xFFFFC800  }
0xbc: {  	[tilespmem:s28], [sflag:$0x2] =	stream.indirect.gather [hbm4b:s1+s26], $0x80, s13, s26, $0xb8;
	[tilespmem:$0x1F800] =	vst v63  }
0xbd: {  	_ =	swait.ge [sflag:s23], $0x3800  }
0xbe: {  	s13 =	sor.u32 $0x980, s11;
	[sflag:s23] =	ssyncset.done $0x0  }
0xbf: {  	[sflag:s23] =	ssyncadd.s32 $0xFFFFC800  }
0xc0: {  	[spmem:s3] =	stream.indirect.scatter.add.f32 [tilespmem:s22], [sflag:$0x4], $0x80, s13, s26, $0xb8;
	[tilespmem:$0x1F800] =	vst v63  }
0xc1: {  	_ =	swait.ge [sflag:s4], $0x3800  }
0xc2: {  	s14 =	sor.u32 $0x280, s11;
	[sflag:s4] =	ssyncset.done $0x0  }
0xc3: {  	s13 =	sor.u32 $0x800, s14;
	[sflag:s4] =	ssyncadd.s32 $0xFFFFC800  }
0xc4: {  	[tilespmem:s29], [sflag:$0x3] =	stream.indirect.gather [hbm4b:s1+s26], $0x80, s14, s26, $0xb8;
	[tilespmem:$0x1F800] =	vst v63  }
0xc5: {  	_ =	swait.ge [sflag:s30], $0x3800  }
0xc6: {  	s11 =	sor.u32 $0xA00, s11;
	[sflag:s30] =	ssyncset.done $0x0  }
0xc7: {  	[sflag:s30] =	ssyncadd.s32 $0xFFFFC800  }
0xc8: {  	[spmem:s3] =	stream.indirect.scatter.add.f32 [tilespmem:s28], [sflag:$0x5], $0x80, s11, s26, $0xb8;
	[tilespmem:$0x1F800] =	vst v63  }
0xc9: {  	_ =	swait.ge [sflag:s31], $0x3800  }
0xca: {  	s11 =	simm.s32 @!p1 $0x7;
	[sflag:s31] =	ssyncset.done $0x0  }
0xcb: {  	[sflag:s31] =	ssyncadd.s32 $0xFFFFC800  }
0xcc: {  	_ =	swait.ge @!p1 [sflag:s11], $0x300  }
0xcd: {  	s14 =	simm.s32 @!p1 $0x8;
	[sflag:s11] =	ssyncset.done @!p1 $0x0  }
0xce: {  	[sflag:s11] =	ssyncadd.s32 @!p1 $0xFFFFFD00  }
.Ltmp1:
0xcf: {  	_ =	swait.ge @!p1 [sflag:s14], $0x300;
	(pc) =	sbr.rel @p0 .LBB2_4-.Ltmp1, $4  }
0xd0: {  	s15 =	simm.s32 @!p1 $0x1000;
	s11 =	simm.s32 @!p1 $0x70;
	[sflag:s14] =	ssyncset.done @!p1 $0x0  }
0xd1: {  	[sflag:s14] =	ssyncadd.s32 @!p1 $0xFFFFFD00  }
0xd2: {  	[tilespmem:s15], [sflag:$0x1] =	stream.indirect.gather @!p1 [hbm4b:s1+s11], $0x80, s12, s11, $0xb8;
	[tilespmem:$0x1F800] =	vst v63  }
0xd3: {  	s8 =	sadd.s32 $0x400, s8;
	p1 =	seq.s32 s9, $0x0;
	_ =	swait.ge [sflag:s0], $0x3800  }
0xd4: {  	[sflag:s0] =	ssyncset.done $0x0  }
0xd5: {  	s10 =	simm.s32 @!p1 $0x5;
	[sflag:s0] =	ssyncadd.s32 $0xFFFFC800  }
0xd6: {  	[spmem:s3] =	stream.indirect.scatter.add.f32 [tilespmem:s29], [sflag:$0x6], $0x80, s13, s26, $0xb8;
	[tilespmem:$0x1F800] =	vst v63  }
0xd7: {  	s11 =	sand.u32 $0x1, s9;
	_ =	swait.ge @!p1 [sflag:s10], $0x3800  }
0xd8: {  	s12 =	sshll.u32 s11, $0xA;
	[sflag:s10] =	ssyncset.done @!p1 $0x0  }
0xd9: {  	s14 =	sor.u32 $0x80, s12;
	[sflag:s10] =	ssyncadd.s32 @!p1 $0xFFFFC800  }
0xda: {  	[tilespmem:s28], [sflag:$0x2] =	stream.indirect.gather [hbm4b:s1+s26], $0x80, s14, s26, $0xb8;
	[tilespmem:$0x1F800] =	vst v63  }
0xdb: {  	_ =	swait.ge [sflag:s23], $0x3800  }
0xdc: {  	[sflag:s23] =	ssyncset.done $0x0  }
0xdd: {  	s15 =	sor.u32 $0x800, s12;
	s10 =	simm.s32 @!p1 $0x6;
	[sflag:s23] =	ssyncadd.s32 $0xFFFFC800  }
0xde: {  	[spmem:s3] =	stream.indirect.scatter.add.f32 [tilespmem:s22], [sflag:$0x4], $0x80, s15, s26, $0xb8;
	[tilespmem:$0x1F800] =	vst v63  }
0xdf: {  	_ =	swait.ge @!p1 [sflag:s10], $0x3800  }
0xe0: {  	[sflag:s10] =	ssyncset.done @!p1 $0x0  }
0xe1: {  	s16 =	sor.u32 $0x100, s12;
	[sflag:s10] =	ssyncadd.s32 @!p1 $0xFFFFC800  }
0xe2: {  	[tilespmem:s29], [sflag:$0x3] =	stream.indirect.gather [hbm4b:s1+s26], $0x80, s16, s26, $0xb8;
	[tilespmem:$0x1F800] =	vst v63  }
0xe3: {  	_ =	swait.ge [sflag:s30], $0x3800  }
0xe4: {  	p0 =	seq.s32 s9, $0xE;
	s11 =	sxor.u32 $0x1, s11;
	[sflag:s30] =	ssyncset.done $0x0  }
0xe5: {  	s8 =	sshrl.u32 @!p0 s8, $0x3;
	s17 =	sor.u32 $0x800, s14;
	[sflag:s30] =	ssyncadd.s32 $0xFFFFC800  }
0xe6: {  	[spmem:s3] =	stream.indirect.scatter.add.f32 [tilespmem:s28], [sflag:$0x5], $0x80, s17, s26, $0xb8;
	[tilespmem:$0x1F800] =	vst v63  }
0xe7: {  	s9 =	simm.s32 @!p0 $0x0;
	s11 =	sshll.u32 @!p0 s11, $0xA;
	s13 =	sadd.s32 @!p0 s2, s8  }
0xe8: {  	[tilespmem:s11], [sflag:$0x7] =	stream.linear.gather @!p0 [hbm4b:s13+s9], $0x300, $0x38;
	[tilespmem:$0x1F800] =	vst v63  }
0xe9: {  	s8 =	sadd.s32 @!p0 s6, s8;
	s13 =	sor.u32 @!p0 $0x800, s11  }
0xea: {  	[tilespmem:s13], [sflag:$0x8] =	stream.linear.gather @!p0 [hbm4b:s8+s9], $0x300, $0x38;
	[tilespmem:$0x1F800] =	vst v63  }
0xeb: {  	_ =	swait.ge [sflag:s31], $0x3800  }
0xec: {  	[sflag:s31] =	ssyncset.done $0x0  }
0xed: {  	s13 =	sor.u32 $0x180, s12;
	[sflag:s31] =	ssyncadd.s32 $0xFFFFC800  }
0xee: {  	[tilespmem:s22], [sflag:$0x1] =	stream.indirect.gather [hbm4b:s1+s26], $0x80, s13, s26, $0xb8;
	[tilespmem:$0x1F800] =	vst v63  }
0xef: {  	_ =	swait.ge [sflag:s0], $0x3800  }
0xf0: {  	[sflag:s0] =	ssyncset.done $0x0  }
0xf1: {  	s14 =	sor.u32 $0x800, s16;
	[sflag:s0] =	ssyncadd.s32 $0xFFFFC800  }
0xf2: {  	[spmem:s3] =	stream.indirect.scatter.add.f32 [tilespmem:s29], [sflag:$0x6], $0x80, s14, s26, $0xb8;
	[tilespmem:$0x1F800] =	vst v63  }
0xf3: {  	_ =	swait.ge [sflag:s25], $0x3800  }
0xf4: {  	[sflag:s25] =	ssyncset.done $0x0  }
0xf5: {  	s15 =	sor.u32 $0x200, s12;
	[sflag:s25] =	ssyncadd.s32 $0xFFFFC800  }
0xf6: {  	[tilespmem:s28], [sflag:$0x2] =	stream.indirect.gather [hbm4b:s1+s26], $0x80, s15, s26, $0xb8;
	[tilespmem:$0x1F800] =	vst v63  }
0xf7: {  	_ =	swait.ge [sflag:s23], $0x3800  }
0xf8: {  	[sflag:s23] =	ssyncset.done $0x0  }
0xf9: {  	s16 =	sor.u32 $0x980, s12;
	[sflag:s23] =	ssyncadd.s32 $0xFFFFC800  }
0xfa: {  	[spmem:s3] =	stream.indirect.scatter.add.f32 [tilespmem:s22], [sflag:$0x4], $0x80, s16, s26, $0xb8;
	[tilespmem:$0x1F800] =	vst v63  }
0xfb: {  	_ =	swait.ge [sflag:s4], $0x3800  }
0xfc: {  	[sflag:s4] =	ssyncset.done $0x0  }
0xfd: {  	s17 =	sor.u32 $0x280, s12;
	[sflag:s4] =	ssyncadd.s32 $0xFFFFC800  }
0xfe: {  	[tilespmem:s29], [sflag:$0x3] =	stream.indirect.gather [hbm4b:s1+s26], $0x80, s17, s26, $0xb8;
	[tilespmem:$0x1F800] =	vst v63  }
0xff: {  	_ =	swait.ge [sflag:s30], $0x3800  }
0x100: {  	[sflag:s30] =	ssyncset.done $0x0  }
0x101: {  	s13 =	sor.u32 $0xA00, s12;
	[sflag:s30] =	ssyncadd.s32 $0xFFFFC800  }
0x102: {  	[spmem:s3] =	stream.indirect.scatter.add.f32 [tilespmem:s28], [sflag:$0x5], $0x80, s13, s26, $0xb8;
	[tilespmem:$0x1F800] =	vst v63  }
0x103: {  	_ =	swait.ge [sflag:s31], $0x3800  }
0x104: {  	[sflag:s31] =	ssyncset.done $0x0  }
0x105: {  	s9 =	simm.s32 @!p0 $0x7;
	[sflag:s31] =	ssyncadd.s32 $0xFFFFC800  }
0x106: {  	_ =	swait.ge @!p0 [sflag:s9], $0x300  }
0x107: {  	[sflag:s9] =	ssyncset.done @!p0 $0x0  }
0x108: {  	s10 =	simm.s32 @!p0 $0x8;
	[sflag:s9] =	ssyncadd.s32 @!p0 $0xFFFFFD00  }
0x109: {  	_ =	swait.ge @!p0 [sflag:s10], $0x300  }
0x10a: {  	[sflag:s10] =	ssyncset.done @!p0 $0x0  }
0x10b: {  	s9 =	simm.s32 @!p0 $0x70;
	[sflag:s10] =	ssyncadd.s32 @!p0 $0xFFFFFD00;
	s10 =	simm.s32 @!p0 $0x1000  }
0x10c: {  	[tilespmem:s10], [sflag:$0x1] =	stream.indirect.gather @!p0 [hbm4b:s1+s9], $0x80, s11, s9, $0xb8;
	[tilespmem:$0x1F800] =	vst v63  }
0x10d: {  	_ =	swait.ge [sflag:s0], $0x3800  }
0x10e: {  	[sflag:s0] =	ssyncset.done $0x0  }
0x10f: {  	s8 =	sor.u32 $0x800, s17;
	[sflag:s0] =	ssyncadd.s32 $0xFFFFC800  }
0x110: {  	[spmem:s3] =	stream.indirect.scatter.add.f32 [tilespmem:s29], [sflag:$0x6], $0x80, s8, s26, $0xb8;
	[tilespmem:$0x1F800] =	vst v63  }
0x111: {  	_ =	swait.ge [sflag:s25], $0x3800  }
0x112: {  	[sflag:s25] =	ssyncset.done $0x0  }
0x113: {  	[sflag:s25] =	ssyncadd.s32 $0xFFFFC800  }
0x114: {  	_ =	swait.ge [sflag:s4], $0x3800  }
0x115: {  	[sflag:s4] =	ssyncset.done $0x0  }
0x116: {  	s14 =	stileid.u32;
	[sflag:s4] =	ssyncadd.s32 $0xFFFFC800  }
0x117: {  	s8 =	sshll.u32 s14, $0x6;
	[bflag:$0x0] =	sbarrier.arrive $0xFFFF  }
0x118: {  	s15 =	sshrl.u32 s7, $0x3;
	s8 =	sor.u32 $0x1C09, s8;
	s16 =	rddreg [dreg:$0x7]  }
0x119: {  	[hbm:s16], [sflag:s8] =	dma.local [spmem:s15], $0x2800  }
0x11a: {  	_ =	swait.ge [sflag:s24], $0x2800  }
0x11b: {  	s5 =	sadd.s32 $0x1, s5;
	s17 =	rddreg [dreg:$0x8]  }
0x11c: {  	p0 =	sne.s32 s5, s17  }
.Ltmp2:
0x11d: {  	_ = 	snop;
	(pc) =	sbr.rel @p0 .LBB2_1-.Ltmp2, $3  }
0x11e: {  	_ =	sdelay $0x1  }
0x11f: {  	[sflag:s24] =	ssyncset.done $0x0  }
0x120: {  	[sflag:s24] =	ssyncadd.s32 $0xFFFFD800  }
0x121: {  	_ =	sfence.sel $0x180000  }
0x122: {  	[bflag:$0x0] =	sbarrier.arrive $0xFFFF  }
0x123: {  	_ =	strace $0x90000047  }
0x124: {  	s0 =	stileid.u32;
	[bflag:$0x2] =	sbarrier.arrive $0xFFFF  }
0x125: {  	p0 =	sne.s32 s0, $0x0;
	s0 =	rddreg [dreg:$0x4]  }
0x126: {  	s0 =	sadd.s32 @!p0 $0x100000, s0  }
0x127: {  	[sflag:s0] =	ssyncadd.tile.s32 @!p0 $0x1;
	_ =	shalt  }
.Lfunc_end2:
_tile_overlayer_lowered:
.L_overlay_start_2:
0x128: {  	(tag) =	ssettag $0x2  }
0x129: {  	s0 =	rddreg [dreg:$0x0];
	s2 =	stileid.u32  }
0x12a: {  	s1 =	rddreg [dreg:$0x1];
	p0 =	sne.s32 s2, $0x0  }
0x12b: {  	s3 =	rddreg [dreg:$0x2];
	[bflag:$0x3] =	sbarrier.arrive $0xFFFF;
	s2 =	simm.s32 @!p0 $0x1C09  }
0x12c: {  	[timem:s3], [sflag:s2] =	dma.local @!p0 [hbm:s0], s1  }
0x12d: {  	s0 =	simm.s32 @!p0 $0x9  }
0x12e: {  	_ =	swait.ge @!p0 [sflag:s0], s1  }
0x12f: {  	s1 =	ssub.s32 @!p0 $0x0, s1;
	[sflag:s0] =	ssyncset.done @!p0 $0x0  }
0x130: {  	[sflag:s0] =	ssyncadd.s32 @!p0 s1  }
0x131: {  	[bflag:$0x3] =	sbarrier.arrive $0xFFFF  }
0x132: {  	_ =	shalt  }

// kernel: kernel.9.cloned.1.call-start
scs
__scs_entry_jumppad:
0x0: {  	(pc) =	sbr.rel $0x88, $3  }
0x1: {  	(tag) =	ssettag $0x0;
	lr =	simm.s32 $0x1  }
0x2: {  	[smem:$0x3F9B] =	sst lr;
	_ =	strace $0xD0000000  }
0x3: {  	_ = 	snop  }
0x4: {  	_ = 	snop  }
0x5: {  	_ = 	snop  }
0x6: {  	_ = 	snop  }
0x7: {  	_ = 	snop  }
__scs_overlays_trampoline_lowered:
0x8: {  	[smem:$0x3FAA] =	sst s0  }
0x9: {  	[smem:$0x3FAB] =	sst s1  }
0xa: {  	[smem:$0x3FAC] =	sst s2  }
0xb: {  	[smem:$0x3FAD] =	sst s3  }
0xc: {  	[smem:$0x3FAE] =	sst s4  }
0xd: {  	[smem:$0x3FAF] =	sst s5  }
0xe: {  	[smem:$0x3FB0] =	sst s6  }
0xf: {  	[smem:$0x3FB1] =	sst s7  }
0x10: {  	[smem:$0x3FB2] =	sst s8  }
0x11: {  	[smem:$0x3FB3] =	sst s9;
	s0 =	simm.s32 @!p0 $0x0  }
0x12: {  	s1 =	sld [smem:$0x3F99];
	s0 =	simm.s32 @p0 $0x1  }
0x13: {  	[smem:$0x3FB4] =	sst s0;
	s0 =	simm.s32 @!p1 $0x0  }
0x14: {  	s2 =	sld [smem:$0x3F98];
	s0 =	simm.s32 @p1 $0x1  }
0x15: {  	[smem:$0x3FB5] =	sst s0;
	s0 =	simm.s32 @!p2 $0x0  }
0x16: {  	s3 =	sld [smem:$0x3FDB];
	s0 =	simm.s32 @p2 $0x1  }
0x17: {  	s4 =	simm.s32 $0x1BF5;
	[smem:$0x3FB7] =	sst s0  }
0x18: {  	s0 =	sld [smem:$0x3F9A];
	_ =	swait.ge [sflag:s4], $0x0  }
0x19: {  	s7 =	sld [smem:$0x3F9B]  }
0x1a: {  	s8 =	sadd.s32 $0xFFFFE003, lr  }
0x1b: {  	s9 =	sadd.s32 $0xFFFFFEF7, lr;
	s5 =	simm.s32 $0xFFFFFFFF;
	p2 =	slt.u32 s8, $0xFFFFF086  }
0x1c: {  	p1 =	slt.u32 s9, $0xF7A;
	s5 =	simm.s32 @!p2 $0x0  }
0x1d: {  	s5 =	simm.s32 @p1 $0x1;
	p0 =	seq.s32 s7, s2  }
0x1e: {  	s7 =	smul.u32 @!p0 $0xF7A, s2;
	p2 =	seq.s32 @!p0 s5, $0x0  }
0x1f: {  	s9 =	smul.u32 $0xF7A, s1;
	s8 =	simm.s32 @!p0 $0x1BF5;
	p2 =	por !p2, p0  }
0x20: {  	[sflag:s8] =	ssyncset.s32 @!p0 $0xFFFFF086;
	s6 =	sadd.s32 @!p0 s3, s7;
	s7 =	simm.s32 @!p0 $0x108  }
0x21: {  	s3 =	sadd.s32 s3, s9;
	s6 =	sadd.s32 @!p0 $0x88, s6;
	s7 =	simm.s32 @p2 $0x1082  }
0x22: {  	[simem:s7], [sflag:s8] =	dma.local @!p0 [hbm:s6], $0xF7A  }
0x23: {  	s9 =	sor.u32 $0xD0000000, s2;
	s6 =	simm.s32 $0x108;
	_ =	swait.ge @!p0 [sflag:s8], $0x0  }
0x24: {  	s3 =	sadd.s32 $0x88, s3;
	s6 =	simm.s32 @!p1 $0x1082;
	[sflag:s4] =	ssyncset.s32 $0xFFFFF086  }
0x25: {  	[simem:s6], [sflag:s4] =	dma.local [hbm:s3], $0xF7A  }
0x26: {  	[smem:$0x3F9B] =	sst s1;
	(tag) =	ssettag s2;
	_ =	strace s9  }
0x27: {  	s1 =	sld [smem:$0x3FAB]  }
0x28: {  	s2 =	sld [smem:$0x3FAC]  }
0x29: {  	s4 =	sld [smem:$0x3FAE]  }
0x2a: {  	p0 =	seq.s32 s5, $0x0;
	s5 =	sld [smem:$0x3FAF]  }
0x2b: {  	s6 =	sld [smem:$0x3FB0]  }
0x2c: {  	s7 =	sld [smem:$0x3FB1]  }
0x2d: {  	s3 =	simm.s32 $0x108;
	s8 =	sld [smem:$0x3FB2]  }
0x2e: {  	s3 =	simm.s32 @!p0 $0x1082;
	s9 =	sld [smem:$0x3FB3]  }
0x2f: {  	lr =	sadd.s32 s0, s3;
	s0 =	sld [smem:$0x3FAA]  }
0x30: {  	s3 =	sld [smem:$0x3FAD]  }
0x31: {  	[smem:$0x3FB6] =	sst s10  }
0x32: {  	s10 =	sld [smem:$0x3FB4];
	_ =	sdelay $0x3  }
0x33: {  	p0 =	seq.s32 s10, $0x1;
	s10 =	sld [smem:$0x3FB6];
	_ =	sdelay $0x3  }
0x34: {  	[smem:$0x3FB6] =	sst s10  }
0x35: {  	s10 =	sld [smem:$0x3FB5];
	_ =	sdelay $0x3  }
0x36: {  	p1 =	seq.s32 s10, $0x1;
	s10 =	sld [smem:$0x3FB6];
	_ =	sdelay $0x3  }
0x37: {  	[smem:$0x3FB6] =	sst s10  }
0x38: {  	s10 =	sld [smem:$0x3FB7]  }
0x39: {  	_ = 	snop;
	(pc) =	sbr.ind lr, $3  }
0x3a: {  	_ = 	snop  }
0x3b: {  	_ = 	snop  }
0x3c: {  	p2 =	seq.s32 s10, $0x1;
	s10 =	sld [smem:$0x3FB6]  }
0x3d: {  	_ =	shalt  }
0x3e: {  	_ =	shalt  }
0x3f: {  	_ =	shalt  }
0x40: {  	_ =	shalt  }
0x41: {  	_ =	shalt  }
0x42: {  	_ =	shalt  }
0x43: {  	_ =	shalt  }
0x44: {  	_ =	shalt  }
0x45: {  	_ =	shalt  }
0x46: {  	_ =	shalt  }
0x47: {  	_ =	shalt  }
0x48: {  	_ =	shalt  }
0x49: {  	_ =	shalt  }
0x4a: {  	_ =	shalt  }
0x4b: {  	_ =	shalt  }
0x4c: {  	_ =	shalt  }
0x4d: {  	_ =	shalt  }
0x4e: {  	_ =	shalt  }
0x4f: {  	_ =	shalt  }
0x50: {  	_ =	shalt  }
0x51: {  	_ =	shalt  }
0x52: {  	_ =	shalt  }
0x53: {  	_ =	shalt  }
0x54: {  	_ =	shalt  }
0x55: {  	_ =	shalt  }
0x56: {  	_ =	shalt  }
0x57: {  	_ =	shalt  }
0x58: {  	_ =	shalt  }
0x59: {  	_ =	shalt  }
0x5a: {  	_ =	shalt  }
0x5b: {  	_ =	shalt  }
0x5c: {  	_ =	shalt  }
0x5d: {  	_ =	shalt  }
0x5e: {  	_ =	shalt  }
0x5f: {  	_ =	shalt  }
0x60: {  	_ =	shalt  }
0x61: {  	_ =	shalt  }
0x62: {  	_ =	shalt  }
0x63: {  	_ =	shalt  }
0x64: {  	_ =	shalt  }
0x65: {  	_ =	shalt  }
0x66: {  	_ =	shalt  }
0x67: {  	_ =	shalt  }
0x68: {  	_ =	shalt  }
0x69: {  	_ =	shalt  }
0x6a: {  	_ =	shalt  }
0x6b: {  	_ =	shalt  }
0x6c: {  	_ =	shalt  }
0x6d: {  	_ =	shalt  }
0x6e: {  	_ =	shalt  }
0x6f: {  	_ =	shalt  }
0x70: {  	_ =	shalt  }
0x71: {  	_ =	shalt  }
0x72: {  	_ =	shalt  }
0x73: {  	_ =	shalt  }
0x74: {  	_ =	shalt  }
0x75: {  	_ =	shalt  }
0x76: {  	_ =	shalt  }
0x77: {  	_ =	shalt  }
0x78: {  	_ =	shalt  }
0x79: {  	_ =	shalt  }
0x7a: {  	_ =	shalt  }
0x7b: {  	_ =	shalt  }
0x7c: {  	_ =	shalt  }
0x7d: {  	_ =	shalt  }
0x7e: {  	_ =	shalt  }
0x7f: {  	_ =	shalt  }
0x80: {  	_ =	shalt  }
0x81: {  	_ =	shalt  }
0x82: {  	_ =	shalt  }
0x83: {  	_ =	shalt  }
0x84: {  	_ =	shalt  }
0x85: {  	_ =	shalt  }
0x86: {  	_ =	shalt  }
0x87: {  	_ =	shalt  }
.Lfunc_end0:
.L_simem_size_0:
called_computation.1_lowered:
.L_overlay_start_0:
0x88: {  	s2 =	sld [smem:$0x3FD9]  }
0x89: {  	s3 =	sld [smem:$0x3FFE];
	_ =	sdelay $0x1  }
0x8a: {  	s1 =	srdreg.scid  }
0x8b: {  	s0 =	sand.u32 $0x1, s1  }
0x8c: {  	s17 =	sshll.u32 s0, $0xA;
	s2 =	sadd.s32 s3, s2  }
0x8d: {  	s2 =	sadd.s32 s2, s17  }
0x8e: {  	[smem:$0x3FC2] =	sst s2  }
0x8f: {  	_ = 	snop  }
0x90: {  	s2 =	sld [smem:$0x3FD0];
	(tm) =	ssettm $0x1  }
0x91: {  	s18 =	sld [smem:$0x3FFB];
	_ =	sdelay $0x3  }
0x92: {  	_ =	strace s18  }
0x93: {  	s3 =	sld [smem:$0x3FFC];
	_ =	sdelay $0x3  }
0x94: {  	_ =	strace s3  }
0x95: {  	s3 =	sld [smem:$0x3FFD];
	_ =	sdelay $0x3  }
0x96: {  	_ =	strace s3  }
0x97: {  	_ =	strace $0x8FFFFFFF  }
0x98: {  	s19 =	sld [smem:$0x3FDB];
	_ =	sdelay $0x1  }
0x99: {  	s4 =	simm.s32 $_scs_section_size  }
0x9a: {  	s5 =	simm.s32 $_size__tile_overlayer_lowered;
	s6 =	simm.s32 $_tile_overlayer_lowered  }
0x9b: {  	s22 =	simm.s32 $0x1BFF;
	s21 =	sshll.u32 s6, $0x1;
	s3 =	sadd.s32 s4, s19  }
0x9c: {  	s7 =	simm.s32 $0x0;
	s20 =	sshll.u32 s5, $0x1;
	s5 =	sadd.s32 s21, s3  }
0x9d: {  	[timem:s7], [sflag:s22] =	dma.local [hbm:s5], s20  }
0x9e: {  	_ =	swait.ge [sflag:s22], s20  }
0x9f: {  	s4 =	ssub.s32 $0x0, s20;
	[sflag:s22] =	ssyncset.done $0x0  }
0xa0: {  	[sflag:s22] =	ssyncadd.s32 s4;
	_ =	sdelay $0x1  }
0xa1: {  	s23 =	simm.s32 $0x1B8B  }
0xa2: {  	_ =	swait.ge [sflag:s23], $0x1  }
0xa3: {  	[sflag:s23] =	ssyncset.done $0x0  }
0xa4: {  	s25 =	simm.s32 $0x1B8E;
	s24 =	sld [smem:$0x3FFE];
	[sflag:s23] =	ssyncadd.s32 $0xFFFFFFFF  }
0xa5: {  	s26 =	simm.s32 $execute0_lowered;
	[smem:$0x3FD2] =	sst s25  }
0xa6: {  	s5 =	sshll.u32 s26, $0x1;
	_ =	strace $0x80000049;
	[dreg:$0x1] =	wrdreg $0xFFFFFFFF  }
0xa7: {  	s28 =	simm.s32 $_size_execute0_lowered;
	s3 =	sadd.s32 s3, s5;
	[dreg:$0x0] =	wrdreg $0x0  }
0xa8: {  	s5 =	sshll.u32 s28, $0x1;
	[dreg:$0x2] =	wrdreg s3  }
0xa9: {  	[dreg:$0x3] =	wrdreg s5  }
0xaa: {  	[dreg:$0x4] =	wrdreg $0xC0  }
0xab: {  	_ =	task [dreg:s7], $0x5FFFF  }
0xac: {  	[dreg:$0x1] =	wrdreg $0xFFFFFFFF  }
0xad: {  	[dreg:$0x0] =	wrdreg $0x60  }
0xae: {  	[dreg:$0x2] =	wrdreg s24  }
0xaf: {  	[dreg:$0x3] =	wrdreg s2  }
0xb0: {  	[dreg:$0x4] =	wrdreg $0xB8000  }
0xb1: {  	[dreg:$0x5] =	wrdreg $0x9  }
0xb2: {  	_ =	task.clear_ibuf [dreg:s7], $0x6FFFF;
	_ =	strace $0x90000049  }
0xb3: {  	s29 =	simm.s32 $0x9;
	_ =	strace $0x8000004B  }
0xb4: {  	_ =	swait.ge [sflag:s29], $0x1  }
0xb5: {  	[sflag:s29] =	ssyncadd.s32 $0xFFFFFFFF  }
0xb6: {  	_ =	strace $0x9000004B  }
0xb7: {  	_ =	sfence  }
0xb8: {  	s30 =	sld [smem:$0x0];
	_ =	sdelay $0x2  }
0xb9: {  	s31 =	sshll.u32 s1, $0xD;
	s1 =	sshrl.u32 s1, $0x2  }
0xba: {  	s3 =	sand.u32 $0x4000, s31;
	s1 =	sadd.s32 s1, s30  }
0xbb: {  	s0 =	sor.u32 s3, s0;
	s1 =	sshll.u32 s1, $0x11  }
0xbc: {  	s0 =	sor.u32 s1, s0  }
0xbd: {  	s0 =	sadd.s32 $0x8F2B, s0  }
0xbe: {  	[sflag:s0] =	ssyncadd.remote.s32 $0x1  }
0xbf: {  	_ =	sfence.sel $0xFFFF  }
0xc0: {  	[dreg:$0x0] =	wrdreg $0xFFFFFFFF;
	(pc) =	sbr.abs _section_cstart, $3  }
0xc1: {  	[dreg:$0x1] =	wrdreg $0xFFFFFFFF  }
0xc2: {  	_ =	task.clear_ibuf [dreg:s7], $0x2FFFF;
	_ =	strace $0x9FFFFFFF  }
0xc3: {  	(tm) =	ssettm $0x7FFFFFFF  }
tec
execute0_lowered:
.L_overlay_start_1:
0x0: {  	(tag) =	ssettag $0x1  }
0x1: {  	s0 =	rddreg [dreg:$0x0]  }
0x2: {  	s1 =	rddreg [dreg:$0x1]  }
0x3: {  	s2 =	rddreg [dreg:$0x2];
	s4 =	simm.s32 $0x0;
	s3 =	srdreg.scid  }
0x4: {  	s11 =	stileid.u32;
	s28 =	simm.s32 $0x4800;
	s29 =	simm.s32 $0x8000  }
0x5: {  	s30 =	simm.s32 $0x2;
	s31 =	simm.s32 $0x4;
	s7 =	smul.u32 $0x14000, s11  }
0x6: {  	[smem:$0x7FF] =	sst s4;
	s3 =	sand.u32 $0x1, s3;
	s13 =	smul.u32 $0x50000, s11  }
0x7: {  	s5 =	sadd.s32 $0x10000, s0;
	s6 =	sadd.s32 $0x1000, s0;
	s23 =	smul.u32 $0x3C00, s11  }
0x8: {  	s10 =	smul.u32 $0x140000, s3;
	_ =	strace $0x8000004A;
	s8 =	sshll.u32 s3, $0x4  }
0x9: {  	s9 =	ssub.s32 $0x2, s3;
	s20 =	smul.u32 $0x3C000, s3;
	s15 =	sshrl.u32 s13, $0x2  }
0xa: {  	s3 =	simm.s32 $0x6;
	s4 =	sadd.s32 s7, s10;
	s7 =	sadd.s32 s15, s2  }
0xb: {  	s12 =	sor.u32 s11, s8;
	s14 =	sshrl.u32 s9, $0x1;
	s19 =	sadd.s32 $0x2000, s7  }
0xc: {  	s10 =	smul.u32 $0x3C00, s12;
	s21 =	sadd.s32 $0x4000, s7;
	[dreg:$0x8] =	wrdreg s19  }
0xd: {  	s4 =	sshrl.u32 s4, $0x3;
	s22 =	sadd.s32 $0x6000, s7;
	[dreg:$0x9] =	wrdreg s21  }
0xe: {  	s24 =	sadd.s32 $0x8000, s7;
	s25 =	sadd.s32 $0xA000, s7;
	[dreg:$0xa] =	wrdreg s22  }
0xf: {  	s26 =	sadd.s32 $0xC000, s7;
	s0 =	sadd.s32 s4, s0;
	[dreg:$0xb] =	wrdreg s24  }
0x10: {  	s4 =	ssub.s32 s9, s14;
	s16 =	sshrl.u32 s10, $0x3;
	[dreg:$0xc] =	wrdreg s25  }
0x11: {  	[dreg:$0xd] =	wrdreg s26;
	s19 =	sadd.s32 $0x10000, s7;
	s17 =	sadd.s32 s1, s16  }
0x12: {  	s22 =	simm.s32 $0x1000;
	s8 =	sadd.s32 s6, s16;
	[dreg:$0x4] =	wrdreg s17  }
0x13: {  	s24 =	simm.s32 $0x9;
	s0 =	sadd.s32 $0x38000, s0;
	[dreg:$0x5] =	wrdreg s8  }
0x14: {  	s26 =	simm.s32 $0x70;
	s18 =	smax.u32 s4, $0x1;
	[dreg:$0x6] =	wrdreg s0  }
0x15: {  	s25 =	simm.s32 $0x5;
	s4 =	simm.s32 $0x0;
	[dreg:$0x7] =	wrdreg s18  }
0x16: {  	s18 =	sadd.s32 $0xE000, s7;
	s0 =	sadd.s32 s23, s20;
	s20 =	sadd.s32 $0x12000, s7  }
0x17: {  	v0 =	vimm.f32 $0.0e+00;
	s23 =	simm.s32 $0x1;
	s21 =	sadd.s32 $0x400, s0;
	s0 =	simm.s32 $0x3  }
.LBB2_1:
0x18: {  	s9 =	simm.s32 $0x0  }
0x19: {  	s8 =	sand.u32 $0xFE00, s9  }
0x1a: {  	s9 =	sand.u32 $0x70, s9;
	s10 =	sshrl.u32 s8, $0x2  }
0x1b: {  	s8 =	simm.s32 $0x40;
	s10 =	sor.u32 s9, s10;
	s9 =	simm.s32 $0x0  }
.LBB2_2:
0x1c: {  	p0 =	sne.s32 s8, $0xDFC0  }
0x1d: {  	[tilespmem:s10+$0x1000] =	vst v0;
	s9 =	sadd.s32 $0x10, s9;
	s10 =	smov.u32 s8;
	s8 =	sadd.s32 $0x40, s8  }
.Ltmp0:
0x1e: {  	(pc) =	sbr.rel @p0 .LBB2_2-.Ltmp0, $4  }
0x1f: {  	_ = 	snop  }
0x20: {  	s10 =	sand.u32 $0xFE00, s10  }
0x21: {  	s11 =	sand.u32 $0x70, s9;
	s10 =	sshrl.u32 s10, $0x2  }
0x22: {  	s10 =	sor.u32 s11, s10  }
0x23: {  	[tilespmem:s10+$0x1000] =	vst v0  }
0x24: {  	[spmem:s7] =	stream.linear.scatter [tilespmem:s22], [sflag:$0x1], $0x2000, $0x38;
	[tilespmem:$0x1F800] =	vst v63  }
0x25: {  	s8 =	rddreg [dreg:$0x8]  }
0x26: {  	[spmem:s8] =	stream.linear.scatter [tilespmem:s22], [sflag:$0x1], $0x2000, $0x38;
	[tilespmem:$0x1F800] =	vst v63  }
0x27: {  	s17 =	rddreg [dreg:$0x9]  }
0x28: {  	[spmem:s17] =	stream.linear.scatter [tilespmem:s22], [sflag:$0x1], $0x2000, $0x38;
	[tilespmem:$0x1F800] =	vst v63  }
0x29: {  	s9 =	rddreg [dreg:$0xa]  }
0x2a: {  	[spmem:s9] =	stream.linear.scatter [tilespmem:s22], [sflag:$0x1], $0x2000, $0x38;
	[tilespmem:$0x1F800] =	vst v63  }
0x2b: {  	s10 =	rddreg [dreg:$0xb]  }
0x2c: {  	[spmem:s10] =	stream.linear.scatter [tilespmem:s22], [sflag:$0x1], $0x2000, $0x38;
	[tilespmem:$0x1F800] =	vst v63  }
0x2d: {  	s11 =	rddreg [dreg:$0xc]  }
0x2e: {  	[spmem:s11] =	stream.linear.scatter [tilespmem:s22], [sflag:$0x1], $0x2000, $0x38;
	[tilespmem:$0x1F800] =	vst v63  }
0x2f: {  	s12 =	rddreg [dreg:$0xd]  }
0x30: {  	[spmem:s12] =	stream.linear.scatter [tilespmem:s22], [sflag:$0x1], $0x2000, $0x38;
	[tilespmem:$0x1F800] =	vst v63  }
0x31: {  	_ = 	snop  }
0x32: {  	[spmem:s18] =	stream.linear.scatter [tilespmem:s22], [sflag:$0x1], $0x2000, $0x38;
	[tilespmem:$0x1F800] =	vst v63  }
0x33: {  	_ = 	snop  }
0x34: {  	[spmem:s19] =	stream.linear.scatter [tilespmem:s22], [sflag:$0x1], $0x2000, $0x38;
	[tilespmem:$0x1F800] =	vst v63  }
0x35: {  	_ = 	snop  }
0x36: {  	[spmem:s20] =	stream.linear.scatter [tilespmem:s22], [sflag:$0x1], $0x2000, $0x38;
	[tilespmem:$0x1F800] =	vst v63  }
0x37: {  	_ =	swait.ge [sflag:s23], $0x2000  }
0x38: {  	[sflag:s23] =	ssyncset.done $0x0  }
0x39: {  	[sflag:s23] =	ssyncadd.s32 $0xFFFFE000  }
0x3a: {  	_ =	swait.ge [sflag:s23], $0x2000  }
0x3b: {  	[sflag:s23] =	ssyncset.done $0x0  }
0x3c: {  	[sflag:s23] =	ssyncadd.s32 $0xFFFFE000  }
0x3d: {  	_ =	swait.ge [sflag:s23], $0x2000  }
0x3e: {  	[sflag:s23] =	ssyncset.done $0x0  }
0x3f: {  	[sflag:s23] =	ssyncadd.s32 $0xFFFFE000  }
0x40: {  	_ =	swait.ge [sflag:s23], $0x2000  }
0x41: {  	[sflag:s23] =	ssyncset.done $0x0  }
0x42: {  	[sflag:s23] =	ssyncadd.s32 $0xFFFFE000  }
0x43: {  	_ =	swait.ge [sflag:s23], $0x2000  }
0x44: {  	[sflag:s23] =	ssyncset.done $0x0  }
0x45: {  	[sflag:s23] =	ssyncadd.s32 $0xFFFFE000  }
0x46: {  	_ =	swait.ge [sflag:s23], $0x2000  }
0x47: {  	[sflag:s23] =	ssyncset.done $0x0  }
0x48: {  	[sflag:s23] =	ssyncadd.s32 $0xFFFFE000  }
0x49: {  	_ =	swait.ge [sflag:s23], $0x2000  }
0x4a: {  	[sflag:s23] =	ssyncset.done $0x0  }
0x4b: {  	[sflag:s23] =	ssyncadd.s32 $0xFFFFE000  }
0x4c: {  	_ =	swait.ge [sflag:s23], $0x2000  }
0x4d: {  	[sflag:s23] =	ssyncset.done $0x0  }
0x4e: {  	[sflag:s23] =	ssyncadd.s32 $0xFFFFE000  }
0x4f: {  	_ =	swait.ge [sflag:s23], $0x2000  }
0x50: {  	[sflag:s23] =	ssyncset.done $0x0  }
0x51: {  	[sflag:s23] =	ssyncadd.s32 $0xFFFFE000  }
0x52: {  	_ =	swait.ge [sflag:s23], $0x2000  }
0x53: {  	[sflag:s23] =	ssyncset.done $0x0  }
0x54: {  	[sflag:s23] =	ssyncadd.s32 $0xFFFFE000  }
0x55: {  	[bflag:$0x0] =	sbarrier.arrive $0xFFFF  }
0x56: {  	s13 =	simm.s32 $0x0;
	s9 =	rddreg [dreg:$0x4]  }
0x57: {  	[tilespmem:s13], [sflag:$0x9] =	stream.linear.gather [hbm4b:s9+s13], $0x300, $0x38;
	[tilespmem:$0x1F800] =	vst v63  }
0x58: {  	_ =	swait.ge [sflag:s24], $0x300  }
0x59: {  	[sflag:s24] =	ssyncset.done $0x0  }
0x5a: {  	s15 =	simm.s32 $0x800;
	s14 =	rddreg [dreg:$0x5];
	[sflag:s24] =	ssyncadd.s32 $0xFFFFFD00  }
0x5b: {  	[tilespmem:s15], [sflag:$0x9] =	stream.linear.gather [hbm4b:s14+s13], $0x300, $0x38;
	[tilespmem:$0x1F800] =	vst v63  }
0x5c: {  	_ =	swait.ge [sflag:s24], $0x300  }
0x5d: {  	p0 =	por $0x1, $0x1;
	[sflag:s24] =	ssyncset.done $0x0  }
0x5e: {  	s9 =	simm.s32 @!p0 $0x5;
	[sflag:s24] =	ssyncadd.s32 $0xFFFFFD00  }
0x5f: {  	[tilespmem:s22], [sflag:$0x1] =	stream.indirect.gather [hbm4b:s5+s26], $0x80, s13, s26, $0xb8;
	[tilespmem:$0x1F800] =	vst v63  }
0x60: {  	s8 =	sand.u32 $0x1, s13;
	_ =	swait.ge @!p0 [sflag:s9], $0x3800  }
0x61: {  	s10 =	sshll.u32 s8, $0xA;
	[sflag:s9] =	ssyncset.done @!p0 $0x0  }
0x62: {  	s11 =	sor.u32 $0x80, s10;
	[sflag:s9] =	ssyncadd.s32 @!p0 $0xFFFFC800  }
0x63: {  	[tilespmem:s28], [sflag:$0x2] =	stream.indirect.gather [hbm4b:s5+s26], $0x80, s11, s26, $0xb8;
	[tilespmem:$0x1F800] =	vst v63  }
0x64: {  	_ =	swait.ge [sflag:s23], $0x3800  }
0x65: {  	[sflag:s23] =	ssyncset.done $0x0  }
0x66: {  	s16 =	sor.u32 $0x800, s10;
	s12 =	simm.s32 @!p0 $0x6;
	[sflag:s23] =	ssyncadd.s32 $0xFFFFC800  }
0x67: {  	[spmem:s2] =	stream.indirect.scatter.add.f32 [tilespmem:s22], [sflag:$0x4], $0x80, s16, s26, $0xb8;
	[tilespmem:$0x1F800] =	vst v63  }
0x68: {  	_ =	swait.ge @!p0 [sflag:s12], $0x3800  }
0x69: {  	[sflag:s12] =	ssyncset.done @!p0 $0x0  }
0x6a: {  	s17 =	sor.u32 $0x100, s10;
	[sflag:s12] =	ssyncadd.s32 @!p0 $0xFFFFC800  }
0x6b: {  	[tilespmem:s29], [sflag:$0x3] =	stream.indirect.gather [hbm4b:s5+s26], $0x80, s17, s26, $0xb8;
	[tilespmem:$0x1F800] =	vst v63  }
0x6c: {  	_ =	swait.ge [sflag:s30], $0x3800  }
0x6d: {  	s8 =	sxor.u32 $0x1, s8;
	p0 =	por $0x0, $0x0;
	[sflag:s30] =	ssyncset.done $0x0  }
0x6e: {  	s11 =	sor.u32 $0x800, s11;
	s12 =	sshrl.u32 @!p0 s21, $0x3;
	[sflag:s30] =	ssyncadd.s32 $0xFFFFC800  }
0x6f: {  	[spmem:s2] =	stream.indirect.scatter.add.f32 [tilespmem:s28], [sflag:$0x5], $0x80, s11, s26, $0xb8;
	[tilespmem:$0x1F800] =	vst v63  }
0x70: {  	s8 =	sshll.u32 @!p0 s8, $0xA;
	s13 =	sadd.s32 @!p0 s1, s12;
	s11 =	simm.s32 @!p0 $0x0  }
0x71: {  	[tilespmem:s8], [sflag:$0x7] =	stream.linear.gather @!p0 [hbm4b:s13+s11], $0x300, $0x38;
	[tilespmem:$0x1F800] =	vst v63  }
0x72: {  	s12 =	sadd.s32 @!p0 s6, s12;
	s13 =	sor.u32 @!p0 $0x800, s8  }
0x73: {  	[tilespmem:s13], [sflag:$0x8] =	stream.linear.gather @!p0 [hbm4b:s12+s11], $0x300, $0x38;
	[tilespmem:$0x1F800] =	vst v63  }
0x74: {  	_ =	swait.ge [sflag:s31], $0x3800  }
0x75: {  	[sflag:s31] =	ssyncset.done $0x0  }
0x76: {  	s13 =	sor.u32 $0x180, s10;
	[sflag:s31] =	ssyncadd.s32 $0xFFFFC800  }
0x77: {  	[tilespmem:s22], [sflag:$0x1] =	stream.indirect.gather [hbm4b:s5+s26], $0x80, s13, s26, $0xb8;
	[tilespmem:$0x1F800] =	vst v63  }
0x78: {  	_ =	swait.ge [sflag:s0], $0x3800  }
0x79: {  	[sflag:s0] =	ssyncset.done $0x0  }
0x7a: {  	s9 =	sor.u32 $0x800, s17;
	[sflag:s0] =	ssyncadd.s32 $0xFFFFC800  }
0x7b: {  	[spmem:s2] =	stream.indirect.scatter.add.f32 [tilespmem:s29], [sflag:$0x6], $0x80, s9, s26, $0xb8;
	[tilespmem:$0x1F800] =	vst v63  }
0x7c: {  	_ =	swait.ge [sflag:s25], $0x3800  }
0x7d: {  	[sflag:s25] =	ssyncset.done $0x0  }
0x7e: {  	s14 =	sor.u32 $0x200, s10;
	[sflag:s25] =	ssyncadd.s32 $0xFFFFC800  }
0x7f: {  	[tilespmem:s28], [sflag:$0x2] =	stream.indirect.gather [hbm4b:s5+s26], $0x80, s14, s26, $0xb8;
	[tilespmem:$0x1F800] =	vst v63  }
0x80: {  	_ =	swait.ge [sflag:s23], $0x3800  }
0x81: {  	[sflag:s23] =	ssyncset.done $0x0  }
0x82: {  	s15 =	sor.u32 $0x980, s10;
	[sflag:s23] =	ssyncadd.s32 $0xFFFFC800  }
0x83: {  	[spmem:s2] =	stream.indirect.scatter.add.f32 [tilespmem:s22], [sflag:$0x4], $0x80, s15, s26, $0xb8;
	[tilespmem:$0x1F800] =	vst v63  }
0x84: {  	_ =	swait.ge [sflag:s3], $0x3800  }
0x85: {  	[sflag:s3] =	ssyncset.done $0x0  }
0x86: {  	s16 =	sor.u32 $0x280, s10;
	[sflag:s3] =	ssyncadd.s32 $0xFFFFC800  }
0x87: {  	[tilespmem:s29], [sflag:$0x3] =	stream.indirect.gather [hbm4b:s5+s26], $0x80, s16, s26, $0xb8;
	[tilespmem:$0x1F800] =	vst v63  }
0x88: {  	_ =	swait.ge [sflag:s30], $0x3800  }
0x89: {  	[sflag:s30] =	ssyncset.done $0x0  }
0x8a: {  	s17 =	sor.u32 $0xA00, s10;
	[sflag:s30] =	ssyncadd.s32 $0xFFFFC800  }
0x8b: {  	[spmem:s2] =	stream.indirect.scatter.add.f32 [tilespmem:s28], [sflag:$0x5], $0x80, s17, s26, $0xb8;
	[tilespmem:$0x1F800] =	vst v63  }
0x8c: {  	_ =	swait.ge [sflag:s31], $0x3800  }
0x8d: {  	[sflag:s31] =	ssyncset.done $0x0  }
0x8e: {  	s9 =	simm.s32 @!p0 $0x7;
	[sflag:s31] =	ssyncadd.s32 $0xFFFFC800  }
0x8f: {  	_ =	swait.ge @!p0 [sflag:s9], $0x300  }
0x90: {  	[sflag:s9] =	ssyncset.done @!p0 $0x0  }
0x91: {  	s10 =	simm.s32 @!p0 $0x8;
	[sflag:s9] =	ssyncadd.s32 @!p0 $0xFFFFFD00  }
0x92: {  	_ =	swait.ge @!p0 [sflag:s10], $0x300  }
0x93: {  	[sflag:s10] =	ssyncset.done @!p0 $0x0  }
0x94: {  	s9 =	simm.s32 @!p0 $0x70;
	[sflag:s10] =	ssyncadd.s32 @!p0 $0xFFFFFD00;
	s10 =	simm.s32 @!p0 $0x1000  }
0x95: {  	[tilespmem:s10], [sflag:$0x1] =	stream.indirect.gather @!p0 [hbm4b:s5+s9], $0x80, s8, s9, $0xb8;
	[tilespmem:$0x1F800] =	vst v63  }
0x96: {  	p1 =	por $0x0, $0x0;
	s13 =	sor.u32 $0x800, s16;
	s9 =	simm.s32 $0x1  }
0x97: {  	s10 =	simm.s32 $0x2;
	s8 =	sadd.s32 $0x400, s21;
	_ =	swait.ge [sflag:s0], $0x3800  }
.LBB2_4:
0x98: {  	s12 =	simm.s32 @!p1 $0x5  }
0x99: {  	[sflag:s0] =	ssyncset.done $0x0;
	s14 =	smov.u32 s10;
	s10 =	sadd.s32 $0x1, s10  }
0x9a: {  	s11 =	sand.u32 $0x1, s9;
	p0 =	sne.s32 s10, $0xF;
	[sflag:s0] =	ssyncadd.s32 $0xFFFFC800  }
0x9b: {  	[spmem:s2] =	stream.indirect.scatter.add.f32 [tilespmem:s29], [sflag:$0x6], $0x80, s13, s26, $0xb8;
	[tilespmem:$0x1F800] =	vst v63  }
0x9c: {  	s13 =	sxor.u32 $0x1, s11;
	s11 =	sshll.u32 s11, $0xA;
	_ =	swait.ge @!p1 [sflag:s12], $0x3800  }
0x9d: {  	s15 =	sor.u32 $0x80, s11;
	[sflag:s12] =	ssyncset.done @!p1 $0x0  }
0x9e: {  	[sflag:s12] =	ssyncadd.s32 @!p1 $0xFFFFC800  }
0x9f: {  	[tilespmem:s28], [sflag:$0x2] =	stream.indirect.gather [hbm4b:s5+s26], $0x80, s15, s26, $0xb8;
	[tilespmem:$0x1F800] =	vst v63  }
0xa0: {  	_ =	swait.ge [sflag:s23], $0x3800  }
0xa1: {  	s16 =	simm.s32 @!p1 $0x6;
	s12 =	sor.u32 $0x800, s11;
	[sflag:s23] =	ssyncset.done $0x0  }
0xa2: {  	[sflag:s23] =	ssyncadd.s32 $0xFFFFC800  }
0xa3: {  	[spmem:s2] =	stream.indirect.scatter.add.f32 [tilespmem:s22], [sflag:$0x4], $0x80, s12, s26, $0xb8;
	[tilespmem:$0x1F800] =	vst v63  }
0xa4: {  	_ =	swait.ge @!p1 [sflag:s16], $0x3800  }
0xa5: {  	s17 =	sor.u32 $0x100, s11;
	[sflag:s16] =	ssyncset.done @!p1 $0x0  }
0xa6: {  	[sflag:s16] =	ssyncadd.s32 @!p1 $0xFFFFC800  }
0xa7: {  	[tilespmem:s29], [sflag:$0x3] =	stream.indirect.gather [hbm4b:s5+s26], $0x80, s17, s26, $0xb8;
	[tilespmem:$0x1F800] =	vst v63  }
0xa8: {  	_ =	swait.ge [sflag:s30], $0x3800  }
0xa9: {  	s12 =	sor.u32 $0x800, s15;
	p1 =	seq.s32 s9, $0xE;
	[sflag:s30] =	ssyncset.done $0x0  }
0xaa: {  	s9 =	sshrl.u32 @!p1 s8, $0x3;
	s15 =	simm.s32 @!p1 $0x0;
	[sflag:s30] =	ssyncadd.s32 $0xFFFFC800  }
0xab: {  	[spmem:s2] =	stream.indirect.scatter.add.f32 [tilespmem:s28], [sflag:$0x5], $0x80, s12, s26, $0xb8;
	[tilespmem:$0x1F800] =	vst v63  }
0xac: {  	s16 =	sadd.s32 @!p1 s6, s9;
	s12 =	sshll.u32 @!p1 s13, $0xA;
	s13 =	sadd.s32 @!p1 s1, s9  }
0xad: {  	[tilespmem:s12], [sflag:$0x7] =	stream.linear.gather @!p1 [hbm4b:s13+s15], $0x300, $0x38;
	[tilespmem:$0x1F800] =	vst v63  }
0xae: {  	s9 =	smov.u32 s14;
	s13 =	sor.u32 @!p1 $0x800, s12  }
0xaf: {  	[tilespmem:s13], [sflag:$0x8] =	stream.linear.gather @!p1 [hbm4b:s16+s15], $0x300, $0x38;
	[tilespmem:$0x1F800] =	vst v63  }
0xb0: {  	_ =	swait.ge [sflag:s31], $0x3800  }
0xb1: {  	s13 =	sor.u32 $0x180, s11;
	[sflag:s31] =	ssyncset.done $0x0  }
0xb2: {  	[sflag:s31] =	ssyncadd.s32 $0xFFFFC800  }
0xb3: {  	[tilespmem:s22], [sflag:$0x1] =	stream.indirect.gather [hbm4b:s5+s26], $0x80, s13, s26, $0xb8;
	[tilespmem:$0x1F800] =	vst v63  }
0xb4: {  	_ =	swait.ge [sflag:s0], $0x3800  }
0xb5: {  	s13 =	sor.u32 $0x800, s17;
	[sflag:s0] =	ssyncset.done $0x0  }
0xb6: {  	[sflag:s0] =	ssyncadd.s32 $0xFFFFC800  }
0xb7: {  	[spmem:s2] =	stream.indirect.scatter.add.f32 [tilespmem:s29], [sflag:$0x6], $0x80, s13, s26, $0xb8;
	[tilespmem:$0x1F800] =	vst v63  }
0xb8: {  	_ =	swait.ge [sflag:s25], $0x3800  }
0xb9: {  	s13 =	sor.u32 $0x200, s11;
	[sflag:s25] =	ssyncset.done $0x0  }
0xba: {  	[sflag:s25] =	ssyncadd.s32 $0xFFFFC800  }
0xbb: {  	[tilespmem:s28], [sflag:$0x2] =	stream.indirect.gather [hbm4b:s5+s26], $0x80, s13, s26, $0xb8;
	[tilespmem:$0x1F800] =	vst v63  }
0xbc: {  	_ =	swait.ge [sflag:s23], $0x3800  }
0xbd: {  	s13 =	sor.u32 $0x980, s11;
	[sflag:s23] =	ssyncset.done $0x0  }
0xbe: {  	[sflag:s23] =	ssyncadd.s32 $0xFFFFC800  }
0xbf: {  	[spmem:s2] =	stream.indirect.scatter.add.f32 [tilespmem:s22], [sflag:$0x4], $0x80, s13, s26, $0xb8;
	[tilespmem:$0x1F800] =	vst v63  }
0xc0: {  	_ =	swait.ge [sflag:s3], $0x3800  }
0xc1: {  	s14 =	sor.u32 $0x280, s11;
	[sflag:s3] =	ssyncset.done $0x0  }
0xc2: {  	s13 =	sor.u32 $0x800, s14;
	[sflag:s3] =	ssyncadd.s32 $0xFFFFC800  }
0xc3: {  	[tilespmem:s29], [sflag:$0x3] =	stream.indirect.gather [hbm4b:s5+s26], $0x80, s14, s26, $0xb8;
	[tilespmem:$0x1F800] =	vst v63  }
0xc4: {  	_ =	swait.ge [sflag:s30], $0x3800  }
0xc5: {  	s11 =	sor.u32 $0xA00, s11;
	[sflag:s30] =	ssyncset.done $0x0  }
0xc6: {  	[sflag:s30] =	ssyncadd.s32 $0xFFFFC800  }
0xc7: {  	[spmem:s2] =	stream.indirect.scatter.add.f32 [tilespmem:s28], [sflag:$0x5], $0x80, s11, s26, $0xb8;
	[tilespmem:$0x1F800] =	vst v63  }
0xc8: {  	_ =	swait.ge [sflag:s31], $0x3800  }
0xc9: {  	s11 =	simm.s32 @!p1 $0x7;
	[sflag:s31] =	ssyncset.done $0x0  }
0xca: {  	[sflag:s31] =	ssyncadd.s32 $0xFFFFC800  }
0xcb: {  	_ =	swait.ge @!p1 [sflag:s11], $0x300  }
0xcc: {  	s14 =	simm.s32 @!p1 $0x8;
	[sflag:s11] =	ssyncset.done @!p1 $0x0  }
0xcd: {  	[sflag:s11] =	ssyncadd.s32 @!p1 $0xFFFFFD00  }
.Ltmp1:
0xce: {  	_ =	swait.ge @!p1 [sflag:s14], $0x300;
	(pc) =	sbr.rel @p0 .LBB2_4-.Ltmp1, $4  }
0xcf: {  	s15 =	simm.s32 @!p1 $0x1000;
	s11 =	simm.s32 @!p1 $0x70;
	[sflag:s14] =	ssyncset.done @!p1 $0x0  }
0xd0: {  	[sflag:s14] =	ssyncadd.s32 @!p1 $0xFFFFFD00  }
0xd1: {  	[tilespmem:s15], [sflag:$0x1] =	stream.indirect.gather @!p1 [hbm4b:s5+s11], $0x80, s12, s11, $0xb8;
	[tilespmem:$0x1F800] =	vst v63  }
0xd2: {  	s8 =	sadd.s32 $0x400, s8;
	p1 =	seq.s32 s9, $0x0;
	_ =	swait.ge [sflag:s0], $0x3800  }
0xd3: {  	[sflag:s0] =	ssyncset.done $0x0  }
0xd4: {  	s10 =	simm.s32 @!p1 $0x5;
	[sflag:s0] =	ssyncadd.s32 $0xFFFFC800  }
0xd5: {  	[spmem:s2] =	stream.indirect.scatter.add.f32 [tilespmem:s29], [sflag:$0x6], $0x80, s13, s26, $0xb8;
	[tilespmem:$0x1F800] =	vst v63  }
0xd6: {  	s11 =	sand.u32 $0x1, s9;
	_ =	swait.ge @!p1 [sflag:s10], $0x3800  }
0xd7: {  	s12 =	sshll.u32 s11, $0xA;
	[sflag:s10] =	ssyncset.done @!p1 $0x0  }
0xd8: {  	s14 =	sor.u32 $0x80, s12;
	[sflag:s10] =	ssyncadd.s32 @!p1 $0xFFFFC800  }
0xd9: {  	[tilespmem:s28], [sflag:$0x2] =	stream.indirect.gather [hbm4b:s5+s26], $0x80, s14, s26, $0xb8;
	[tilespmem:$0x1F800] =	vst v63  }
0xda: {  	_ =	swait.ge [sflag:s23], $0x3800  }
0xdb: {  	[sflag:s23] =	ssyncset.done $0x0  }
0xdc: {  	s15 =	sor.u32 $0x800, s12;
	s10 =	simm.s32 @!p1 $0x6;
	[sflag:s23] =	ssyncadd.s32 $0xFFFFC800  }
0xdd: {  	[spmem:s2] =	stream.indirect.scatter.add.f32 [tilespmem:s22], [sflag:$0x4], $0x80, s15, s26, $0xb8;
	[tilespmem:$0x1F800] =	vst v63  }
0xde: {  	_ =	swait.ge @!p1 [sflag:s10], $0x3800  }
0xdf: {  	[sflag:s10] =	ssyncset.done @!p1 $0x0  }
0xe0: {  	s16 =	sor.u32 $0x100, s12;
	[sflag:s10] =	ssyncadd.s32 @!p1 $0xFFFFC800  }
0xe1: {  	[tilespmem:s29], [sflag:$0x3] =	stream.indirect.gather [hbm4b:s5+s26], $0x80, s16, s26, $0xb8;
	[tilespmem:$0x1F800] =	vst v63  }
0xe2: {  	_ =	swait.ge [sflag:s30], $0x3800  }
0xe3: {  	p0 =	seq.s32 s9, $0xE;
	s11 =	sxor.u32 $0x1, s11;
	[sflag:s30] =	ssyncset.done $0x0  }
0xe4: {  	s8 =	sshrl.u32 @!p0 s8, $0x3;
	s17 =	sor.u32 $0x800, s14;
	[sflag:s30] =	ssyncadd.s32 $0xFFFFC800  }
0xe5: {  	[spmem:s2] =	stream.indirect.scatter.add.f32 [tilespmem:s28], [sflag:$0x5], $0x80, s17, s26, $0xb8;
	[tilespmem:$0x1F800] =	vst v63  }
0xe6: {  	s9 =	simm.s32 @!p0 $0x0;
	s11 =	sshll.u32 @!p0 s11, $0xA;
	s13 =	sadd.s32 @!p0 s1, s8  }
0xe7: {  	[tilespmem:s11], [sflag:$0x7] =	stream.linear.gather @!p0 [hbm4b:s13+s9], $0x300, $0x38;
	[tilespmem:$0x1F800] =	vst v63  }
0xe8: {  	s8 =	sadd.s32 @!p0 s6, s8;
	s13 =	sor.u32 @!p0 $0x800, s11  }
0xe9: {  	[tilespmem:s13], [sflag:$0x8] =	stream.linear.gather @!p0 [hbm4b:s8+s9], $0x300, $0x38;
	[tilespmem:$0x1F800] =	vst v63  }
0xea: {  	_ =	swait.ge [sflag:s31], $0x3800  }
0xeb: {  	[sflag:s31] =	ssyncset.done $0x0  }
0xec: {  	s13 =	sor.u32 $0x180, s12;
	[sflag:s31] =	ssyncadd.s32 $0xFFFFC800  }
0xed: {  	[tilespmem:s22], [sflag:$0x1] =	stream.indirect.gather [hbm4b:s5+s26], $0x80, s13, s26, $0xb8;
	[tilespmem:$0x1F800] =	vst v63  }
0xee: {  	_ =	swait.ge [sflag:s0], $0x3800  }
0xef: {  	[sflag:s0] =	ssyncset.done $0x0  }
0xf0: {  	s14 =	sor.u32 $0x800, s16;
	[sflag:s0] =	ssyncadd.s32 $0xFFFFC800  }
0xf1: {  	[spmem:s2] =	stream.indirect.scatter.add.f32 [tilespmem:s29], [sflag:$0x6], $0x80, s14, s26, $0xb8;
	[tilespmem:$0x1F800] =	vst v63  }
0xf2: {  	_ =	swait.ge [sflag:s25], $0x3800  }
0xf3: {  	[sflag:s25] =	ssyncset.done $0x0  }
0xf4: {  	s15 =	sor.u32 $0x200, s12;
	[sflag:s25] =	ssyncadd.s32 $0xFFFFC800  }
0xf5: {  	[tilespmem:s28], [sflag:$0x2] =	stream.indirect.gather [hbm4b:s5+s26], $0x80, s15, s26, $0xb8;
	[tilespmem:$0x1F800] =	vst v63  }
0xf6: {  	_ =	swait.ge [sflag:s23], $0x3800  }
0xf7: {  	[sflag:s23] =	ssyncset.done $0x0  }
0xf8: {  	s16 =	sor.u32 $0x980, s12;
	[sflag:s23] =	ssyncadd.s32 $0xFFFFC800  }
0xf9: {  	[spmem:s2] =	stream.indirect.scatter.add.f32 [tilespmem:s22], [sflag:$0x4], $0x80, s16, s26, $0xb8;
	[tilespmem:$0x1F800] =	vst v63  }
0xfa: {  	_ =	swait.ge [sflag:s3], $0x3800  }
0xfb: {  	[sflag:s3] =	ssyncset.done $0x0  }
0xfc: {  	s17 =	sor.u32 $0x280, s12;
	[sflag:s3] =	ssyncadd.s32 $0xFFFFC800  }
0xfd: {  	[tilespmem:s29], [sflag:$0x3] =	stream.indirect.gather [hbm4b:s5+s26], $0x80, s17, s26, $0xb8;
	[tilespmem:$0x1F800] =	vst v63  }
0xfe: {  	_ =	swait.ge [sflag:s30], $0x3800  }
0xff: {  	[sflag:s30] =	ssyncset.done $0x0  }
0x100: {  	s13 =	sor.u32 $0xA00, s12;
	[sflag:s30] =	ssyncadd.s32 $0xFFFFC800  }
0x101: {  	[spmem:s2] =	stream.indirect.scatter.add.f32 [tilespmem:s28], [sflag:$0x5], $0x80, s13, s26, $0xb8;
	[tilespmem:$0x1F800] =	vst v63  }
0x102: {  	_ =	swait.ge [sflag:s31], $0x3800  }
0x103: {  	[sflag:s31] =	ssyncset.done $0x0  }
0x104: {  	s9 =	simm.s32 @!p0 $0x7;
	[sflag:s31] =	ssyncadd.s32 $0xFFFFC800  }
0x105: {  	_ =	swait.ge @!p0 [sflag:s9], $0x300  }
0x106: {  	[sflag:s9] =	ssyncset.done @!p0 $0x0  }
0x107: {  	s10 =	simm.s32 @!p0 $0x8;
	[sflag:s9] =	ssyncadd.s32 @!p0 $0xFFFFFD00  }
0x108: {  	_ =	swait.ge @!p0 [sflag:s10], $0x300  }
0x109: {  	[sflag:s10] =	ssyncset.done @!p0 $0x0  }
0x10a: {  	s9 =	simm.s32 @!p0 $0x70;
	[sflag:s10] =	ssyncadd.s32 @!p0 $0xFFFFFD00;
	s10 =	simm.s32 @!p0 $0x1000  }
0x10b: {  	[tilespmem:s10], [sflag:$0x1] =	stream.indirect.gather @!p0 [hbm4b:s5+s9], $0x80, s11, s9, $0xb8;
	[tilespmem:$0x1F800] =	vst v63  }
0x10c: {  	_ =	swait.ge [sflag:s0], $0x3800  }
0x10d: {  	[sflag:s0] =	ssyncset.done $0x0  }
0x10e: {  	s8 =	sor.u32 $0x800, s17;
	[sflag:s0] =	ssyncadd.s32 $0xFFFFC800  }
0x10f: {  	[spmem:s2] =	stream.indirect.scatter.add.f32 [tilespmem:s29], [sflag:$0x6], $0x80, s8, s26, $0xb8;
	[tilespmem:$0x1F800] =	vst v63  }
0x110: {  	_ =	swait.ge [sflag:s25], $0x3800  }
0x111: {  	[sflag:s25] =	ssyncset.done $0x0  }
0x112: {  	[sflag:s25] =	ssyncadd.s32 $0xFFFFC800  }
0x113: {  	_ =	swait.ge [sflag:s3], $0x3800  }
0x114: {  	[sflag:s3] =	ssyncset.done $0x0  }
0x115: {  	s14 =	stileid.u32;
	[sflag:s3] =	ssyncadd.s32 $0xFFFFC800  }
0x116: {  	s8 =	sshll.u32 s14, $0x6;
	[bflag:$0x0] =	sbarrier.arrive $0xFFFF  }
0x117: {  	s15 =	sshrl.u32 s7, $0x3;
	s8 =	sor.u32 $0x1C09, s8;
	s16 =	rddreg [dreg:$0x6]  }
0x118: {  	[hbm:s16], [sflag:s8] =	dma.local [spmem:s15], $0x2800  }
0x119: {  	_ =	swait.ge [sflag:s24], $0x2800  }
0x11a: {  	s4 =	sadd.s32 $0x1, s4;
	s17 =	rddreg [dreg:$0x7]  }
0x11b: {  	p0 =	sne.s32 s4, s17  }
.Ltmp2:
0x11c: {  	_ = 	snop;
	(pc) =	sbr.rel @p0 .LBB2_1-.Ltmp2, $3  }
0x11d: {  	_ =	sdelay $0x1  }
0x11e: {  	[sflag:s24] =	ssyncset.done $0x0  }
0x11f: {  	[sflag:s24] =	ssyncadd.s32 $0xFFFFD800  }
0x120: {  	_ =	sfence.sel $0x180000  }
0x121: {  	[bflag:$0x0] =	sbarrier.arrive $0xFFFF  }
0x122: {  	_ =	strace $0x9000004A  }
0x123: {  	s0 =	stileid.u32;
	[bflag:$0x2] =	sbarrier.arrive $0xFFFF  }
0x124: {  	p0 =	sne.s32 s0, $0x0;
	s0 =	rddreg [dreg:$0x3]  }
0x125: {  	s0 =	sadd.s32 @!p0 $0x100000, s0  }
0x126: {  	[sflag:s0] =	ssyncadd.tile.s32 @!p0 $0x1;
	_ =	shalt  }
.Lfunc_end2:
_tile_overlayer_lowered:
.L_overlay_start_2:
0x127: {  	(tag) =	ssettag $0x2  }
0x128: {  	s0 =	rddreg [dreg:$0x0];
	s2 =	stileid.u32  }
0x129: {  	s1 =	rddreg [dreg:$0x1];
	p0 =	sne.s32 s2, $0x0  }
0x12a: {  	s3 =	rddreg [dreg:$0x2];
	[bflag:$0x3] =	sbarrier.arrive $0xFFFF;
	s2 =	simm.s32 @!p0 $0x1C09  }
0x12b: {  	[timem:s3], [sflag:s2] =	dma.local @!p0 [hbm:s0], s1  }
0x12c: {  	s0 =	simm.s32 @!p0 $0x9  }
0x12d: {  	_ =	swait.ge @!p0 [sflag:s0], s1  }
0x12e: {  	s1 =	ssub.s32 @!p0 $0x0, s1;
	[sflag:s0] =	ssyncset.done @!p0 $0x0  }
0x12f: {  	[sflag:s0] =	ssyncadd.s32 @!p0 s1  }
0x130: {  	[bflag:$0x3] =	sbarrier.arrive $0xFFFF  }
0x131: {  	_ =	shalt  }

</sc_bundles>
